<compile_context>
chip_gen: v7x
topology: tpu7x:2x2x1
jax: 0.10.2.dev20260603
libtpu: 0.0.44.dev20260713+nightly
codegen_flags: <defaults>
</compile_context>

<pallas_src>
import functools

import jax
import jax.numpy as jnp
from jax import lax
from jax.experimental import pallas as pl
from jax.experimental.pallas import tpu as pltpu
from jax.experimental.pallas import tpu_sc as plsc

N = 10000
E = 320000
IN = 128
H = 32
NH = 3000

NC = 2
NS = 16
NW = NC * NS
CL = 128
CW = -(-E // (NW * CL))
EP = NW * CW * CL
NP = 10112
RPT = NP // NS
TRASH = N

RB = 1000
NHB = 1000


def _proj_body(x_ref, wl_ref, wr_ref, xl_ref, xr_ref):
    xv = x_ref[...]
    xl_ref[...] = jnp.dot(xv, wl_ref[...], preferred_element_type=jnp.float32)
    xr_ref[...] = jnp.dot(xv, wr_ref[...], preferred_element_type=jnp.float32)


def _mid_body(acc_ref, cnt_ref, xr_ref, wl_ref, wr_ref, b_ref,
              hl_ref, hr_ref):
    a = acc_ref[...]
    c = cnt_ref[...]
    agg = a[0] + a[1]
    cnt = c[0, :, 0:1] + c[1, :, 0:1]
    inv = 1.0 / jnp.maximum(cnt, 1.0)
    h = jnp.maximum(agg * inv + xr_ref[...] + b_ref[...], 0.0)
    hl_ref[...] = jnp.dot(h, wl_ref[...], preferred_element_type=jnp.float32)
    hr_ref[...] = jnp.dot(h, wr_ref[...], preferred_element_type=jnp.float32)


def _fin_body(acc_ref, cnt_ref, hr_ref, b_ref, wf_ref, bf_ref, out_ref):
    a = acc_ref[...]
    c = cnt_ref[...]
    agg = a[0] + a[1]
    cnt = c[0, :, 0:1] + c[1, :, 0:1]
    inv = 1.0 / jnp.maximum(cnt, 1.0)
    h = jnp.maximum(agg * inv + hr_ref[...] + b_ref[...], 0.0)
    out_ref[...] = (
        jnp.dot(h, wf_ref[...], preferred_element_type=jnp.float32)
        + bf_ref[...]
    )


def _edge_loop(table, src_v, bufs, gsems, scatter):
    D = len(bufs)
    assert CW >= 2 * D
    for b in range(D):
        pltpu.async_copy(table.at[src_v.at[b]], bufs[b], gsems[b])
    ng = (CW - D) // D

    def group(g, carry):
        for k in range(D):
            j = D * g + k
            pltpu.make_async_copy(table.at[src_v.at[j]], bufs[k],
                                  gsems[k]).wait()
            scatter(bufs[k], j)
            pltpu.async_copy(table.at[src_v.at[j + D]], bufs[k], gsems[k])
        return carry

    lax.fori_loop(0, ng, group, 0)
    for j in range(D * ng, CW):
        pltpu.make_async_copy(table.at[src_v.at[j]], bufs[j % D],
                              gsems[j % D]).wait()
        scatter(bufs[j % D], j)
        if j + D < CW:
            pltpu.async_copy(table.at[src_v.at[j + D]], bufs[j % D],
                             gsems[j % D])


def _seg_body_counts(table, src2d, dst2d, zacc, zcnt, ones_hbm,
                     out_acc, out_cnt,
                     src_v, dst_v, b0, b1, b2, b3, b4, b5, ones_v,
                     acc_sh, cnt_sh, g0, g1, g2, g3, g4, g5):
    c = lax.axis_index("c")
    s = lax.axis_index("s")
    w = c * NS + s
    pltpu.sync_copy(zacc.at[pl.ds(s * RPT, RPT)],
                    acc_sh.at[pl.ds(s * RPT, RPT)])
    pltpu.sync_copy(zcnt.at[pl.ds(s * RPT, RPT)],
                    cnt_sh.at[pl.ds(s * RPT, RPT)])
    pltpu.sync_copy(ones_hbm, ones_v)
    pltpu.sync_copy(src2d.at[w], src_v)
    pltpu.sync_copy(dst2d.at[w], dst_v)
    plsc.subcore_barrier()
    bufs = [b0, b1, b2, b3, b4, b5]
    gsems = [g0, g1, g2, g3, g4, g5]

    def scatter(rows, j):
        pltpu.sync_copy(rows, acc_sh.at[dst_v.at[j]], add=True)
        pltpu.sync_copy(ones_v, cnt_sh.at[dst_v.at[j]], add=True)

    _edge_loop(table, src_v, bufs, gsems, scatter)
    plsc.subcore_barrier()
    pltpu.sync_copy(acc_sh.at[pl.ds(s * RPT, RPT)],
                    out_acc.at[c].at[pl.ds(s * RPT, RPT)])
    pltpu.sync_copy(cnt_sh.at[pl.ds(s * RPT, RPT)],
                    out_cnt.at[c].at[pl.ds(s * RPT, RPT)])


def _seg_body_plain(table, src2d, dst2d, zacc,
                    out_acc,
                    src_v, dst_v, b0, b1, b2, b3, b4, b5, acc_sh,
                    g0, g1, g2, g3, g4, g5):
    c = lax.axis_index("c")
    s = lax.axis_index("s")
    w = c * NS + s
    pltpu.sync_copy(zacc.at[pl.ds(s * RPT, RPT)],
                    acc_sh.at[pl.ds(s * RPT, RPT)])
    pltpu.sync_copy(src2d.at[w], src_v)
    pltpu.sync_copy(dst2d.at[w], dst_v)
    plsc.subcore_barrier()
    bufs = [b0, b1, b2, b3, b4, b5]
    gsems = [g0, g1, g2, g3, g4, g5]

    def scatter(rows, j):
        pltpu.sync_copy(rows, acc_sh.at[dst_v.at[j]], add=True)

    _edge_loop(table, src_v, bufs, gsems, scatter)
    plsc.subcore_barrier()
    pltpu.sync_copy(acc_sh.at[pl.ds(s * RPT, RPT)],
                    out_acc.at[c].at[pl.ds(s * RPT, RPT)])


def _sc_mesh():
    return plsc.VectorSubcoreMesh(core_axis_name="c", subcore_axis_name="s",
                                  num_cores=NC, num_subcores=NS)


@functools.lru_cache(maxsize=None)
def _segsum_counts_kernel():
    return pl.kernel(
        _seg_body_counts,
        out_type=[jax.ShapeDtypeStruct((NC, NP, H), jnp.float32),
                  jax.ShapeDtypeStruct((NC, NP, 16), jnp.float32)],
        mesh=_sc_mesh(),
        scratch_types=(
            [pltpu.VMEM((CW, CL), jnp.int32)] * 2
            + [pltpu.VMEM((CL, H), jnp.float32)] * 6
            + [pltpu.VMEM((CL, 16), jnp.float32)]
            + [pltpu.VMEM_SHARED((NP, H), jnp.float32),
               pltpu.VMEM_SHARED((NP, 16), jnp.float32)]
            + [pltpu.SemaphoreType.DMA] * 6
        ),
        compiler_params=pltpu.CompilerParams(use_tc_tiling_on_sc=False),
    )


@functools.lru_cache(maxsize=None)
def _segsum_plain_kernel():
    return pl.kernel(
        _seg_body_plain,
        out_type=[jax.ShapeDtypeStruct((NC, NP, H), jnp.float32)],
        mesh=_sc_mesh(),
        scratch_types=(
            [pltpu.VMEM((CW, CL), jnp.int32)] * 2
            + [pltpu.VMEM((CL, H), jnp.float32)] * 6
            + [pltpu.VMEM_SHARED((NP, H), jnp.float32)]
            + [pltpu.SemaphoreType.DMA] * 6
        ),
        compiler_params=pltpu.CompilerParams(use_tc_tiling_on_sc=False),
    )


@jax.jit
def kernel(x, edge_index, W1l, W1r, b1, W2l, W2r, b2, Wf, bf):
    src = edge_index[0].astype(jnp.int32)
    dst = edge_index[1].astype(jnp.int32)
    ppw = (EP - E) // NW
    src2d = jnp.concatenate(
        [src.reshape(NW, E // NW),
         jnp.zeros((NW, ppw), jnp.int32)], axis=1).reshape(NW, CW, CL)
    pad_dst = jnp.broadcast_to(
        TRASH + jnp.arange(ppw, dtype=jnp.int32) % (NP - N), (NW, ppw))
    dst2d = jnp.concatenate(
        [dst.reshape(NW, E // NW), pad_dst], axis=1).reshape(NW, CW, CL)
    zacc = jnp.zeros((NP, H), jnp.float32)
    zcnt = jnp.zeros((NP, 16), jnp.float32)
    ones = jnp.ones((CL, 16), jnp.float32)
    b1r = b1.reshape(1, H)
    b2r = b2.reshape(1, H)
    bfr = bf.reshape(1, NH)

    xl, xr = pl.pallas_call(
        _proj_body,
        grid=(N // RB,),
        in_specs=[
            pl.BlockSpec((RB, IN), lambda i: (i, 0)),
            pl.BlockSpec((IN, H), lambda i: (0, 0)),
            pl.BlockSpec((IN, H), lambda i: (0, 0)),
        ],
        out_specs=[pl.BlockSpec((RB, H), lambda i: (i, 0))] * 2,
        out_shape=[jax.ShapeDtypeStruct((N, H), jnp.float32)] * 2,
    )(x, W1l, W1r)

    acc1, cnt = _segsum_counts_kernel()(xl, src2d, dst2d, zacc, zcnt, ones)

    h1l, h1r = pl.pallas_call(
        _mid_body,
        grid=(N // RB,),
        in_specs=[
            pl.BlockSpec((NC, RB, H), lambda i: (0, i, 0)),
            pl.BlockSpec((NC, RB, 16), lambda i: (0, i, 0)),
            pl.BlockSpec((RB, H), lambda i: (i, 0)),
            pl.BlockSpec((H, H), lambda i: (0, 0)),
            pl.BlockSpec((H, H), lambda i: (0, 0)),
            pl.BlockSpec((1, H), lambda i: (0, 0)),
        ],
        out_specs=[pl.BlockSpec((RB, H), lambda i: (i, 0))] * 2,
        out_shape=[jax.ShapeDtypeStruct((N, H), jnp.float32)] * 2,
    )(acc1, cnt, xr, W2l, W2r, b1r)

    (acc2,) = _segsum_plain_kernel()(h1l, src2d, dst2d, zacc)

    out = pl.pallas_call(
        _fin_body,
        grid=(N // RB,),
        in_specs=[
            pl.BlockSpec((NC, RB, H), lambda i: (0, i, 0)),
            pl.BlockSpec((NC, RB, 16), lambda i: (0, i, 0)),
            pl.BlockSpec((RB, H), lambda i: (i, 0)),
            pl.BlockSpec((1, H), lambda i: (0, 0)),
            pl.BlockSpec((H, NH), lambda i: (0, 0)),
            pl.BlockSpec((1, NH), lambda i: (0, 0)),
        ],
        out_specs=pl.BlockSpec((RB, NH), lambda i: (i, 0)),
        out_shape=jax.ShapeDtypeStruct((N, NH), jnp.float32),
    )(acc2, cnt, h1r, b2r, Wf, bfr)

    return out

# --- scband reference (transcript-rebuilt; emitter-appended) ---
"""Pipeline reference for scband-household-assignment-gnn-8770323218930 (READ-ONLY COPY).

The authoritative reference and input builder live on the scoring server;
editing this copy changes nothing except your own understanding.
"""

import jax, jax.numpy as jnp
import numpy as np

N = 10000
E = 320000
IN = 128
H = 32
NH = 3000


def setup_inputs(seed: int = 0) -> dict:
    key = jax.random.key(seed)
    ks = jax.random.split(key, 12)
    x = jax.random.normal(ks[0], (N, IN), dtype=jnp.float32)
    edge_index = jax.random.randint(ks[1], (2, E), 0, N)
    # SAGEConv params (PyG-style: out = lin_l(mean_aggr) + lin_r(x_root))
    W1l = jax.random.normal(ks[2], (IN, H), dtype=jnp.float32) * 0.05
    W1r = jax.random.normal(ks[3], (IN, H), dtype=jnp.float32) * 0.05
    b1 = jnp.zeros((H,), dtype=jnp.float32)
    W2l = jax.random.normal(ks[4], (H, H), dtype=jnp.float32) * 0.1
    W2r = jax.random.normal(ks[5], (H, H), dtype=jnp.float32) * 0.1
    b2 = jnp.zeros((H,), dtype=jnp.float32)
    Wf = jax.random.normal(ks[6], (H, NH), dtype=jnp.float32) * 0.1
    bf = jnp.zeros((NH,), dtype=jnp.float32)
    return {"x": x, "edge_index": edge_index, "W1l": W1l, "W1r": W1r, "b1": b1,
            "W2l": W2l, "W2r": W2r, "b2": b2, "Wf": Wf, "bf": bf}


def _sage_conv(x, edge_index, Wl, Wr, b):
    src = edge_index[0]
    dst = edge_index[1]
    msgs = jnp.take(x, src, axis=0)
    agg = jax.ops.segment_sum(msgs, dst, num_segments=N)
    cnt = jax.ops.segment_sum(jnp.ones((E,), dtype=x.dtype), dst, num_segments=N)
    mean = agg / jnp.clip(cnt, 1.0)[:, None]
    return mean @ Wl + x @ Wr + b


def reference(x, edge_index, W1l, W1r, b1, W2l, W2r, b2, Wf, bf):
    h = jax.nn.relu(_sage_conv(x, edge_index, W1l, W1r, b1))
    h = jax.nn.relu(_sage_conv(h, edge_index, W2l, W2r, b2))
    out = h @ Wf + bf
    return out

if __name__ == "__main__":
    import jax
    _d = setup_inputs()
    print(jax.jit(kernel)(*tuple(_d.values())))

</pallas_src>

<mosaic_0001>
#map = affine_map<(d0, d1) -> (0, 0)>
#map1 = affine_map<(d0, d1) -> (0, 0, 0)>
module attributes {stable_mosaic.version = 14 : i64} {
  func.func @_seg_body_plain(%arg0: i32, %arg1: i32, %arg2: memref<10000x32xf32, #tpu.memory_space<hbm>>, %arg3: memref<32x79x128xi32, #tpu.memory_space<hbm>>, %arg4: memref<32x79x128xi32, #tpu.memory_space<hbm>>, %arg5: memref<10112x32xf32, #tpu.memory_space<hbm>>, %arg6: memref<2x10112x32xf32, #tpu.memory_space<hbm>>, %arg7: memref<79x128xi32, #tpu.memory_space<vmem>>, %arg8: memref<79x128xi32, #tpu.memory_space<vmem>>, %arg9: memref<128x32xf32, #tpu.memory_space<vmem>>, %arg10: memref<128x32xf32, #tpu.memory_space<vmem>>, %arg11: memref<128x32xf32, #tpu.memory_space<vmem>>, %arg12: memref<128x32xf32, #tpu.memory_space<vmem>>, %arg13: memref<128x32xf32, #tpu.memory_space<vmem>>, %arg14: memref<128x32xf32, #tpu.memory_space<vmem>>, %arg15: memref<10112x32xf32, #tpu.memory_space<vmem_shared>>, %arg16: memref<!tpu.dma_semaphore, #tpu.memory_space<semaphore_mem>>, %arg17: memref<!tpu.dma_semaphore, #tpu.memory_space<semaphore_mem>>, %arg18: memref<!tpu.dma_semaphore, #tpu.memory_space<semaphore_mem>>, %arg19: memref<!tpu.dma_semaphore, #tpu.memory_space<semaphore_mem>>, %arg20: memref<!tpu.dma_semaphore, #tpu.memory_space<semaphore_mem>>, %arg21: memref<!tpu.dma_semaphore, #tpu.memory_space<semaphore_mem>>) attributes {dimension_semantics = [#tpu.dimension_semantics<core_parallel>, #tpu.dimension_semantics<subcore_parallel>], iteration_bounds = array<i64: 2, 16>, scalar_prefetch = 0 : i64, scratch_operands = 15 : i64, tpu.core_type = #tpu.core_type<sc_vector_subcore>, window_params = [{transform_indices = #map}, {transform_indices = #map1}, {transform_indices = #map1}, {transform_indices = #map}, {transform_indices = #map1}]} {
    %mul3A = arith.constant 16 : i32
    %mul3A_0 = arith.muli %arg0, %mul3A : i32
    %add3A = arith.addi %mul3A_0, %arg1 : i32
    %mul3A_1 = arith.constant 632 : i32
    %mul3A_2 = arith.muli %arg1, %mul3A_1 : i32
    %mul3A_3 = arith.constant 632 : i32
    %mul3A_4 = arith.muli %arg1, %mul3A_3 : i32
    "tpu.region"() ({
      %run_scoped3A_117 = tpu.sem_alloc : memref<!tpu.dma_semaphore, #tpu.memory_space<semaphore_mem>>
      %dma_start3A_118 = arith.constant 0 : i32
      %dma_start3A_119 = tpu.memref_slice %arg15[%mul3A_4, %dma_start3A_118] : memref<10112x32xf32, #tpu.memory_space<vmem_shared>> -> memref<632x32xf32, #tpu.memory_space<vmem_shared>>
      %dma_start3A_120 = arith.constant 0 : i32
      %dma_start3A_121 = tpu.memref_slice %arg5[%mul3A_2, %dma_start3A_120] : memref<10112x32xf32, #tpu.memory_space<hbm>> -> memref<632x32xf32, #tpu.memory_space<hbm>>
      tpu.enqueue_dma source(%dma_start3A_121 : memref<632x32xf32, #tpu.memory_space<hbm>>) target(%dma_start3A_119 : memref<632x32xf32, #tpu.memory_space<vmem_shared>>) target_semaphore(%run_scoped3A_117 : memref<!tpu.dma_semaphore, #tpu.memory_space<semaphore_mem>>)
      %dma_wait3A_122 = arith.constant 0 : i32
      %dma_wait3A_123 = tpu.memref_slice %arg15[%mul3A_4, %dma_wait3A_122] : memref<10112x32xf32, #tpu.memory_space<vmem_shared>> -> memref<632x32xf32, #tpu.memory_space<vmem_shared>>
      %dma_wait3A_124 = arith.constant 0 : i32
      %dma_wait3A_125 = tpu.memref_slice %arg5[%mul3A_2, %dma_wait3A_124] : memref<10112x32xf32, #tpu.memory_space<hbm>> -> memref<632x32xf32, #tpu.memory_space<hbm>>
      tpu.wait_dma2 semaphore(%run_scoped3A_117 : memref<!tpu.dma_semaphore, #tpu.memory_space<semaphore_mem>>) src(%dma_wait3A_125 : memref<632x32xf32, #tpu.memory_space<hbm>>) dst(%dma_wait3A_123 : memref<632x32xf32, #tpu.memory_space<vmem_shared>>)
      tpu.yield
    }) : () -> ()
    "tpu.region"() ({
      %run_scoped3A_117 = tpu.sem_alloc : memref<!tpu.dma_semaphore, #tpu.memory_space<semaphore_mem>>
      %dma_start3A_118 = arith.constant 0 : i32
      %dma_start3A_119 = arith.constant 0 : i32
      %dma_start3A_120 = tpu.memref_slice %arg3[%add3A, %dma_start3A_118, %dma_start3A_119] : memref<32x79x128xi32, #tpu.memory_space<hbm>> -> memref<1x79x128xi32, #tpu.memory_space<hbm>>
      %dma_start3A_121 = tpu.memref_squeeze %dma_start3A_120 : memref<1x79x128xi32, #tpu.memory_space<hbm>> -> memref<79x128xi32, #tpu.memory_space<hbm>>
      %dma_start3A_122 = arith.constant 0 : i32
      %dma_start3A_123 = arith.constant 0 : i32
      %dma_start3A_124 = tpu.memref_slice %arg3[%add3A, %dma_start3A_122, %dma_start3A_123] : memref<32x79x128xi32, #tpu.memory_space<hbm>> -> memref<1x79x128xi32, #tpu.memory_space<hbm>>
      %dma_start3A_125 = tpu.memref_squeeze %dma_start3A_124 : memref<1x79x128xi32, #tpu.memory_space<hbm>> -> memref<79x128xi32, #tpu.memory_space<hbm>>
      tpu.enqueue_dma source(%dma_start3A_125 : memref<79x128xi32, #tpu.memory_space<hbm>>) target(%arg7 : memref<79x128xi32, #tpu.memory_space<vmem>>) target_semaphore(%run_scoped3A_117 : memref<!tpu.dma_semaphore, #tpu.memory_space<semaphore_mem>>)
      %dma_wait3A_126 = arith.constant 0 : i32
      %dma_wait3A_127 = arith.constant 0 : i32
      %dma_wait3A_128 = tpu.memref_slice %arg3[%add3A, %dma_wait3A_126, %dma_wait3A_127] : memref<32x79x128xi32, #tpu.memory_space<hbm>> -> memref<1x79x128xi32, #tpu.memory_space<hbm>>
      %dma_wait3A_129 = tpu.memref_squeeze %dma_wait3A_128 : memref<1x79x128xi32, #tpu.memory_space<hbm>> -> memref<79x128xi32, #tpu.memory_space<hbm>>
      %dma_wait3A_130 = arith.constant 0 : i32
      %dma_wait3A_131 = arith.constant 0 : i32
      %dma_wait3A_132 = tpu.memref_slice %arg3[%add3A, %dma_wait3A_130, %dma_wait3A_131] : memref<32x79x128xi32, #tpu.memory_space<hbm>> -> memref<1x79x128xi32, #tpu.memory_space<hbm>>
      %dma_wait3A_133 = tpu.memref_squeeze %dma_wait3A_132 : memref<1x79x128xi32, #tpu.memory_space<hbm>> -> memref<79x128xi32, #tpu.memory_space<hbm>>
      tpu.wait_dma2 semaphore(%run_scoped3A_117 : memref<!tpu.dma_semaphore, #tpu.memory_space<semaphore_mem>>) src(%dma_wait3A_133 : memref<79x128xi32, #tpu.memory_space<hbm>>) dst(%arg7 : memref<79x128xi32, #tpu.memory_space<vmem>>)
      tpu.yield
    }) : () -> ()
    "tpu.region"() ({
      %run_scoped3A_117 = tpu.sem_alloc : memref<!tpu.dma_semaphore, #tpu.memory_space<semaphore_mem>>
      %dma_start3A_118 = arith.constant 0 : i32
      %dma_start3A_119 = arith.constant 0 : i32
      %dma_start3A_120 = tpu.memref_slice %arg4[%add3A, %dma_start3A_118, %dma_start3A_119] : memref<32x79x128xi32, #tpu.memory_space<hbm>> -> memref<1x79x128xi32, #tpu.memory_space<hbm>>
      %dma_start3A_121 = tpu.memref_squeeze %dma_start3A_120 : memref<1x79x128xi32, #tpu.memory_space<hbm>> -> memref<79x128xi32, #tpu.memory_space<hbm>>
      %dma_start3A_122 = arith.constant 0 : i32
      %dma_start3A_123 = arith.constant 0 : i32
      %dma_start3A_124 = tpu.memref_slice %arg4[%add3A, %dma_start3A_122, %dma_start3A_123] : memref<32x79x128xi32, #tpu.memory_space<hbm>> -> memref<1x79x128xi32, #tpu.memory_space<hbm>>
      %dma_start3A_125 = tpu.memref_squeeze %dma_start3A_124 : memref<1x79x128xi32, #tpu.memory_space<hbm>> -> memref<79x128xi32, #tpu.memory_space<hbm>>
      tpu.enqueue_dma source(%dma_start3A_125 : memref<79x128xi32, #tpu.memory_space<hbm>>) target(%arg8 : memref<79x128xi32, #tpu.memory_space<vmem>>) target_semaphore(%run_scoped3A_117 : memref<!tpu.dma_semaphore, #tpu.memory_space<semaphore_mem>>)
      %dma_wait3A_126 = arith.constant 0 : i32
      %dma_wait3A_127 = arith.constant 0 : i32
      %dma_wait3A_128 = tpu.memref_slice %arg4[%add3A, %dma_wait3A_126, %dma_wait3A_127] : memref<32x79x128xi32, #tpu.memory_space<hbm>> -> memref<1x79x128xi32, #tpu.memory_space<hbm>>
      %dma_wait3A_129 = tpu.memref_squeeze %dma_wait3A_128 : memref<1x79x128xi32, #tpu.memory_space<hbm>> -> memref<79x128xi32, #tpu.memory_space<hbm>>
      %dma_wait3A_130 = arith.constant 0 : i32
      %dma_wait3A_131 = arith.constant 0 : i32
      %dma_wait3A_132 = tpu.memref_slice %arg4[%add3A, %dma_wait3A_130, %dma_wait3A_131] : memref<32x79x128xi32, #tpu.memory_space<hbm>> -> memref<1x79x128xi32, #tpu.memory_space<hbm>>
      %dma_wait3A_133 = tpu.memref_squeeze %dma_wait3A_132 : memref<1x79x128xi32, #tpu.memory_space<hbm>> -> memref<79x128xi32, #tpu.memory_space<hbm>>
      tpu.wait_dma2 semaphore(%run_scoped3A_117 : memref<!tpu.dma_semaphore, #tpu.memory_space<semaphore_mem>>) src(%dma_wait3A_133 : memref<79x128xi32, #tpu.memory_space<hbm>>) dst(%arg8 : memref<79x128xi32, #tpu.memory_space<vmem>>)
      tpu.yield
    }) : () -> ()
    %barrier3A = arith.constant 0 : index
    tpu.barrier barrier_id(%barrier3A)
    %dma_start3A = arith.constant 0 : i32
    %dma_start3A_5 = arith.constant 0 : i32
    %dma_start3A_6 = tpu.memref_slice %arg7[%dma_start3A, %dma_start3A_5] : memref<79x128xi32, #tpu.memory_space<vmem>> -> memref<1x128xi32, #tpu.memory_space<vmem>>
    %dma_start3A_7 = tpu.memref_squeeze %dma_start3A_6 : memref<1x128xi32, #tpu.memory_space<vmem>> -> memref<128xi32, #tpu.memory_space<vmem>>
    %dma_start3A_8 = arith.constant 0 : i32
    %dma_start3A_9 = arith.constant 0 : i32
    %dma_start3A_10 = tpu.memref_slice %arg2[%dma_start3A_8, %dma_start3A_9] : memref<10000x32xf32, #tpu.memory_space<hbm>> -> memref<10000x32xf32, #tpu.memory_space<hbm>>
    tpu.enqueue_indirect_dma source(%dma_start3A_10 : memref<10000x32xf32, #tpu.memory_space<hbm>>) target(%arg9 : memref<128x32xf32, #tpu.memory_space<vmem>>) offsets(%dma_start3A_7 : memref<128xi32, #tpu.memory_space<vmem>>) semaphore(%arg16 : memref<!tpu.dma_semaphore, #tpu.memory_space<semaphore_mem>>)
    %dma_start3A_11 = arith.constant 1 : i32
    %dma_start3A_12 = arith.constant 0 : i32
    %dma_start3A_13 = tpu.memref_slice %arg7[%dma_start3A_11, %dma_start3A_12] : memref<79x128xi32, #tpu.memory_space<vmem>> -> memref<1x128xi32, #tpu.memory_space<vmem>>
    %dma_start3A_14 = tpu.memref_squeeze %dma_start3A_13 : memref<1x128xi32, #tpu.memory_space<vmem>> -> memref<128xi32, #tpu.memory_space<vmem>>
    %dma_start3A_15 = arith.constant 0 : i32
    %dma_start3A_16 = arith.constant 0 : i32
    %dma_start3A_17 = tpu.memref_slice %arg2[%dma_start3A_15, %dma_start3A_16] : memref<10000x32xf32, #tpu.memory_space<hbm>> -> memref<10000x32xf32, #tpu.memory_space<hbm>>
    tpu.enqueue_indirect_dma source(%dma_start3A_17 : memref<10000x32xf32, #tpu.memory_space<hbm>>) target(%arg10 : memref<128x32xf32, #tpu.memory_space<vmem>>) offsets(%dma_start3A_14 : memref<128xi32, #tpu.memory_space<vmem>>) semaphore(%arg17 : memref<!tpu.dma_semaphore, #tpu.memory_space<semaphore_mem>>)
    %dma_start3A_18 = arith.constant 2 : i32
    %dma_start3A_19 = arith.constant 0 : i32
    %dma_start3A_20 = tpu.memref_slice %arg7[%dma_start3A_18, %dma_start3A_19] : memref<79x128xi32, #tpu.memory_space<vmem>> -> memref<1x128xi32, #tpu.memory_space<vmem>>
    %dma_start3A_21 = tpu.memref_squeeze %dma_start3A_20 : memref<1x128xi32, #tpu.memory_space<vmem>> -> memref<128xi32, #tpu.memory_space<vmem>>
    %dma_start3A_22 = arith.constant 0 : i32
    %dma_start3A_23 = arith.constant 0 : i32
    %dma_start3A_24 = tpu.memref_slice %arg2[%dma_start3A_22, %dma_start3A_23] : memref<10000x32xf32, #tpu.memory_space<hbm>> -> memref<10000x32xf32, #tpu.memory_space<hbm>>
    tpu.enqueue_indirect_dma source(%dma_start3A_24 : memref<10000x32xf32, #tpu.memory_space<hbm>>) target(%arg11 : memref<128x32xf32, #tpu.memory_space<vmem>>) offsets(%dma_start3A_21 : memref<128xi32, #tpu.memory_space<vmem>>) semaphore(%arg18 : memref<!tpu.dma_semaphore, #tpu.memory_space<semaphore_mem>>)
    %dma_start3A_25 = arith.constant 3 : i32
    %dma_start3A_26 = arith.constant 0 : i32
    %dma_start3A_27 = tpu.memref_slice %arg7[%dma_start3A_25, %dma_start3A_26] : memref<79x128xi32, #tpu.memory_space<vmem>> -> memref<1x128xi32, #tpu.memory_space<vmem>>
    %dma_start3A_28 = tpu.memref_squeeze %dma_start3A_27 : memref<1x128xi32, #tpu.memory_space<vmem>> -> memref<128xi32, #tpu.memory_space<vmem>>
    %dma_start3A_29 = arith.constant 0 : i32
    %dma_start3A_30 = arith.constant 0 : i32
    %dma_start3A_31 = tpu.memref_slice %arg2[%dma_start3A_29, %dma_start3A_30] : memref<10000x32xf32, #tpu.memory_space<hbm>> -> memref<10000x32xf32, #tpu.memory_space<hbm>>
    tpu.enqueue_indirect_dma source(%dma_start3A_31 : memref<10000x32xf32, #tpu.memory_space<hbm>>) target(%arg12 : memref<128x32xf32, #tpu.memory_space<vmem>>) offsets(%dma_start3A_28 : memref<128xi32, #tpu.memory_space<vmem>>) semaphore(%arg19 : memref<!tpu.dma_semaphore, #tpu.memory_space<semaphore_mem>>)
    %dma_start3A_32 = arith.constant 4 : i32
    %dma_start3A_33 = arith.constant 0 : i32
    %dma_start3A_34 = tpu.memref_slice %arg7[%dma_start3A_32, %dma_start3A_33] : memref<79x128xi32, #tpu.memory_space<vmem>> -> memref<1x128xi32, #tpu.memory_space<vmem>>
    %dma_start3A_35 = tpu.memref_squeeze %dma_start3A_34 : memref<1x128xi32, #tpu.memory_space<vmem>> -> memref<128xi32, #tpu.memory_space<vmem>>
    %dma_start3A_36 = arith.constant 0 : i32
    %dma_start3A_37 = arith.constant 0 : i32
    %dma_start3A_38 = tpu.memref_slice %arg2[%dma_start3A_36, %dma_start3A_37] : memref<10000x32xf32, #tpu.memory_space<hbm>> -> memref<10000x32xf32, #tpu.memory_space<hbm>>
    tpu.enqueue_indirect_dma source(%dma_start3A_38 : memref<10000x32xf32, #tpu.memory_space<hbm>>) target(%arg13 : memref<128x32xf32, #tpu.memory_space<vmem>>) offsets(%dma_start3A_35 : memref<128xi32, #tpu.memory_space<vmem>>) semaphore(%arg20 : memref<!tpu.dma_semaphore, #tpu.memory_space<semaphore_mem>>)
    %dma_start3A_39 = arith.constant 5 : i32
    %dma_start3A_40 = arith.constant 0 : i32
    %dma_start3A_41 = tpu.memref_slice %arg7[%dma_start3A_39, %dma_start3A_40] : memref<79x128xi32, #tpu.memory_space<vmem>> -> memref<1x128xi32, #tpu.memory_space<vmem>>
    %dma_start3A_42 = tpu.memref_squeeze %dma_start3A_41 : memref<1x128xi32, #tpu.memory_space<vmem>> -> memref<128xi32, #tpu.memory_space<vmem>>
    %dma_start3A_43 = arith.constant 0 : i32
    %dma_start3A_44 = arith.constant 0 : i32
    %dma_start3A_45 = tpu.memref_slice %arg2[%dma_start3A_43, %dma_start3A_44] : memref<10000x32xf32, #tpu.memory_space<hbm>> -> memref<10000x32xf32, #tpu.memory_space<hbm>>
    tpu.enqueue_indirect_dma source(%dma_start3A_45 : memref<10000x32xf32, #tpu.memory_space<hbm>>) target(%arg14 : memref<128x32xf32, #tpu.memory_space<vmem>>) offsets(%dma_start3A_42 : memref<128xi32, #tpu.memory_space<vmem>>) semaphore(%arg21 : memref<!tpu.dma_semaphore, #tpu.memory_space<semaphore_mem>>)
    %scan3A = arith.constant 0 : i32
    %scan3A_46 = arith.constant 0 : i32
    %scan3A_47 = arith.constant 12 : i32
    %scan3A_48 = arith.addi %scan3A_46, %scan3A_47 : i32
    %scan3A_49 = arith.constant 1 : i32
    scf.for %scan3A_117 = %scan3A_46 to %scan3A_48 step %scan3A_49  : i32 {
      %mul3A_118 = arith.constant 6 : i32
      %mul3A_119 = arith.muli %mul3A_118, %scan3A_117 : i32
      %add3A_120 = arith.constant 0 : i32
      %add3A_121 = arith.addi %mul3A_119, %add3A_120 : i32
      %dma_wait3A_122 = arith.constant 0 : i32
      %dma_wait3A_123 = tpu.memref_slice %arg7[%add3A_121, %dma_wait3A_122] : memref<79x128xi32, #tpu.memory_space<vmem>> -> memref<1x128xi32, #tpu.memory_space<vmem>>
      %dma_wait3A_124 = tpu.memref_squeeze %dma_wait3A_123 : memref<1x128xi32, #tpu.memory_space<vmem>> -> memref<128xi32, #tpu.memory_space<vmem>>
      %dma_wait3A_125 = arith.constant 0 : i32
      %dma_wait3A_126 = arith.constant 0 : i32
      %dma_wait3A_127 = tpu.memref_slice %arg2[%dma_wait3A_125, %dma_wait3A_126] : memref<10000x32xf32, #tpu.memory_space<hbm>> -> memref<10000x32xf32, #tpu.memory_space<hbm>>
      tpu.wait_indirect_dma semaphore(%arg16 : memref<!tpu.dma_semaphore, #tpu.memory_space<semaphore_mem>>) src(%dma_wait3A_127 : memref<10000x32xf32, #tpu.memory_space<hbm>>) dst(%arg9 : memref<128x32xf32, #tpu.memory_space<vmem>>)
      "tpu.region"() ({
        %run_scoped3A_226 = tpu.sem_alloc : memref<!tpu.dma_semaphore, #tpu.memory_space<semaphore_mem>>
        %dma_start3A_227 = arith.constant 0 : i32
        %dma_start3A_228 = tpu.memref_slice %arg8[%add3A_121, %dma_start3A_227] : memref<79x128xi32, #tpu.memory_space<vmem>> -> memref<1x128xi32, #tpu.memory_space<vmem>>
        %dma_start3A_229 = tpu.memref_squeeze %dma_start3A_228 : memref<1x128xi32, #tpu.memory_space<vmem>> -> memref<128xi32, #tpu.memory_space<vmem>>
        %dma_start3A_230 = arith.constant 0 : i32
        %dma_start3A_231 = arith.constant 0 : i32
        %dma_start3A_232 = tpu.memref_slice %arg15[%dma_start3A_230, %dma_start3A_231] : memref<10112x32xf32, #tpu.memory_space<vmem_shared>> -> memref<10112x32xf32, #tpu.memory_space<vmem_shared>>
        tpu.enqueue_indirect_dma source(%arg9 : memref<128x32xf32, #tpu.memory_space<vmem>>) target(%dma_start3A_232 : memref<10112x32xf32, #tpu.memory_space<vmem_shared>>) offsets(%dma_start3A_229 : memref<128xi32, #tpu.memory_space<vmem>>) semaphore(%run_scoped3A_226 : memref<!tpu.dma_semaphore, #tpu.memory_space<semaphore_mem>>) {add = true}
        %dma_wait3A_233 = arith.constant 0 : i32
        %dma_wait3A_234 = tpu.memref_slice %arg8[%add3A_121, %dma_wait3A_233] : memref<79x128xi32, #tpu.memory_space<vmem>> -> memref<1x128xi32, #tpu.memory_space<vmem>>
        %dma_wait3A_235 = tpu.memref_squeeze %dma_wait3A_234 : memref<1x128xi32, #tpu.memory_space<vmem>> -> memref<128xi32, #tpu.memory_space<vmem>>
        %dma_wait3A_236 = arith.constant 0 : i32
        %dma_wait3A_237 = arith.constant 0 : i32
        %dma_wait3A_238 = tpu.memref_slice %arg15[%dma_wait3A_236, %dma_wait3A_237] : memref<10112x32xf32, #tpu.memory_space<vmem_shared>> -> memref<10112x32xf32, #tpu.memory_space<vmem_shared>>
        tpu.wait_indirect_dma semaphore(%run_scoped3A_226 : memref<!tpu.dma_semaphore, #tpu.memory_space<semaphore_mem>>) src(%arg9 : memref<128x32xf32, #tpu.memory_space<vmem>>) dst(%dma_wait3A_238 : memref<10112x32xf32, #tpu.memory_space<vmem_shared>>)
        tpu.yield
      }) : () -> ()
      %add3A_128 = arith.constant 6 : i32
      %add3A_129 = arith.addi %add3A_121, %add3A_128 : i32
      %dma_start3A_130 = arith.constant 0 : i32
      %dma_start3A_131 = tpu.memref_slice %arg7[%add3A_129, %dma_start3A_130] : memref<79x128xi32, #tpu.memory_space<vmem>> -> memref<1x128xi32, #tpu.memory_space<vmem>>
      %dma_start3A_132 = tpu.memref_squeeze %dma_start3A_131 : memref<1x128xi32, #tpu.memory_space<vmem>> -> memref<128xi32, #tpu.memory_space<vmem>>
      %dma_start3A_133 = arith.constant 0 : i32
      %dma_start3A_134 = arith.constant 0 : i32
      %dma_start3A_135 = tpu.memref_slice %arg2[%dma_start3A_133, %dma_start3A_134] : memref<10000x32xf32, #tpu.memory_space<hbm>> -> memref<10000x32xf32, #tpu.memory_space<hbm>>
      tpu.enqueue_indirect_dma source(%dma_start3A_135 : memref<10000x32xf32, #tpu.memory_space<hbm>>) target(%arg9 : memref<128x32xf32, #tpu.memory_space<vmem>>) offsets(%dma_start3A_132 : memref<128xi32, #tpu.memory_space<vmem>>) semaphore(%arg16 : memref<!tpu.dma_semaphore, #tpu.memory_space<semaphore_mem>>)
      %mul3A_136 = arith.constant 6 : i32
      %mul3A_137 = arith.muli %mul3A_136, %scan3A_117 : i32
      %add3A_138 = arith.constant 1 : i32
      %add3A_139 = arith.addi %mul3A_137, %add3A_138 : i32
      %dma_wait3A_140 = arith.constant 0 : i32
      %dma_wait3A_141 = tpu.memref_slice %arg7[%add3A_139, %dma_wait3A_140] : memref<79x128xi32, #tpu.memory_space<vmem>> -> memref<1x128xi32, #tpu.memory_space<vmem>>
      %dma_wait3A_142 = tpu.memref_squeeze %dma_wait3A_141 : memref<1x128xi32, #tpu.memory_space<vmem>> -> memref<128xi32, #tpu.memory_space<vmem>>
      %dma_wait3A_143 = arith.constant 0 : i32
      %dma_wait3A_144 = arith.constant 0 : i32
      %dma_wait3A_145 = tpu.memref_slice %arg2[%dma_wait3A_143, %dma_wait3A_144] : memref<10000x32xf32, #tpu.memory_space<hbm>> -> memref<10000x32xf32, #tpu.memory_space<hbm>>
      tpu.wait_indirect_dma semaphore(%arg17 : memref<!tpu.dma_semaphore, #tpu.memory_space<semaphore_mem>>) src(%dma_wait3A_145 : memref<10000x32xf32, #tpu.memory_space<hbm>>) dst(%arg10 : memref<128x32xf32, #tpu.memory_space<vmem>>)
      "tpu.region"() ({
        %run_scoped3A_226 = tpu.sem_alloc : memref<!tpu.dma_semaphore, #tpu.memory_space<semaphore_mem>>
        %dma_start3A_227 = arith.constant 0 : i32
        %dma_start3A_228 = tpu.memref_slice %arg8[%add3A_139, %dma_start3A_227] : memref<79x128xi32, #tpu.memory_space<vmem>> -> memref<1x128xi32, #tpu.memory_space<vmem>>
        %dma_start3A_229 = tpu.memref_squeeze %dma_start3A_228 : memref<1x128xi32, #tpu.memory_space<vmem>> -> memref<128xi32, #tpu.memory_space<vmem>>
        %dma_start3A_230 = arith.constant 0 : i32
        %dma_start3A_231 = arith.constant 0 : i32
        %dma_start3A_232 = tpu.memref_slice %arg15[%dma_start3A_230, %dma_start3A_231] : memref<10112x32xf32, #tpu.memory_space<vmem_shared>> -> memref<10112x32xf32, #tpu.memory_space<vmem_shared>>
        tpu.enqueue_indirect_dma source(%arg10 : memref<128x32xf32, #tpu.memory_space<vmem>>) target(%dma_start3A_232 : memref<10112x32xf32, #tpu.memory_space<vmem_shared>>) offsets(%dma_start3A_229 : memref<128xi32, #tpu.memory_space<vmem>>) semaphore(%run_scoped3A_226 : memref<!tpu.dma_semaphore, #tpu.memory_space<semaphore_mem>>) {add = true}
        %dma_wait3A_233 = arith.constant 0 : i32
        %dma_wait3A_234 = tpu.memref_slice %arg8[%add3A_139, %dma_wait3A_233] : memref<79x128xi32, #tpu.memory_space<vmem>> -> memref<1x128xi32, #tpu.memory_space<vmem>>
        %dma_wait3A_235 = tpu.memref_squeeze %dma_wait3A_234 : memref<1x128xi32, #tpu.memory_space<vmem>> -> memref<128xi32, #tpu.memory_space<vmem>>
        %dma_wait3A_236 = arith.constant 0 : i32
        %dma_wait3A_237 = arith.constant 0 : i32
        %dma_wait3A_238 = tpu.memref_slice %arg15[%dma_wait3A_236, %dma_wait3A_237] : memref<10112x32xf32, #tpu.memory_space<vmem_shared>> -> memref<10112x32xf32, #tpu.memory_space<vmem_shared>>
        tpu.wait_indirect_dma semaphore(%run_scoped3A_226 : memref<!tpu.dma_semaphore, #tpu.memory_space<semaphore_mem>>) src(%arg10 : memref<128x32xf32, #tpu.memory_space<vmem>>) dst(%dma_wait3A_238 : memref<10112x32xf32, #tpu.memory_space<vmem_shared>>)
        tpu.yield
      }) : () -> ()
      %add3A_146 = arith.constant 6 : i32
      %add3A_147 = arith.addi %add3A_139, %add3A_146 : i32
      %dma_start3A_148 = arith.constant 0 : i32
      %dma_start3A_149 = tpu.memref_slice %arg7[%add3A_147, %dma_start3A_148] : memref<79x128xi32, #tpu.memory_space<vmem>> -> memref<1x128xi32, #tpu.memory_space<vmem>>
      %dma_start3A_150 = tpu.memref_squeeze %dma_start3A_149 : memref<1x128xi32, #tpu.memory_space<vmem>> -> memref<128xi32, #tpu.memory_space<vmem>>
      %dma_start3A_151 = arith.constant 0 : i32
      %dma_start3A_152 = arith.constant 0 : i32
      %dma_start3A_153 = tpu.memref_slice %arg2[%dma_start3A_151, %dma_start3A_152] : memref<10000x32xf32, #tpu.memory_space<hbm>> -> memref<10000x32xf32, #tpu.memory_space<hbm>>
      tpu.enqueue_indirect_dma source(%dma_start3A_153 : memref<10000x32xf32, #tpu.memory_space<hbm>>) target(%arg10 : memref<128x32xf32, #tpu.memory_space<vmem>>) offsets(%dma_start3A_150 : memref<128xi32, #tpu.memory_space<vmem>>) semaphore(%arg17 : memref<!tpu.dma_semaphore, #tpu.memory_space<semaphore_mem>>)
      %mul3A_154 = arith.constant 6 : i32
      %mul3A_155 = arith.muli %mul3A_154, %scan3A_117 : i32
      %add3A_156 = arith.constant 2 : i32
      %add3A_157 = arith.addi %mul3A_155, %add3A_156 : i32
      %dma_wait3A_158 = arith.constant 0 : i32
      %dma_wait3A_159 = tpu.memref_slice %arg7[%add3A_157, %dma_wait3A_158] : memref<79x128xi32, #tpu.memory_space<vmem>> -> memref<1x128xi32, #tpu.memory_space<vmem>>
      %dma_wait3A_160 = tpu.memref_squeeze %dma_wait3A_159 : memref<1x128xi32, #tpu.memory_space<vmem>> -> memref<128xi32, #tpu.memory_space<vmem>>
      %dma_wait3A_161 = arith.constant 0 : i32
      %dma_wait3A_162 = arith.constant 0 : i32
      %dma_wait3A_163 = tpu.memref_slice %arg2[%dma_wait3A_161, %dma_wait3A_162] : memref<10000x32xf32, #tpu.memory_space<hbm>> -> memref<10000x32xf32, #tpu.memory_space<hbm>>
      tpu.wait_indirect_dma semaphore(%arg18 : memref<!tpu.dma_semaphore, #tpu.memory_space<semaphore_mem>>) src(%dma_wait3A_163 : memref<10000x32xf32, #tpu.memory_space<hbm>>) dst(%arg11 : memref<128x32xf32, #tpu.memory_space<vmem>>)
      "tpu.region"() ({
        %run_scoped3A_226 = tpu.sem_alloc : memref<!tpu.dma_semaphore, #tpu.memory_space<semaphore_mem>>
        %dma_start3A_227 = arith.constant 0 : i32
        %dma_start3A_228 = tpu.memref_slice %arg8[%add3A_157, %dma_start3A_227] : memref<79x128xi32, #tpu.memory_space<vmem>> -> memref<1x128xi32, #tpu.memory_space<vmem>>
        %dma_start3A_229 = tpu.memref_squeeze %dma_start3A_228 : memref<1x128xi32, #tpu.memory_space<vmem>> -> memref<128xi32, #tpu.memory_space<vmem>>
        %dma_start3A_230 = arith.constant 0 : i32
        %dma_start3A_231 = arith.constant 0 : i32
        %dma_start3A_232 = tpu.memref_slice %arg15[%dma_start3A_230, %dma_start3A_231] : memref<10112x32xf32, #tpu.memory_space<vmem_shared>> -> memref<10112x32xf32, #tpu.memory_space<vmem_shared>>
        tpu.enqueue_indirect_dma source(%arg11 : memref<128x32xf32, #tpu.memory_space<vmem>>) target(%dma_start3A_232 : memref<10112x32xf32, #tpu.memory_space<vmem_shared>>) offsets(%dma_start3A_229 : memref<128xi32, #tpu.memory_space<vmem>>) semaphore(%run_scoped3A_226 : memref<!tpu.dma_semaphore, #tpu.memory_space<semaphore_mem>>) {add = true}
        %dma_wait3A_233 = arith.constant 0 : i32
        %dma_wait3A_234 = tpu.memref_slice %arg8[%add3A_157, %dma_wait3A_233] : memref<79x128xi32, #tpu.memory_space<vmem>> -> memref<1x128xi32, #tpu.memory_space<vmem>>
        %dma_wait3A_235 = tpu.memref_squeeze %dma_wait3A_234 : memref<1x128xi32, #tpu.memory_space<vmem>> -> memref<128xi32, #tpu.memory_space<vmem>>
        %dma_wait3A_236 = arith.constant 0 : i32
        %dma_wait3A_237 = arith.constant 0 : i32
        %dma_wait3A_238 = tpu.memref_slice %arg15[%dma_wait3A_236, %dma_wait3A_237] : memref<10112x32xf32, #tpu.memory_space<vmem_shared>> -> memref<10112x32xf32, #tpu.memory_space<vmem_shared>>
        tpu.wait_indirect_dma semaphore(%run_scoped3A_226 : memref<!tpu.dma_semaphore, #tpu.memory_space<semaphore_mem>>) src(%arg11 : memref<128x32xf32, #tpu.memory_space<vmem>>) dst(%dma_wait3A_238 : memref<10112x32xf32, #tpu.memory_space<vmem_shared>>)
        tpu.yield
      }) : () -> ()
      %add3A_164 = arith.constant 6 : i32
      %add3A_165 = arith.addi %add3A_157, %add3A_164 : i32
      %dma_start3A_166 = arith.constant 0 : i32
      %dma_start3A_167 = tpu.memref_slice %arg7[%add3A_165, %dma_start3A_166] : memref<79x128xi32, #tpu.memory_space<vmem>> -> memref<1x128xi32, #tpu.memory_space<vmem>>
      %dma_start3A_168 = tpu.memref_squeeze %dma_start3A_167 : memref<1x128xi32, #tpu.memory_space<vmem>> -> memref<128xi32, #tpu.memory_space<vmem>>
      %dma_start3A_169 = arith.constant 0 : i32
      %dma_start3A_170 = arith.constant 0 : i32
      %dma_start3A_171 = tpu.memref_slice %arg2[%dma_start3A_169, %dma_start3A_170] : memref<10000x32xf32, #tpu.memory_space<hbm>> -> memref<10000x32xf32, #tpu.memory_space<hbm>>
      tpu.enqueue_indirect_dma source(%dma_start3A_171 : memref<10000x32xf32, #tpu.memory_space<hbm>>) target(%arg11 : memref<128x32xf32, #tpu.memory_space<vmem>>) offsets(%dma_start3A_168 : memref<128xi32, #tpu.memory_space<vmem>>) semaphore(%arg18 : memref<!tpu.dma_semaphore, #tpu.memory_space<semaphore_mem>>)
      %mul3A_172 = arith.constant 6 : i32
      %mul3A_173 = arith.muli %mul3A_172, %scan3A_117 : i32
      %add3A_174 = arith.constant 3 : i32
      %add3A_175 = arith.addi %mul3A_173, %add3A_174 : i32
      %dma_wait3A_176 = arith.constant 0 : i32
      %dma_wait3A_177 = tpu.memref_slice %arg7[%add3A_175, %dma_wait3A_176] : memref<79x128xi32, #tpu.memory_space<vmem>> -> memref<1x128xi32, #tpu.memory_space<vmem>>
      %dma_wait3A_178 = tpu.memref_squeeze %dma_wait3A_177 : memref<1x128xi32, #tpu.memory_space<vmem>> -> memref<128xi32, #tpu.memory_space<vmem>>
      %dma_wait3A_179 = arith.constant 0 : i32
      %dma_wait3A_180 = arith.constant 0 : i32
      %dma_wait3A_181 = tpu.memref_slice %arg2[%dma_wait3A_179, %dma_wait3A_180] : memref<10000x32xf32, #tpu.memory_space<hbm>> -> memref<10000x32xf32, #tpu.memory_space<hbm>>
      tpu.wait_indirect_dma semaphore(%arg19 : memref<!tpu.dma_semaphore, #tpu.memory_space<semaphore_mem>>) src(%dma_wait3A_181 : memref<10000x32xf32, #tpu.memory_space<hbm>>) dst(%arg12 : memref<128x32xf32, #tpu.memory_space<vmem>>)
      "tpu.region"() ({
        %run_scoped3A_226 = tpu.sem_alloc : memref<!tpu.dma_semaphore, #tpu.memory_space<semaphore_mem>>
        %dma_start3A_227 = arith.constant 0 : i32
        %dma_start3A_228 = tpu.memref_slice %arg8[%add3A_175, %dma_start3A_227] : memref<79x128xi32, #tpu.memory_space<vmem>> -> memref<1x128xi32, #tpu.memory_space<vmem>>
        %dma_start3A_229 = tpu.memref_squeeze %dma_start3A_228 : memref<1x128xi32, #tpu.memory_space<vmem>> -> memref<128xi32, #tpu.memory_space<vmem>>
        %dma_start3A_230 = arith.constant 0 : i32
        %dma_start3A_231 = arith.constant 0 : i32
        %dma_start3A_232 = tpu.memref_slice %arg15[%dma_start3A_230, %dma_start3A_231] : memref<10112x32xf32, #tpu.memory_space<vmem_shared>> -> memref<10112x32xf32, #tpu.memory_space<vmem_shared>>
        tpu.enqueue_indirect_dma source(%arg12 : memref<128x32xf32, #tpu.memory_space<vmem>>) target(%dma_start3A_232 : memref<10112x32xf32, #tpu.memory_space<vmem_shared>>) offsets(%dma_start3A_229 : memref<128xi32, #tpu.memory_space<vmem>>) semaphore(%run_scoped3A_226 : memref<!tpu.dma_semaphore, #tpu.memory_space<semaphore_mem>>) {add = true}
        %dma_wait3A_233 = arith.constant 0 : i32
        %dma_wait3A_234 = tpu.memref_slice %arg8[%add3A_175, %dma_wait3A_233] : memref<79x128xi32, #tpu.memory_space<vmem>> -> memref<1x128xi32, #tpu.memory_space<vmem>>
        %dma_wait3A_235 = tpu.memref_squeeze %dma_wait3A_234 : memref<1x128xi32, #tpu.memory_space<vmem>> -> memref<128xi32, #tpu.memory_space<vmem>>
        %dma_wait3A_236 = arith.constant 0 : i32
        %dma_wait3A_237 = arith.constant 0 : i32
        %dma_wait3A_238 = tpu.memref_slice %arg15[%dma_wait3A_236, %dma_wait3A_237] : memref<10112x32xf32, #tpu.memory_space<vmem_shared>> -> memref<10112x32xf32, #tpu.memory_space<vmem_shared>>
        tpu.wait_indirect_dma semaphore(%run_scoped3A_226 : memref<!tpu.dma_semaphore, #tpu.memory_space<semaphore_mem>>) src(%arg12 : memref<128x32xf32, #tpu.memory_space<vmem>>) dst(%dma_wait3A_238 : memref<10112x32xf32, #tpu.memory_space<vmem_shared>>)
        tpu.yield
      }) : () -> ()
      %add3A_182 = arith.constant 6 : i32
      %add3A_183 = arith.addi %add3A_175, %add3A_182 : i32
      %dma_start3A_184 = arith.constant 0 : i32
      %dma_start3A_185 = tpu.memref_slice %arg7[%add3A_183, %dma_start3A_184] : memref<79x128xi32, #tpu.memory_space<vmem>> -> memref<1x128xi32, #tpu.memory_space<vmem>>
      %dma_start3A_186 = tpu.memref_squeeze %dma_start3A_185 : memref<1x128xi32, #tpu.memory_space<vmem>> -> memref<128xi32, #tpu.memory_space<vmem>>
      %dma_start3A_187 = arith.constant 0 : i32
      %dma_start3A_188 = arith.constant 0 : i32
      %dma_start3A_189 = tpu.memref_slice %arg2[%dma_start3A_187, %dma_start3A_188] : memref<10000x32xf32, #tpu.memory_space<hbm>> -> memref<10000x32xf32, #tpu.memory_space<hbm>>
      tpu.enqueue_indirect_dma source(%dma_start3A_189 : memref<10000x32xf32, #tpu.memory_space<hbm>>) target(%arg12 : memref<128x32xf32, #tpu.memory_space<vmem>>) offsets(%dma_start3A_186 : memref<128xi32, #tpu.memory_space<vmem>>) semaphore(%arg19 : memref<!tpu.dma_semaphore, #tpu.memory_space<semaphore_mem>>)
      %mul3A_190 = arith.constant 6 : i32
      %mul3A_191 = arith.muli %mul3A_190, %scan3A_117 : i32
      %add3A_192 = arith.constant 4 : i32
      %add3A_193 = arith.addi %mul3A_191, %add3A_192 : i32
      %dma_wait3A_194 = arith.constant 0 : i32
      %dma_wait3A_195 = tpu.memref_slice %arg7[%add3A_193, %dma_wait3A_194] : memref<79x128xi32, #tpu.memory_space<vmem>> -> memref<1x128xi32, #tpu.memory_space<vmem>>
      %dma_wait3A_196 = tpu.memref_squeeze %dma_wait3A_195 : memref<1x128xi32, #tpu.memory_space<vmem>> -> memref<128xi32, #tpu.memory_space<vmem>>
      %dma_wait3A_197 = arith.constant 0 : i32
      %dma_wait3A_198 = arith.constant 0 : i32
      %dma_wait3A_199 = tpu.memref_slice %arg2[%dma_wait3A_197, %dma_wait3A_198] : memref<10000x32xf32, #tpu.memory_space<hbm>> -> memref<10000x32xf32, #tpu.memory_space<hbm>>
      tpu.wait_indirect_dma semaphore(%arg20 : memref<!tpu.dma_semaphore, #tpu.memory_space<semaphore_mem>>) src(%dma_wait3A_199 : memref<10000x32xf32, #tpu.memory_space<hbm>>) dst(%arg13 : memref<128x32xf32, #tpu.memory_space<vmem>>)
      "tpu.region"() ({
        %run_scoped3A_226 = tpu.sem_alloc : memref<!tpu.dma_semaphore, #tpu.memory_space<semaphore_mem>>
        %dma_start3A_227 = arith.constant 0 : i32
        %dma_start3A_228 = tpu.memref_slice %arg8[%add3A_193, %dma_start3A_227] : memref<79x128xi32, #tpu.memory_space<vmem>> -> memref<1x128xi32, #tpu.memory_space<vmem>>
        %dma_start3A_229 = tpu.memref_squeeze %dma_start3A_228 : memref<1x128xi32, #tpu.memory_space<vmem>> -> memref<128xi32, #tpu.memory_space<vmem>>
        %dma_start3A_230 = arith.constant 0 : i32
        %dma_start3A_231 = arith.constant 0 : i32
        %dma_start3A_232 = tpu.memref_slice %arg15[%dma_start3A_230, %dma_start3A_231] : memref<10112x32xf32, #tpu.memory_space<vmem_shared>> -> memref<10112x32xf32, #tpu.memory_space<vmem_shared>>
        tpu.enqueue_indirect_dma source(%arg13 : memref<128x32xf32, #tpu.memory_space<vmem>>) target(%dma_start3A_232 : memref<10112x32xf32, #tpu.memory_space<vmem_shared>>) offsets(%dma_start3A_229 : memref<128xi32, #tpu.memory_space<vmem>>) semaphore(%run_scoped3A_226 : memref<!tpu.dma_semaphore, #tpu.memory_space<semaphore_mem>>) {add = true}
        %dma_wait3A_233 = arith.constant 0 : i32
        %dma_wait3A_234 = tpu.memref_slice %arg8[%add3A_193, %dma_wait3A_233] : memref<79x128xi32, #tpu.memory_space<vmem>> -> memref<1x128xi32, #tpu.memory_space<vmem>>
        %dma_wait3A_235 = tpu.memref_squeeze %dma_wait3A_234 : memref<1x128xi32, #tpu.memory_space<vmem>> -> memref<128xi32, #tpu.memory_space<vmem>>
        %dma_wait3A_236 = arith.constant 0 : i32
        %dma_wait3A_237 = arith.constant 0 : i32
        %dma_wait3A_238 = tpu.memref_slice %arg15[%dma_wait3A_236, %dma_wait3A_237] : memref<10112x32xf32, #tpu.memory_space<vmem_shared>> -> memref<10112x32xf32, #tpu.memory_space<vmem_shared>>
        tpu.wait_indirect_dma semaphore(%run_scoped3A_226 : memref<!tpu.dma_semaphore, #tpu.memory_space<semaphore_mem>>) src(%arg13 : memref<128x32xf32, #tpu.memory_space<vmem>>) dst(%dma_wait3A_238 : memref<10112x32xf32, #tpu.memory_space<vmem_shared>>)
        tpu.yield
      }) : () -> ()
      %add3A_200 = arith.constant 6 : i32
      %add3A_201 = arith.addi %add3A_193, %add3A_200 : i32
      %dma_start3A_202 = arith.constant 0 : i32
      %dma_start3A_203 = tpu.memref_slice %arg7[%add3A_201, %dma_start3A_202] : memref<79x128xi32, #tpu.memory_space<vmem>> -> memref<1x128xi32, #tpu.memory_space<vmem>>
      %dma_start3A_204 = tpu.memref_squeeze %dma_start3A_203 : memref<1x128xi32, #tpu.memory_space<vmem>> -> memref<128xi32, #tpu.memory_space<vmem>>
      %dma_start3A_205 = arith.constant 0 : i32
      %dma_start3A_206 = arith.constant 0 : i32
      %dma_start3A_207 = tpu.memref_slice %arg2[%dma_start3A_205, %dma_start3A_206] : memref<10000x32xf32, #tpu.memory_space<hbm>> -> memref<10000x32xf32, #tpu.memory_space<hbm>>
      tpu.enqueue_indirect_dma source(%dma_start3A_207 : memref<10000x32xf32, #tpu.memory_space<hbm>>) target(%arg13 : memref<128x32xf32, #tpu.memory_space<vmem>>) offsets(%dma_start3A_204 : memref<128xi32, #tpu.memory_space<vmem>>) semaphore(%arg20 : memref<!tpu.dma_semaphore, #tpu.memory_space<semaphore_mem>>)
      %mul3A_208 = arith.constant 6 : i32
      %mul3A_209 = arith.muli %mul3A_208, %scan3A_117 : i32
      %add3A_210 = arith.constant 5 : i32
      %add3A_211 = arith.addi %mul3A_209, %add3A_210 : i32
      %dma_wait3A_212 = arith.constant 0 : i32
      %dma_wait3A_213 = tpu.memref_slice %arg7[%add3A_211, %dma_wait3A_212] : memref<79x128xi32, #tpu.memory_space<vmem>> -> memref<1x128xi32, #tpu.memory_space<vmem>>
      %dma_wait3A_214 = tpu.memref_squeeze %dma_wait3A_213 : memref<1x128xi32, #tpu.memory_space<vmem>> -> memref<128xi32, #tpu.memory_space<vmem>>
      %dma_wait3A_215 = arith.constant 0 : i32
      %dma_wait3A_216 = arith.constant 0 : i32
      %dma_wait3A_217 = tpu.memref_slice %arg2[%dma_wait3A_215, %dma_wait3A_216] : memref<10000x32xf32, #tpu.memory_space<hbm>> -> memref<10000x32xf32, #tpu.memory_space<hbm>>
      tpu.wait_indirect_dma semaphore(%arg21 : memref<!tpu.dma_semaphore, #tpu.memory_space<semaphore_mem>>) src(%dma_wait3A_217 : memref<10000x32xf32, #tpu.memory_space<hbm>>) dst(%arg14 : memref<128x32xf32, #tpu.memory_space<vmem>>)
      "tpu.region"() ({
        %run_scoped3A_226 = tpu.sem_alloc : memref<!tpu.dma_semaphore, #tpu.memory_space<semaphore_mem>>
        %dma_start3A_227 = arith.constant 0 : i32
        %dma_start3A_228 = tpu.memref_slice %arg8[%add3A_211, %dma_start3A_227] : memref<79x128xi32, #tpu.memory_space<vmem>> -> memref<1x128xi32, #tpu.memory_space<vmem>>
        %dma_start3A_229 = tpu.memref_squeeze %dma_start3A_228 : memref<1x128xi32, #tpu.memory_space<vmem>> -> memref<128xi32, #tpu.memory_space<vmem>>
        %dma_start3A_230 = arith.constant 0 : i32
        %dma_start3A_231 = arith.constant 0 : i32
        %dma_start3A_232 = tpu.memref_slice %arg15[%dma_start3A_230, %dma_start3A_231] : memref<10112x32xf32, #tpu.memory_space<vmem_shared>> -> memref<10112x32xf32, #tpu.memory_space<vmem_shared>>
        tpu.enqueue_indirect_dma source(%arg14 : memref<128x32xf32, #tpu.memory_space<vmem>>) target(%dma_start3A_232 : memref<10112x32xf32, #tpu.memory_space<vmem_shared>>) offsets(%dma_start3A_229 : memref<128xi32, #tpu.memory_space<vmem>>) semaphore(%run_scoped3A_226 : memref<!tpu.dma_semaphore, #tpu.memory_space<semaphore_mem>>) {add = true}
        %dma_wait3A_233 = arith.constant 0 : i32
        %dma_wait3A_234 = tpu.memref_slice %arg8[%add3A_211, %dma_wait3A_233] : memref<79x128xi32, #tpu.memory_space<vmem>> -> memref<1x128xi32, #tpu.memory_space<vmem>>
        %dma_wait3A_235 = tpu.memref_squeeze %dma_wait3A_234 : memref<1x128xi32, #tpu.memory_space<vmem>> -> memref<128xi32, #tpu.memory_space<vmem>>
        %dma_wait3A_236 = arith.constant 0 : i32
        %dma_wait3A_237 = arith.constant 0 : i32
        %dma_wait3A_238 = tpu.memref_slice %arg15[%dma_wait3A_236, %dma_wait3A_237] : memref<10112x32xf32, #tpu.memory_space<vmem_shared>> -> memref<10112x32xf32, #tpu.memory_space<vmem_shared>>
        tpu.wait_indirect_dma semaphore(%run_scoped3A_226 : memref<!tpu.dma_semaphore, #tpu.memory_space<semaphore_mem>>) src(%arg14 : memref<128x32xf32, #tpu.memory_space<vmem>>) dst(%dma_wait3A_238 : memref<10112x32xf32, #tpu.memory_space<vmem_shared>>)
        tpu.yield
      }) : () -> ()
      %add3A_218 = arith.constant 6 : i32
      %add3A_219 = arith.addi %add3A_211, %add3A_218 : i32
      %dma_start3A_220 = arith.constant 0 : i32
      %dma_start3A_221 = tpu.memref_slice %arg7[%add3A_219, %dma_start3A_220] : memref<79x128xi32, #tpu.memory_space<vmem>> -> memref<1x128xi32, #tpu.memory_space<vmem>>
      %dma_start3A_222 = tpu.memref_squeeze %dma_start3A_221 : memref<1x128xi32, #tpu.memory_space<vmem>> -> memref<128xi32, #tpu.memory_space<vmem>>
      %dma_start3A_223 = arith.constant 0 : i32
      %dma_start3A_224 = arith.constant 0 : i32
      %dma_start3A_225 = tpu.memref_slice %arg2[%dma_start3A_223, %dma_start3A_224] : memref<10000x32xf32, #tpu.memory_space<hbm>> -> memref<10000x32xf32, #tpu.memory_space<hbm>>
      tpu.enqueue_indirect_dma source(%dma_start3A_225 : memref<10000x32xf32, #tpu.memory_space<hbm>>) target(%arg14 : memref<128x32xf32, #tpu.memory_space<vmem>>) offsets(%dma_start3A_222 : memref<128xi32, #tpu.memory_space<vmem>>) semaphore(%arg21 : memref<!tpu.dma_semaphore, #tpu.memory_space<semaphore_mem>>)
    }
    %scan3A_50 = arith.constant 12 : i32
    %dma_wait3A = arith.constant 72 : i32
    %dma_wait3A_51 = arith.constant 0 : i32
    %dma_wait3A_52 = tpu.memref_slice %arg7[%dma_wait3A, %dma_wait3A_51] : memref<79x128xi32, #tpu.memory_space<vmem>> -> memref<1x128xi32, #tpu.memory_space<vmem>>
    %dma_wait3A_53 = tpu.memref_squeeze %dma_wait3A_52 : memref<1x128xi32, #tpu.memory_space<vmem>> -> memref<128xi32, #tpu.memory_space<vmem>>
    %dma_wait3A_54 = arith.constant 0 : i32
    %dma_wait3A_55 = arith.constant 0 : i32
    %dma_wait3A_56 = tpu.memref_slice %arg2[%dma_wait3A_54, %dma_wait3A_55] : memref<10000x32xf32, #tpu.memory_space<hbm>> -> memref<10000x32xf32, #tpu.memory_space<hbm>>
    tpu.wait_indirect_dma semaphore(%arg16 : memref<!tpu.dma_semaphore, #tpu.memory_space<semaphore_mem>>) src(%dma_wait3A_56 : memref<10000x32xf32, #tpu.memory_space<hbm>>) dst(%arg9 : memref<128x32xf32, #tpu.memory_space<vmem>>)
    %run_scoped3A = arith.constant 72 : i32
    "tpu.region"() ({
      %run_scoped3A_117 = tpu.sem_alloc : memref<!tpu.dma_semaphore, #tpu.memory_space<semaphore_mem>>
      %dma_start3A_118 = arith.constant 0 : i32
      %dma_start3A_119 = tpu.memref_slice %arg8[%run_scoped3A, %dma_start3A_118] : memref<79x128xi32, #tpu.memory_space<vmem>> -> memref<1x128xi32, #tpu.memory_space<vmem>>
      %dma_start3A_120 = tpu.memref_squeeze %dma_start3A_119 : memref<1x128xi32, #tpu.memory_space<vmem>> -> memref<128xi32, #tpu.memory_space<vmem>>
      %dma_start3A_121 = arith.constant 0 : i32
      %dma_start3A_122 = arith.constant 0 : i32
      %dma_start3A_123 = tpu.memref_slice %arg15[%dma_start3A_121, %dma_start3A_122] : memref<10112x32xf32, #tpu.memory_space<vmem_shared>> -> memref<10112x32xf32, #tpu.memory_space<vmem_shared>>
      tpu.enqueue_indirect_dma source(%arg9 : memref<128x32xf32, #tpu.memory_space<vmem>>) target(%dma_start3A_123 : memref<10112x32xf32, #tpu.memory_space<vmem_shared>>) offsets(%dma_start3A_120 : memref<128xi32, #tpu.memory_space<vmem>>) semaphore(%run_scoped3A_117 : memref<!tpu.dma_semaphore, #tpu.memory_space<semaphore_mem>>) {add = true}
      %dma_wait3A_124 = arith.constant 0 : i32
      %dma_wait3A_125 = tpu.memref_slice %arg8[%run_scoped3A, %dma_wait3A_124] : memref<79x128xi32, #tpu.memory_space<vmem>> -> memref<1x128xi32, #tpu.memory_space<vmem>>
      %dma_wait3A_126 = tpu.memref_squeeze %dma_wait3A_125 : memref<1x128xi32, #tpu.memory_space<vmem>> -> memref<128xi32, #tpu.memory_space<vmem>>
      %dma_wait3A_127 = arith.constant 0 : i32
      %dma_wait3A_128 = arith.constant 0 : i32
      %dma_wait3A_129 = tpu.memref_slice %arg15[%dma_wait3A_127, %dma_wait3A_128] : memref<10112x32xf32, #tpu.memory_space<vmem_shared>> -> memref<10112x32xf32, #tpu.memory_space<vmem_shared>>
      tpu.wait_indirect_dma semaphore(%run_scoped3A_117 : memref<!tpu.dma_semaphore, #tpu.memory_space<semaphore_mem>>) src(%arg9 : memref<128x32xf32, #tpu.memory_space<vmem>>) dst(%dma_wait3A_129 : memref<10112x32xf32, #tpu.memory_space<vmem_shared>>)
      tpu.yield
    }) : () -> ()
    %dma_start3A_57 = arith.constant 78 : i32
    %dma_start3A_58 = arith.constant 0 : i32
    %dma_start3A_59 = tpu.memref_slice %arg7[%dma_start3A_57, %dma_start3A_58] : memref<79x128xi32, #tpu.memory_space<vmem>> -> memref<1x128xi32, #tpu.memory_space<vmem>>
    %dma_start3A_60 = tpu.memref_squeeze %dma_start3A_59 : memref<1x128xi32, #tpu.memory_space<vmem>> -> memref<128xi32, #tpu.memory_space<vmem>>
    %dma_start3A_61 = arith.constant 0 : i32
    %dma_start3A_62 = arith.constant 0 : i32
    %dma_start3A_63 = tpu.memref_slice %arg2[%dma_start3A_61, %dma_start3A_62] : memref<10000x32xf32, #tpu.memory_space<hbm>> -> memref<10000x32xf32, #tpu.memory_space<hbm>>
    tpu.enqueue_indirect_dma source(%dma_start3A_63 : memref<10000x32xf32, #tpu.memory_space<hbm>>) target(%arg9 : memref<128x32xf32, #tpu.memory_space<vmem>>) offsets(%dma_start3A_60 : memref<128xi32, #tpu.memory_space<vmem>>) semaphore(%arg16 : memref<!tpu.dma_semaphore, #tpu.memory_space<semaphore_mem>>)
    %dma_wait3A_64 = arith.constant 73 : i32
    %dma_wait3A_65 = arith.constant 0 : i32
    %dma_wait3A_66 = tpu.memref_slice %arg7[%dma_wait3A_64, %dma_wait3A_65] : memref<79x128xi32, #tpu.memory_space<vmem>> -> memref<1x128xi32, #tpu.memory_space<vmem>>
    %dma_wait3A_67 = tpu.memref_squeeze %dma_wait3A_66 : memref<1x128xi32, #tpu.memory_space<vmem>> -> memref<128xi32, #tpu.memory_space<vmem>>
    %dma_wait3A_68 = arith.constant 0 : i32
    %dma_wait3A_69 = arith.constant 0 : i32
    %dma_wait3A_70 = tpu.memref_slice %arg2[%dma_wait3A_68, %dma_wait3A_69] : memref<10000x32xf32, #tpu.memory_space<hbm>> -> memref<10000x32xf32, #tpu.memory_space<hbm>>
    tpu.wait_indirect_dma semaphore(%arg17 : memref<!tpu.dma_semaphore, #tpu.memory_space<semaphore_mem>>) src(%dma_wait3A_70 : memref<10000x32xf32, #tpu.memory_space<hbm>>) dst(%arg10 : memref<128x32xf32, #tpu.memory_space<vmem>>)
    %run_scoped3A_71 = arith.constant 73 : i32
    "tpu.region"() ({
      %run_scoped3A_117 = tpu.sem_alloc : memref<!tpu.dma_semaphore, #tpu.memory_space<semaphore_mem>>
      %dma_start3A_118 = arith.constant 0 : i32
      %dma_start3A_119 = tpu.memref_slice %arg8[%run_scoped3A_71, %dma_start3A_118] : memref<79x128xi32, #tpu.memory_space<vmem>> -> memref<1x128xi32, #tpu.memory_space<vmem>>
      %dma_start3A_120 = tpu.memref_squeeze %dma_start3A_119 : memref<1x128xi32, #tpu.memory_space<vmem>> -> memref<128xi32, #tpu.memory_space<vmem>>
      %dma_start3A_121 = arith.constant 0 : i32
      %dma_start3A_122 = arith.constant 0 : i32
      %dma_start3A_123 = tpu.memref_slice %arg15[%dma_start3A_121, %dma_start3A_122] : memref<10112x32xf32, #tpu.memory_space<vmem_shared>> -> memref<10112x32xf32, #tpu.memory_space<vmem_shared>>
      tpu.enqueue_indirect_dma source(%arg10 : memref<128x32xf32, #tpu.memory_space<vmem>>) target(%dma_start3A_123 : memref<10112x32xf32, #tpu.memory_space<vmem_shared>>) offsets(%dma_start3A_120 : memref<128xi32, #tpu.memory_space<vmem>>) semaphore(%run_scoped3A_117 : memref<!tpu.dma_semaphore, #tpu.memory_space<semaphore_mem>>) {add = true}
      %dma_wait3A_124 = arith.constant 0 : i32
      %dma_wait3A_125 = tpu.memref_slice %arg8[%run_scoped3A_71, %dma_wait3A_124] : memref<79x128xi32, #tpu.memory_space<vmem>> -> memref<1x128xi32, #tpu.memory_space<vmem>>
      %dma_wait3A_126 = tpu.memref_squeeze %dma_wait3A_125 : memref<1x128xi32, #tpu.memory_space<vmem>> -> memref<128xi32, #tpu.memory_space<vmem>>
      %dma_wait3A_127 = arith.constant 0 : i32
      %dma_wait3A_128 = arith.constant 0 : i32
      %dma_wait3A_129 = tpu.memref_slice %arg15[%dma_wait3A_127, %dma_wait3A_128] : memref<10112x32xf32, #tpu.memory_space<vmem_shared>> -> memref<10112x32xf32, #tpu.memory_space<vmem_shared>>
      tpu.wait_indirect_dma semaphore(%run_scoped3A_117 : memref<!tpu.dma_semaphore, #tpu.memory_space<semaphore_mem>>) src(%arg10 : memref<128x32xf32, #tpu.memory_space<vmem>>) dst(%dma_wait3A_129 : memref<10112x32xf32, #tpu.memory_space<vmem_shared>>)
      tpu.yield
    }) : () -> ()
    %dma_wait3A_72 = arith.constant 74 : i32
    %dma_wait3A_73 = arith.constant 0 : i32
    %dma_wait3A_74 = tpu.memref_slice %arg7[%dma_wait3A_72, %dma_wait3A_73] : memref<79x128xi32, #tpu.memory_space<vmem>> -> memref<1x128xi32, #tpu.memory_space<vmem>>
    %dma_wait3A_75 = tpu.memref_squeeze %dma_wait3A_74 : memref<1x128xi32, #tpu.memory_space<vmem>> -> memref<128xi32, #tpu.memory_space<vmem>>
    %dma_wait3A_76 = arith.constant 0 : i32
    %dma_wait3A_77 = arith.constant 0 : i32
    %dma_wait3A_78 = tpu.memref_slice %arg2[%dma_wait3A_76, %dma_wait3A_77] : memref<10000x32xf32, #tpu.memory_space<hbm>> -> memref<10000x32xf32, #tpu.memory_space<hbm>>
    tpu.wait_indirect_dma semaphore(%arg18 : memref<!tpu.dma_semaphore, #tpu.memory_space<semaphore_mem>>) src(%dma_wait3A_78 : memref<10000x32xf32, #tpu.memory_space<hbm>>) dst(%arg11 : memref<128x32xf32, #tpu.memory_space<vmem>>)
    %run_scoped3A_79 = arith.constant 74 : i32
    "tpu.region"() ({
      %run_scoped3A_117 = tpu.sem_alloc : memref<!tpu.dma_semaphore, #tpu.memory_space<semaphore_mem>>
      %dma_start3A_118 = arith.constant 0 : i32
      %dma_start3A_119 = tpu.memref_slice %arg8[%run_scoped3A_79, %dma_start3A_118] : memref<79x128xi32, #tpu.memory_space<vmem>> -> memref<1x128xi32, #tpu.memory_space<vmem>>
      %dma_start3A_120 = tpu.memref_squeeze %dma_start3A_119 : memref<1x128xi32, #tpu.memory_space<vmem>> -> memref<128xi32, #tpu.memory_space<vmem>>
      %dma_start3A_121 = arith.constant 0 : i32
      %dma_start3A_122 = arith.constant 0 : i32
      %dma_start3A_123 = tpu.memref_slice %arg15[%dma_start3A_121, %dma_start3A_122] : memref<10112x32xf32, #tpu.memory_space<vmem_shared>> -> memref<10112x32xf32, #tpu.memory_space<vmem_shared>>
      tpu.enqueue_indirect_dma source(%arg11 : memref<128x32xf32, #tpu.memory_space<vmem>>) target(%dma_start3A_123 : memref<10112x32xf32, #tpu.memory_space<vmem_shared>>) offsets(%dma_start3A_120 : memref<128xi32, #tpu.memory_space<vmem>>) semaphore(%run_scoped3A_117 : memref<!tpu.dma_semaphore, #tpu.memory_space<semaphore_mem>>) {add = true}
      %dma_wait3A_124 = arith.constant 0 : i32
      %dma_wait3A_125 = tpu.memref_slice %arg8[%run_scoped3A_79, %dma_wait3A_124] : memref<79x128xi32, #tpu.memory_space<vmem>> -> memref<1x128xi32, #tpu.memory_space<vmem>>
      %dma_wait3A_126 = tpu.memref_squeeze %dma_wait3A_125 : memref<1x128xi32, #tpu.memory_space<vmem>> -> memref<128xi32, #tpu.memory_space<vmem>>
      %dma_wait3A_127 = arith.constant 0 : i32
      %dma_wait3A_128 = arith.constant 0 : i32
      %dma_wait3A_129 = tpu.memref_slice %arg15[%dma_wait3A_127, %dma_wait3A_128] : memref<10112x32xf32, #tpu.memory_space<vmem_shared>> -> memref<10112x32xf32, #tpu.memory_space<vmem_shared>>
      tpu.wait_indirect_dma semaphore(%run_scoped3A_117 : memref<!tpu.dma_semaphore, #tpu.memory_space<semaphore_mem>>) src(%arg11 : memref<128x32xf32, #tpu.memory_space<vmem>>) dst(%dma_wait3A_129 : memref<10112x32xf32, #tpu.memory_space<vmem_shared>>)
      tpu.yield
    }) : () -> ()
    %dma_wait3A_80 = arith.constant 75 : i32
    %dma_wait3A_81 = arith.constant 0 : i32
    %dma_wait3A_82 = tpu.memref_slice %arg7[%dma_wait3A_80, %dma_wait3A_81] : memref<79x128xi32, #tpu.memory_space<vmem>> -> memref<1x128xi32, #tpu.memory_space<vmem>>
    %dma_wait3A_83 = tpu.memref_squeeze %dma_wait3A_82 : memref<1x128xi32, #tpu.memory_space<vmem>> -> memref<128xi32, #tpu.memory_space<vmem>>
    %dma_wait3A_84 = arith.constant 0 : i32
    %dma_wait3A_85 = arith.constant 0 : i32
    %dma_wait3A_86 = tpu.memref_slice %arg2[%dma_wait3A_84, %dma_wait3A_85] : memref<10000x32xf32, #tpu.memory_space<hbm>> -> memref<10000x32xf32, #tpu.memory_space<hbm>>
    tpu.wait_indirect_dma semaphore(%arg19 : memref<!tpu.dma_semaphore, #tpu.memory_space<semaphore_mem>>) src(%dma_wait3A_86 : memref<10000x32xf32, #tpu.memory_space<hbm>>) dst(%arg12 : memref<128x32xf32, #tpu.memory_space<vmem>>)
    %run_scoped3A_87 = arith.constant 75 : i32
    "tpu.region"() ({
      %run_scoped3A_117 = tpu.sem_alloc : memref<!tpu.dma_semaphore, #tpu.memory_space<semaphore_mem>>
      %dma_start3A_118 = arith.constant 0 : i32
      %dma_start3A_119 = tpu.memref_slice %arg8[%run_scoped3A_87, %dma_start3A_118] : memref<79x128xi32, #tpu.memory_space<vmem>> -> memref<1x128xi32, #tpu.memory_space<vmem>>
      %dma_start3A_120 = tpu.memref_squeeze %dma_start3A_119 : memref<1x128xi32, #tpu.memory_space<vmem>> -> memref<128xi32, #tpu.memory_space<vmem>>
      %dma_start3A_121 = arith.constant 0 : i32
      %dma_start3A_122 = arith.constant 0 : i32
      %dma_start3A_123 = tpu.memref_slice %arg15[%dma_start3A_121, %dma_start3A_122] : memref<10112x32xf32, #tpu.memory_space<vmem_shared>> -> memref<10112x32xf32, #tpu.memory_space<vmem_shared>>
      tpu.enqueue_indirect_dma source(%arg12 : memref<128x32xf32, #tpu.memory_space<vmem>>) target(%dma_start3A_123 : memref<10112x32xf32, #tpu.memory_space<vmem_shared>>) offsets(%dma_start3A_120 : memref<128xi32, #tpu.memory_space<vmem>>) semaphore(%run_scoped3A_117 : memref<!tpu.dma_semaphore, #tpu.memory_space<semaphore_mem>>) {add = true}
      %dma_wait3A_124 = arith.constant 0 : i32
      %dma_wait3A_125 = tpu.memref_slice %arg8[%run_scoped3A_87, %dma_wait3A_124] : memref<79x128xi32, #tpu.memory_space<vmem>> -> memref<1x128xi32, #tpu.memory_space<vmem>>
      %dma_wait3A_126 = tpu.memref_squeeze %dma_wait3A_125 : memref<1x128xi32, #tpu.memory_space<vmem>> -> memref<128xi32, #tpu.memory_space<vmem>>
      %dma_wait3A_127 = arith.constant 0 : i32
      %dma_wait3A_128 = arith.constant 0 : i32
      %dma_wait3A_129 = tpu.memref_slice %arg15[%dma_wait3A_127, %dma_wait3A_128] : memref<10112x32xf32, #tpu.memory_space<vmem_shared>> -> memref<10112x32xf32, #tpu.memory_space<vmem_shared>>
      tpu.wait_indirect_dma semaphore(%run_scoped3A_117 : memref<!tpu.dma_semaphore, #tpu.memory_space<semaphore_mem>>) src(%arg12 : memref<128x32xf32, #tpu.memory_space<vmem>>) dst(%dma_wait3A_129 : memref<10112x32xf32, #tpu.memory_space<vmem_shared>>)
      tpu.yield
    }) : () -> ()
    %dma_wait3A_88 = arith.constant 76 : i32
    %dma_wait3A_89 = arith.constant 0 : i32
    %dma_wait3A_90 = tpu.memref_slice %arg7[%dma_wait3A_88, %dma_wait3A_89] : memref<79x128xi32, #tpu.memory_space<vmem>> -> memref<1x128xi32, #tpu.memory_space<vmem>>
    %dma_wait3A_91 = tpu.memref_squeeze %dma_wait3A_90 : memref<1x128xi32, #tpu.memory_space<vmem>> -> memref<128xi32, #tpu.memory_space<vmem>>
    %dma_wait3A_92 = arith.constant 0 : i32
    %dma_wait3A_93 = arith.constant 0 : i32
    %dma_wait3A_94 = tpu.memref_slice %arg2[%dma_wait3A_92, %dma_wait3A_93] : memref<10000x32xf32, #tpu.memory_space<hbm>> -> memref<10000x32xf32, #tpu.memory_space<hbm>>
    tpu.wait_indirect_dma semaphore(%arg20 : memref<!tpu.dma_semaphore, #tpu.memory_space<semaphore_mem>>) src(%dma_wait3A_94 : memref<10000x32xf32, #tpu.memory_space<hbm>>) dst(%arg13 : memref<128x32xf32, #tpu.memory_space<vmem>>)
    %run_scoped3A_95 = arith.constant 76 : i32
    "tpu.region"() ({
      %run_scoped3A_117 = tpu.sem_alloc : memref<!tpu.dma_semaphore, #tpu.memory_space<semaphore_mem>>
      %dma_start3A_118 = arith.constant 0 : i32
      %dma_start3A_119 = tpu.memref_slice %arg8[%run_scoped3A_95, %dma_start3A_118] : memref<79x128xi32, #tpu.memory_space<vmem>> -> memref<1x128xi32, #tpu.memory_space<vmem>>
      %dma_start3A_120 = tpu.memref_squeeze %dma_start3A_119 : memref<1x128xi32, #tpu.memory_space<vmem>> -> memref<128xi32, #tpu.memory_space<vmem>>
      %dma_start3A_121 = arith.constant 0 : i32
      %dma_start3A_122 = arith.constant 0 : i32
      %dma_start3A_123 = tpu.memref_slice %arg15[%dma_start3A_121, %dma_start3A_122] : memref<10112x32xf32, #tpu.memory_space<vmem_shared>> -> memref<10112x32xf32, #tpu.memory_space<vmem_shared>>
      tpu.enqueue_indirect_dma source(%arg13 : memref<128x32xf32, #tpu.memory_space<vmem>>) target(%dma_start3A_123 : memref<10112x32xf32, #tpu.memory_space<vmem_shared>>) offsets(%dma_start3A_120 : memref<128xi32, #tpu.memory_space<vmem>>) semaphore(%run_scoped3A_117 : memref<!tpu.dma_semaphore, #tpu.memory_space<semaphore_mem>>) {add = true}
      %dma_wait3A_124 = arith.constant 0 : i32
      %dma_wait3A_125 = tpu.memref_slice %arg8[%run_scoped3A_95, %dma_wait3A_124] : memref<79x128xi32, #tpu.memory_space<vmem>> -> memref<1x128xi32, #tpu.memory_space<vmem>>
      %dma_wait3A_126 = tpu.memref_squeeze %dma_wait3A_125 : memref<1x128xi32, #tpu.memory_space<vmem>> -> memref<128xi32, #tpu.memory_space<vmem>>
      %dma_wait3A_127 = arith.constant 0 : i32
      %dma_wait3A_128 = arith.constant 0 : i32
      %dma_wait3A_129 = tpu.memref_slice %arg15[%dma_wait3A_127, %dma_wait3A_128] : memref<10112x32xf32, #tpu.memory_space<vmem_shared>> -> memref<10112x32xf32, #tpu.memory_space<vmem_shared>>
      tpu.wait_indirect_dma semaphore(%run_scoped3A_117 : memref<!tpu.dma_semaphore, #tpu.memory_space<semaphore_mem>>) src(%arg13 : memref<128x32xf32, #tpu.memory_space<vmem>>) dst(%dma_wait3A_129 : memref<10112x32xf32, #tpu.memory_space<vmem_shared>>)
      tpu.yield
    }) : () -> ()
    %dma_wait3A_96 = arith.constant 77 : i32
    %dma_wait3A_97 = arith.constant 0 : i32
    %dma_wait3A_98 = tpu.memref_slice %arg7[%dma_wait3A_96, %dma_wait3A_97] : memref<79x128xi32, #tpu.memory_space<vmem>> -> memref<1x128xi32, #tpu.memory_space<vmem>>
    %dma_wait3A_99 = tpu.memref_squeeze %dma_wait3A_98 : memref<1x128xi32, #tpu.memory_space<vmem>> -> memref<128xi32, #tpu.memory_space<vmem>>
    %dma_wait3A_100 = arith.constant 0 : i32
    %dma_wait3A_101 = arith.constant 0 : i32
    %dma_wait3A_102 = tpu.memref_slice %arg2[%dma_wait3A_100, %dma_wait3A_101] : memref<10000x32xf32, #tpu.memory_space<hbm>> -> memref<10000x32xf32, #tpu.memory_space<hbm>>
    tpu.wait_indirect_dma semaphore(%arg21 : memref<!tpu.dma_semaphore, #tpu.memory_space<semaphore_mem>>) src(%dma_wait3A_102 : memref<10000x32xf32, #tpu.memory_space<hbm>>) dst(%arg14 : memref<128x32xf32, #tpu.memory_space<vmem>>)
    %run_scoped3A_103 = arith.constant 77 : i32
    "tpu.region"() ({
      %run_scoped3A_117 = tpu.sem_alloc : memref<!tpu.dma_semaphore, #tpu.memory_space<semaphore_mem>>
      %dma_start3A_118 = arith.constant 0 : i32
      %dma_start3A_119 = tpu.memref_slice %arg8[%run_scoped3A_103, %dma_start3A_118] : memref<79x128xi32, #tpu.memory_space<vmem>> -> memref<1x128xi32, #tpu.memory_space<vmem>>
      %dma_start3A_120 = tpu.memref_squeeze %dma_start3A_119 : memref<1x128xi32, #tpu.memory_space<vmem>> -> memref<128xi32, #tpu.memory_space<vmem>>
      %dma_start3A_121 = arith.constant 0 : i32
      %dma_start3A_122 = arith.constant 0 : i32
      %dma_start3A_123 = tpu.memref_slice %arg15[%dma_start3A_121, %dma_start3A_122] : memref<10112x32xf32, #tpu.memory_space<vmem_shared>> -> memref<10112x32xf32, #tpu.memory_space<vmem_shared>>
      tpu.enqueue_indirect_dma source(%arg14 : memref<128x32xf32, #tpu.memory_space<vmem>>) target(%dma_start3A_123 : memref<10112x32xf32, #tpu.memory_space<vmem_shared>>) offsets(%dma_start3A_120 : memref<128xi32, #tpu.memory_space<vmem>>) semaphore(%run_scoped3A_117 : memref<!tpu.dma_semaphore, #tpu.memory_space<semaphore_mem>>) {add = true}
      %dma_wait3A_124 = arith.constant 0 : i32
      %dma_wait3A_125 = tpu.memref_slice %arg8[%run_scoped3A_103, %dma_wait3A_124] : memref<79x128xi32, #tpu.memory_space<vmem>> -> memref<1x128xi32, #tpu.memory_space<vmem>>
      %dma_wait3A_126 = tpu.memref_squeeze %dma_wait3A_125 : memref<1x128xi32, #tpu.memory_space<vmem>> -> memref<128xi32, #tpu.memory_space<vmem>>
      %dma_wait3A_127 = arith.constant 0 : i32
      %dma_wait3A_128 = arith.constant 0 : i32
      %dma_wait3A_129 = tpu.memref_slice %arg15[%dma_wait3A_127, %dma_wait3A_128] : memref<10112x32xf32, #tpu.memory_space<vmem_shared>> -> memref<10112x32xf32, #tpu.memory_space<vmem_shared>>
      tpu.wait_indirect_dma semaphore(%run_scoped3A_117 : memref<!tpu.dma_semaphore, #tpu.memory_space<semaphore_mem>>) src(%arg14 : memref<128x32xf32, #tpu.memory_space<vmem>>) dst(%dma_wait3A_129 : memref<10112x32xf32, #tpu.memory_space<vmem_shared>>)
      tpu.yield
    }) : () -> ()
    %dma_wait3A_104 = arith.constant 78 : i32
    %dma_wait3A_105 = arith.constant 0 : i32
    %dma_wait3A_106 = tpu.memref_slice %arg7[%dma_wait3A_104, %dma_wait3A_105] : memref<79x128xi32, #tpu.memory_space<vmem>> -> memref<1x128xi32, #tpu.memory_space<vmem>>
    %dma_wait3A_107 = tpu.memref_squeeze %dma_wait3A_106 : memref<1x128xi32, #tpu.memory_space<vmem>> -> memref<128xi32, #tpu.memory_space<vmem>>
    %dma_wait3A_108 = arith.constant 0 : i32
    %dma_wait3A_109 = arith.constant 0 : i32
    %dma_wait3A_110 = tpu.memref_slice %arg2[%dma_wait3A_108, %dma_wait3A_109] : memref<10000x32xf32, #tpu.memory_space<hbm>> -> memref<10000x32xf32, #tpu.memory_space<hbm>>
    tpu.wait_indirect_dma semaphore(%arg16 : memref<!tpu.dma_semaphore, #tpu.memory_space<semaphore_mem>>) src(%dma_wait3A_110 : memref<10000x32xf32, #tpu.memory_space<hbm>>) dst(%arg9 : memref<128x32xf32, #tpu.memory_space<vmem>>)
    %run_scoped3A_111 = arith.constant 78 : i32
    "tpu.region"() ({
      %run_scoped3A_117 = tpu.sem_alloc : memref<!tpu.dma_semaphore, #tpu.memory_space<semaphore_mem>>
      %dma_start3A_118 = arith.constant 0 : i32
      %dma_start3A_119 = tpu.memref_slice %arg8[%run_scoped3A_111, %dma_start3A_118] : memref<79x128xi32, #tpu.memory_space<vmem>> -> memref<1x128xi32, #tpu.memory_space<vmem>>
      %dma_start3A_120 = tpu.memref_squeeze %dma_start3A_119 : memref<1x128xi32, #tpu.memory_space<vmem>> -> memref<128xi32, #tpu.memory_space<vmem>>
      %dma_start3A_121 = arith.constant 0 : i32
      %dma_start3A_122 = arith.constant 0 : i32
      %dma_start3A_123 = tpu.memref_slice %arg15[%dma_start3A_121, %dma_start3A_122] : memref<10112x32xf32, #tpu.memory_space<vmem_shared>> -> memref<10112x32xf32, #tpu.memory_space<vmem_shared>>
      tpu.enqueue_indirect_dma source(%arg9 : memref<128x32xf32, #tpu.memory_space<vmem>>) target(%dma_start3A_123 : memref<10112x32xf32, #tpu.memory_space<vmem_shared>>) offsets(%dma_start3A_120 : memref<128xi32, #tpu.memory_space<vmem>>) semaphore(%run_scoped3A_117 : memref<!tpu.dma_semaphore, #tpu.memory_space<semaphore_mem>>) {add = true}
      %dma_wait3A_124 = arith.constant 0 : i32
      %dma_wait3A_125 = tpu.memref_slice %arg8[%run_scoped3A_111, %dma_wait3A_124] : memref<79x128xi32, #tpu.memory_space<vmem>> -> memref<1x128xi32, #tpu.memory_space<vmem>>
      %dma_wait3A_126 = tpu.memref_squeeze %dma_wait3A_125 : memref<1x128xi32, #tpu.memory_space<vmem>> -> memref<128xi32, #tpu.memory_space<vmem>>
      %dma_wait3A_127 = arith.constant 0 : i32
      %dma_wait3A_128 = arith.constant 0 : i32
      %dma_wait3A_129 = tpu.memref_slice %arg15[%dma_wait3A_127, %dma_wait3A_128] : memref<10112x32xf32, #tpu.memory_space<vmem_shared>> -> memref<10112x32xf32, #tpu.memory_space<vmem_shared>>
      tpu.wait_indirect_dma semaphore(%run_scoped3A_117 : memref<!tpu.dma_semaphore, #tpu.memory_space<semaphore_mem>>) src(%arg9 : memref<128x32xf32, #tpu.memory_space<vmem>>) dst(%dma_wait3A_129 : memref<10112x32xf32, #tpu.memory_space<vmem_shared>>)
      tpu.yield
    }) : () -> ()
    %barrier3A_112 = arith.constant 0 : index
    tpu.barrier barrier_id(%barrier3A_112)
    %mul3A_113 = arith.constant 632 : i32
    %mul3A_114 = arith.muli %arg1, %mul3A_113 : i32
    %mul3A_115 = arith.constant 632 : i32
    %mul3A_116 = arith.muli %arg1, %mul3A_115 : i32
    "tpu.region"() ({
      %run_scoped3A_117 = tpu.sem_alloc : memref<!tpu.dma_semaphore, #tpu.memory_space<semaphore_mem>>
      %dma_start3A_118 = arith.constant 0 : i32
      %dma_start3A_119 = arith.constant 0 : i32
      %dma_start3A_120 = tpu.memref_slice %arg6[%arg0, %dma_start3A_118, %dma_start3A_119] : memref<2x10112x32xf32, #tpu.memory_space<hbm>> -> memref<1x10112x32xf32, #tpu.memory_space<hbm>>
      %dma_start3A_121 = tpu.memref_squeeze %dma_start3A_120 : memref<1x10112x32xf32, #tpu.memory_space<hbm>> -> memref<10112x32xf32, #tpu.memory_space<hbm>>
      %dma_start3A_122 = arith.constant 0 : i32
      %dma_start3A_123 = tpu.memref_slice %dma_start3A_121[%mul3A_116, %dma_start3A_122] : memref<10112x32xf32, #tpu.memory_space<hbm>> -> memref<632x32xf32, #tpu.memory_space<hbm>>
      %dma_start3A_124 = arith.constant 0 : i32
      %dma_start3A_125 = tpu.memref_slice %arg15[%mul3A_114, %dma_start3A_124] : memref<10112x32xf32, #tpu.memory_space<vmem_shared>> -> memref<632x32xf32, #tpu.memory_space<vmem_shared>>
      tpu.enqueue_dma source(%dma_start3A_125 : memref<632x32xf32, #tpu.memory_space<vmem_shared>>) target(%dma_start3A_123 : memref<632x32xf32, #tpu.memory_space<hbm>>) target_semaphore(%run_scoped3A_117 : memref<!tpu.dma_semaphore, #tpu.memory_space<semaphore_mem>>)
      %dma_wait3A_126 = arith.constant 0 : i32
      %dma_wait3A_127 = arith.constant 0 : i32
      %dma_wait3A_128 = tpu.memref_slice %arg6[%arg0, %dma_wait3A_126, %dma_wait3A_127] : memref<2x10112x32xf32, #tpu.memory_space<hbm>> -> memref<1x10112x32xf32, #tpu.memory_space<hbm>>
      %dma_wait3A_129 = tpu.memref_squeeze %dma_wait3A_128 : memref<1x10112x32xf32, #tpu.memory_space<hbm>> -> memref<10112x32xf32, #tpu.memory_space<hbm>>
      %dma_wait3A_130 = arith.constant 0 : i32
      %dma_wait3A_131 = tpu.memref_slice %dma_wait3A_129[%mul3A_116, %dma_wait3A_130] : memref<10112x32xf32, #tpu.memory_space<hbm>> -> memref<632x32xf32, #tpu.memory_space<hbm>>
      %dma_wait3A_132 = arith.constant 0 : i32
      %dma_wait3A_133 = tpu.memref_slice %arg15[%mul3A_114, %dma_wait3A_132] : memref<10112x32xf32, #tpu.memory_space<vmem_shared>> -> memref<632x32xf32, #tpu.memory_space<vmem_shared>>
      tpu.wait_dma2 semaphore(%run_scoped3A_117 : memref<!tpu.dma_semaphore, #tpu.memory_space<semaphore_mem>>) src(%dma_wait3A_133 : memref<632x32xf32, #tpu.memory_space<vmem_shared>>) dst(%dma_wait3A_131 : memref<632x32xf32, #tpu.memory_space<hbm>>)
      tpu.yield
    }) : () -> ()
    return
  }
}

#map = affine_map<(d0, d1) -> (0, 0)>
#map1 = affine_map<(d0, d1) -> (0, 0, 0)>
module attributes {stable_mosaic.version = 14 : i64} {
  func.func @_seg_body_counts(%arg0: i32, %arg1: i32, %arg2: memref<10000x32xf32, #tpu.memory_space<hbm>>, %arg3: memref<32x79x128xi32, #tpu.memory_space<hbm>>, %arg4: memref<32x79x128xi32, #tpu.memory_space<hbm>>, %arg5: memref<10112x32xf32, #tpu.memory_space<hbm>>, %arg6: memref<10112x16xf32, #tpu.memory_space<hbm>>, %arg7: memref<128x16xf32, #tpu.memory_space<hbm>>, %arg8: memref<2x10112x32xf32, #tpu.memory_space<hbm>>, %arg9: memref<2x10112x16xf32, #tpu.memory_space<hbm>>, %arg10: memref<79x128xi32, #tpu.memory_space<vmem>>, %arg11: memref<79x128xi32, #tpu.memory_space<vmem>>, %arg12: memref<128x32xf32, #tpu.memory_space<vmem>>, %arg13: memref<128x32xf32, #tpu.memory_space<vmem>>, %arg14: memref<128x32xf32, #tpu.memory_space<vmem>>, %arg15: memref<128x32xf32, #tpu.memory_space<vmem>>, %arg16: memref<128x32xf32, #tpu.memory_space<vmem>>, %arg17: memref<128x32xf32, #tpu.memory_space<vmem>>, %arg18: memref<128x16xf32, #tpu.memory_space<vmem>>, %arg19: memref<10112x32xf32, #tpu.memory_space<vmem_shared>>, %arg20: memref<10112x16xf32, #tpu.memory_space<vmem_shared>>, %arg21: memref<!tpu.dma_semaphore, #tpu.memory_space<semaphore_mem>>, %arg22: memref<!tpu.dma_semaphore, #tpu.memory_space<semaphore_mem>>, %arg23: memref<!tpu.dma_semaphore, #tpu.memory_space<semaphore_mem>>, %arg24: memref<!tpu.dma_semaphore, #tpu.memory_space<semaphore_mem>>, %arg25: memref<!tpu.dma_semaphore, #tpu.memory_space<semaphore_mem>>, %arg26: memref<!tpu.dma_semaphore, #tpu.memory_space<semaphore_mem>>) attributes {dimension_semantics = [#tpu.dimension_semantics<core_parallel>, #tpu.dimension_semantics<subcore_parallel>], iteration_bounds = array<i64: 2, 16>, scalar_prefetch = 0 : i64, scratch_operands = 17 : i64, tpu.core_type = #tpu.core_type<sc_vector_subcore>, window_params = [{transform_indices = #map}, {transform_indices = #map1}, {transform_indices = #map1}, {transform_indices = #map}, {transform_indices = #map}, {transform_indices = #map}, {transform_indices = #map1}, {transform_indices = #map1}]} {
    %mul3A = arith.constant 16 : i32
    %mul3A_0 = arith.muli %arg0, %mul3A : i32
    %add3A = arith.addi %mul3A_0, %arg1 : i32
    %mul3A_1 = arith.constant 632 : i32
    %mul3A_2 = arith.muli %arg1, %mul3A_1 : i32
    %mul3A_3 = arith.constant 632 : i32
    %mul3A_4 = arith.muli %arg1, %mul3A_3 : i32
    "tpu.region"() ({
      %run_scoped3A_132 = tpu.sem_alloc : memref<!tpu.dma_semaphore, #tpu.memory_space<semaphore_mem>>
      %dma_start3A_133 = arith.constant 0 : i32
      %dma_start3A_134 = tpu.memref_slice %arg19[%mul3A_4, %dma_start3A_133] : memref<10112x32xf32, #tpu.memory_space<vmem_shared>> -> memref<632x32xf32, #tpu.memory_space<vmem_shared>>
      %dma_start3A_135 = arith.constant 0 : i32
      %dma_start3A_136 = tpu.memref_slice %arg5[%mul3A_2, %dma_start3A_135] : memref<10112x32xf32, #tpu.memory_space<hbm>> -> memref<632x32xf32, #tpu.memory_space<hbm>>
      tpu.enqueue_dma source(%dma_start3A_136 : memref<632x32xf32, #tpu.memory_space<hbm>>) target(%dma_start3A_134 : memref<632x32xf32, #tpu.memory_space<vmem_shared>>) target_semaphore(%run_scoped3A_132 : memref<!tpu.dma_semaphore, #tpu.memory_space<semaphore_mem>>)
      %dma_wait3A_137 = arith.constant 0 : i32
      %dma_wait3A_138 = tpu.memref_slice %arg19[%mul3A_4, %dma_wait3A_137] : memref<10112x32xf32, #tpu.memory_space<vmem_shared>> -> memref<632x32xf32, #tpu.memory_space<vmem_shared>>
      %dma_wait3A_139 = arith.constant 0 : i32
      %dma_wait3A_140 = tpu.memref_slice %arg5[%mul3A_2, %dma_wait3A_139] : memref<10112x32xf32, #tpu.memory_space<hbm>> -> memref<632x32xf32, #tpu.memory_space<hbm>>
      tpu.wait_dma2 semaphore(%run_scoped3A_132 : memref<!tpu.dma_semaphore, #tpu.memory_space<semaphore_mem>>) src(%dma_wait3A_140 : memref<632x32xf32, #tpu.memory_space<hbm>>) dst(%dma_wait3A_138 : memref<632x32xf32, #tpu.memory_space<vmem_shared>>)
      tpu.yield
    }) : () -> ()
    %mul3A_5 = arith.constant 632 : i32
    %mul3A_6 = arith.muli %arg1, %mul3A_5 : i32
    %mul3A_7 = arith.constant 632 : i32
    %mul3A_8 = arith.muli %arg1, %mul3A_7 : i32
    "tpu.region"() ({
      %run_scoped3A_132 = tpu.sem_alloc : memref<!tpu.dma_semaphore, #tpu.memory_space<semaphore_mem>>
      %dma_start3A_133 = arith.constant 0 : i32
      %dma_start3A_134 = tpu.memref_slice %arg20[%mul3A_8, %dma_start3A_133] : memref<10112x16xf32, #tpu.memory_space<vmem_shared>> -> memref<632x16xf32, #tpu.memory_space<vmem_shared>>
      %dma_start3A_135 = arith.constant 0 : i32
      %dma_start3A_136 = tpu.memref_slice %arg6[%mul3A_6, %dma_start3A_135] : memref<10112x16xf32, #tpu.memory_space<hbm>> -> memref<632x16xf32, #tpu.memory_space<hbm>>
      tpu.enqueue_dma source(%dma_start3A_136 : memref<632x16xf32, #tpu.memory_space<hbm>>) target(%dma_start3A_134 : memref<632x16xf32, #tpu.memory_space<vmem_shared>>) target_semaphore(%run_scoped3A_132 : memref<!tpu.dma_semaphore, #tpu.memory_space<semaphore_mem>>)
      %dma_wait3A_137 = arith.constant 0 : i32
      %dma_wait3A_138 = tpu.memref_slice %arg20[%mul3A_8, %dma_wait3A_137] : memref<10112x16xf32, #tpu.memory_space<vmem_shared>> -> memref<632x16xf32, #tpu.memory_space<vmem_shared>>
      %dma_wait3A_139 = arith.constant 0 : i32
      %dma_wait3A_140 = tpu.memref_slice %arg6[%mul3A_6, %dma_wait3A_139] : memref<10112x16xf32, #tpu.memory_space<hbm>> -> memref<632x16xf32, #tpu.memory_space<hbm>>
      tpu.wait_dma2 semaphore(%run_scoped3A_132 : memref<!tpu.dma_semaphore, #tpu.memory_space<semaphore_mem>>) src(%dma_wait3A_140 : memref<632x16xf32, #tpu.memory_space<hbm>>) dst(%dma_wait3A_138 : memref<632x16xf32, #tpu.memory_space<vmem_shared>>)
      tpu.yield
    }) : () -> ()
    "tpu.region"() ({
      %run_scoped3A_132 = tpu.sem_alloc : memref<!tpu.dma_semaphore, #tpu.memory_space<semaphore_mem>>
      tpu.enqueue_dma source(%arg7 : memref<128x16xf32, #tpu.memory_space<hbm>>) target(%arg18 : memref<128x16xf32, #tpu.memory_space<vmem>>) target_semaphore(%run_scoped3A_132 : memref<!tpu.dma_semaphore, #tpu.memory_space<semaphore_mem>>)
      tpu.wait_dma2 semaphore(%run_scoped3A_132 : memref<!tpu.dma_semaphore, #tpu.memory_space<semaphore_mem>>) src(%arg7 : memref<128x16xf32, #tpu.memory_space<hbm>>) dst(%arg18 : memref<128x16xf32, #tpu.memory_space<vmem>>)
      tpu.yield
    }) : () -> ()
    "tpu.region"() ({
      %run_scoped3A_132 = tpu.sem_alloc : memref<!tpu.dma_semaphore, #tpu.memory_space<semaphore_mem>>
      %dma_start3A_133 = arith.constant 0 : i32
      %dma_start3A_134 = arith.constant 0 : i32
      %dma_start3A_135 = tpu.memref_slice %arg3[%add3A, %dma_start3A_133, %dma_start3A_134] : memref<32x79x128xi32, #tpu.memory_space<hbm>> -> memref<1x79x128xi32, #tpu.memory_space<hbm>>
      %dma_start3A_136 = tpu.memref_squeeze %dma_start3A_135 : memref<1x79x128xi32, #tpu.memory_space<hbm>> -> memref<79x128xi32, #tpu.memory_space<hbm>>
      %dma_start3A_137 = arith.constant 0 : i32
      %dma_start3A_138 = arith.constant 0 : i32
      %dma_start3A_139 = tpu.memref_slice %arg3[%add3A, %dma_start3A_137, %dma_start3A_138] : memref<32x79x128xi32, #tpu.memory_space<hbm>> -> memref<1x79x128xi32, #tpu.memory_space<hbm>>
      %dma_start3A_140 = tpu.memref_squeeze %dma_start3A_139 : memref<1x79x128xi32, #tpu.memory_space<hbm>> -> memref<79x128xi32, #tpu.memory_space<hbm>>
      tpu.enqueue_dma source(%dma_start3A_140 : memref<79x128xi32, #tpu.memory_space<hbm>>) target(%arg10 : memref<79x128xi32, #tpu.memory_space<vmem>>) target_semaphore(%run_scoped3A_132 : memref<!tpu.dma_semaphore, #tpu.memory_space<semaphore_mem>>)
      %dma_wait3A_141 = arith.constant 0 : i32
      %dma_wait3A_142 = arith.constant 0 : i32
      %dma_wait3A_143 = tpu.memref_slice %arg3[%add3A, %dma_wait3A_141, %dma_wait3A_142] : memref<32x79x128xi32, #tpu.memory_space<hbm>> -> memref<1x79x128xi32, #tpu.memory_space<hbm>>
      %dma_wait3A_144 = tpu.memref_squeeze %dma_wait3A_143 : memref<1x79x128xi32, #tpu.memory_space<hbm>> -> memref<79x128xi32, #tpu.memory_space<hbm>>
      %dma_wait3A_145 = arith.constant 0 : i32
      %dma_wait3A_146 = arith.constant 0 : i32
      %dma_wait3A_147 = tpu.memref_slice %arg3[%add3A, %dma_wait3A_145, %dma_wait3A_146] : memref<32x79x128xi32, #tpu.memory_space<hbm>> -> memref<1x79x128xi32, #tpu.memory_space<hbm>>
      %dma_wait3A_148 = tpu.memref_squeeze %dma_wait3A_147 : memref<1x79x128xi32, #tpu.memory_space<hbm>> -> memref<79x128xi32, #tpu.memory_space<hbm>>
      tpu.wait_dma2 semaphore(%run_scoped3A_132 : memref<!tpu.dma_semaphore, #tpu.memory_space<semaphore_mem>>) src(%dma_wait3A_148 : memref<79x128xi32, #tpu.memory_space<hbm>>) dst(%arg10 : memref<79x128xi32, #tpu.memory_space<vmem>>)
      tpu.yield
    }) : () -> ()
    "tpu.region"() ({
      %run_scoped3A_132 = tpu.sem_alloc : memref<!tpu.dma_semaphore, #tpu.memory_space<semaphore_mem>>
      %dma_start3A_133 = arith.constant 0 : i32
      %dma_start3A_134 = arith.constant 0 : i32
      %dma_start3A_135 = tpu.memref_slice %arg4[%add3A, %dma_start3A_133, %dma_start3A_134] : memref<32x79x128xi32, #tpu.memory_space<hbm>> -> memref<1x79x128xi32, #tpu.memory_space<hbm>>
      %dma_start3A_136 = tpu.memref_squeeze %dma_start3A_135 : memref<1x79x128xi32, #tpu.memory_space<hbm>> -> memref<79x128xi32, #tpu.memory_space<hbm>>
      %dma_start3A_137 = arith.constant 0 : i32
      %dma_start3A_138 = arith.constant 0 : i32
      %dma_start3A_139 = tpu.memref_slice %arg4[%add3A, %dma_start3A_137, %dma_start3A_138] : memref<32x79x128xi32, #tpu.memory_space<hbm>> -> memref<1x79x128xi32, #tpu.memory_space<hbm>>
      %dma_start3A_140 = tpu.memref_squeeze %dma_start3A_139 : memref<1x79x128xi32, #tpu.memory_space<hbm>> -> memref<79x128xi32, #tpu.memory_space<hbm>>
      tpu.enqueue_dma source(%dma_start3A_140 : memref<79x128xi32, #tpu.memory_space<hbm>>) target(%arg11 : memref<79x128xi32, #tpu.memory_space<vmem>>) target_semaphore(%run_scoped3A_132 : memref<!tpu.dma_semaphore, #tpu.memory_space<semaphore_mem>>)
      %dma_wait3A_141 = arith.constant 0 : i32
      %dma_wait3A_142 = arith.constant 0 : i32
      %dma_wait3A_143 = tpu.memref_slice %arg4[%add3A, %dma_wait3A_141, %dma_wait3A_142] : memref<32x79x128xi32, #tpu.memory_space<hbm>> -> memref<1x79x128xi32, #tpu.memory_space<hbm>>
      %dma_wait3A_144 = tpu.memref_squeeze %dma_wait3A_143 : memref<1x79x128xi32, #tpu.memory_space<hbm>> -> memref<79x128xi32, #tpu.memory_space<hbm>>
      %dma_wait3A_145 = arith.constant 0 : i32
      %dma_wait3A_146 = arith.constant 0 : i32
      %dma_wait3A_147 = tpu.memref_slice %arg4[%add3A, %dma_wait3A_145, %dma_wait3A_146] : memref<32x79x128xi32, #tpu.memory_space<hbm>> -> memref<1x79x128xi32, #tpu.memory_space<hbm>>
      %dma_wait3A_148 = tpu.memref_squeeze %dma_wait3A_147 : memref<1x79x128xi32, #tpu.memory_space<hbm>> -> memref<79x128xi32, #tpu.memory_space<hbm>>
      tpu.wait_dma2 semaphore(%run_scoped3A_132 : memref<!tpu.dma_semaphore, #tpu.memory_space<semaphore_mem>>) src(%dma_wait3A_148 : memref<79x128xi32, #tpu.memory_space<hbm>>) dst(%arg11 : memref<79x128xi32, #tpu.memory_space<vmem>>)
      tpu.yield
    }) : () -> ()
    %barrier3A = arith.constant 0 : index
    tpu.barrier barrier_id(%barrier3A)
    %dma_start3A = arith.constant 0 : i32
    %dma_start3A_9 = arith.constant 0 : i32
    %dma_start3A_10 = tpu.memref_slice %arg10[%dma_start3A, %dma_start3A_9] : memref<79x128xi32, #tpu.memory_space<vmem>> -> memref<1x128xi32, #tpu.memory_space<vmem>>
    %dma_start3A_11 = tpu.memref_squeeze %dma_start3A_10 : memref<1x128xi32, #tpu.memory_space<vmem>> -> memref<128xi32, #tpu.memory_space<vmem>>
    %dma_start3A_12 = arith.constant 0 : i32
    %dma_start3A_13 = arith.constant 0 : i32
    %dma_start3A_14 = tpu.memref_slice %arg2[%dma_start3A_12, %dma_start3A_13] : memref<10000x32xf32, #tpu.memory_space<hbm>> -> memref<10000x32xf32, #tpu.memory_space<hbm>>
    tpu.enqueue_indirect_dma source(%dma_start3A_14 : memref<10000x32xf32, #tpu.memory_space<hbm>>) target(%arg12 : memref<128x32xf32, #tpu.memory_space<vmem>>) offsets(%dma_start3A_11 : memref<128xi32, #tpu.memory_space<vmem>>) semaphore(%arg21 : memref<!tpu.dma_semaphore, #tpu.memory_space<semaphore_mem>>)
    %dma_start3A_15 = arith.constant 1 : i32
    %dma_start3A_16 = arith.constant 0 : i32
    %dma_start3A_17 = tpu.memref_slice %arg10[%dma_start3A_15, %dma_start3A_16] : memref<79x128xi32, #tpu.memory_space<vmem>> -> memref<1x128xi32, #tpu.memory_space<vmem>>
    %dma_start3A_18 = tpu.memref_squeeze %dma_start3A_17 : memref<1x128xi32, #tpu.memory_space<vmem>> -> memref<128xi32, #tpu.memory_space<vmem>>
    %dma_start3A_19 = arith.constant 0 : i32
    %dma_start3A_20 = arith.constant 0 : i32
    %dma_start3A_21 = tpu.memref_slice %arg2[%dma_start3A_19, %dma_start3A_20] : memref<10000x32xf32, #tpu.memory_space<hbm>> -> memref<10000x32xf32, #tpu.memory_space<hbm>>
    tpu.enqueue_indirect_dma source(%dma_start3A_21 : memref<10000x32xf32, #tpu.memory_space<hbm>>) target(%arg13 : memref<128x32xf32, #tpu.memory_space<vmem>>) offsets(%dma_start3A_18 : memref<128xi32, #tpu.memory_space<vmem>>) semaphore(%arg22 : memref<!tpu.dma_semaphore, #tpu.memory_space<semaphore_mem>>)
    %dma_start3A_22 = arith.constant 2 : i32
    %dma_start3A_23 = arith.constant 0 : i32
    %dma_start3A_24 = tpu.memref_slice %arg10[%dma_start3A_22, %dma_start3A_23] : memref<79x128xi32, #tpu.memory_space<vmem>> -> memref<1x128xi32, #tpu.memory_space<vmem>>
    %dma_start3A_25 = tpu.memref_squeeze %dma_start3A_24 : memref<1x128xi32, #tpu.memory_space<vmem>> -> memref<128xi32, #tpu.memory_space<vmem>>
    %dma_start3A_26 = arith.constant 0 : i32
    %dma_start3A_27 = arith.constant 0 : i32
    %dma_start3A_28 = tpu.memref_slice %arg2[%dma_start3A_26, %dma_start3A_27] : memref<10000x32xf32, #tpu.memory_space<hbm>> -> memref<10000x32xf32, #tpu.memory_space<hbm>>
    tpu.enqueue_indirect_dma source(%dma_start3A_28 : memref<10000x32xf32, #tpu.memory_space<hbm>>) target(%arg14 : memref<128x32xf32, #tpu.memory_space<vmem>>) offsets(%dma_start3A_25 : memref<128xi32, #tpu.memory_space<vmem>>) semaphore(%arg23 : memref<!tpu.dma_semaphore, #tpu.memory_space<semaphore_mem>>)
    %dma_start3A_29 = arith.constant 3 : i32
    %dma_start3A_30 = arith.constant 0 : i32
    %dma_start3A_31 = tpu.memref_slice %arg10[%dma_start3A_29, %dma_start3A_30] : memref<79x128xi32, #tpu.memory_space<vmem>> -> memref<1x128xi32, #tpu.memory_space<vmem>>
    %dma_start3A_32 = tpu.memref_squeeze %dma_start3A_31 : memref<1x128xi32, #tpu.memory_space<vmem>> -> memref<128xi32, #tpu.memory_space<vmem>>
    %dma_start3A_33 = arith.constant 0 : i32
    %dma_start3A_34 = arith.constant 0 : i32
    %dma_start3A_35 = tpu.memref_slice %arg2[%dma_start3A_33, %dma_start3A_34] : memref<10000x32xf32, #tpu.memory_space<hbm>> -> memref<10000x32xf32, #tpu.memory_space<hbm>>
    tpu.enqueue_indirect_dma source(%dma_start3A_35 : memref<10000x32xf32, #tpu.memory_space<hbm>>) target(%arg15 : memref<128x32xf32, #tpu.memory_space<vmem>>) offsets(%dma_start3A_32 : memref<128xi32, #tpu.memory_space<vmem>>) semaphore(%arg24 : memref<!tpu.dma_semaphore, #tpu.memory_space<semaphore_mem>>)
    %dma_start3A_36 = arith.constant 4 : i32
    %dma_start3A_37 = arith.constant 0 : i32
    %dma_start3A_38 = tpu.memref_slice %arg10[%dma_start3A_36, %dma_start3A_37] : memref<79x128xi32, #tpu.memory_space<vmem>> -> memref<1x128xi32, #tpu.memory_space<vmem>>
    %dma_start3A_39 = tpu.memref_squeeze %dma_start3A_38 : memref<1x128xi32, #tpu.memory_space<vmem>> -> memref<128xi32, #tpu.memory_space<vmem>>
    %dma_start3A_40 = arith.constant 0 : i32
    %dma_start3A_41 = arith.constant 0 : i32
    %dma_start3A_42 = tpu.memref_slice %arg2[%dma_start3A_40, %dma_start3A_41] : memref<10000x32xf32, #tpu.memory_space<hbm>> -> memref<10000x32xf32, #tpu.memory_space<hbm>>
    tpu.enqueue_indirect_dma source(%dma_start3A_42 : memref<10000x32xf32, #tpu.memory_space<hbm>>) target(%arg16 : memref<128x32xf32, #tpu.memory_space<vmem>>) offsets(%dma_start3A_39 : memref<128xi32, #tpu.memory_space<vmem>>) semaphore(%arg25 : memref<!tpu.dma_semaphore, #tpu.memory_space<semaphore_mem>>)
    %dma_start3A_43 = arith.constant 5 : i32
    %dma_start3A_44 = arith.constant 0 : i32
    %dma_start3A_45 = tpu.memref_slice %arg10[%dma_start3A_43, %dma_start3A_44] : memref<79x128xi32, #tpu.memory_space<vmem>> -> memref<1x128xi32, #tpu.memory_space<vmem>>
    %dma_start3A_46 = tpu.memref_squeeze %dma_start3A_45 : memref<1x128xi32, #tpu.memory_space<vmem>> -> memref<128xi32, #tpu.memory_space<vmem>>
    %dma_start3A_47 = arith.constant 0 : i32
    %dma_start3A_48 = arith.constant 0 : i32
    %dma_start3A_49 = tpu.memref_slice %arg2[%dma_start3A_47, %dma_start3A_48] : memref<10000x32xf32, #tpu.memory_space<hbm>> -> memref<10000x32xf32, #tpu.memory_space<hbm>>
    tpu.enqueue_indirect_dma source(%dma_start3A_49 : memref<10000x32xf32, #tpu.memory_space<hbm>>) target(%arg17 : memref<128x32xf32, #tpu.memory_space<vmem>>) offsets(%dma_start3A_46 : memref<128xi32, #tpu.memory_space<vmem>>) semaphore(%arg26 : memref<!tpu.dma_semaphore, #tpu.memory_space<semaphore_mem>>)
    %scan3A = arith.constant 0 : i32
    %scan3A_50 = arith.constant 0 : i32
    %scan3A_51 = arith.constant 12 : i32
    %scan3A_52 = arith.addi %scan3A_50, %scan3A_51 : i32
    %scan3A_53 = arith.constant 1 : i32
    scf.for %scan3A_132 = %scan3A_50 to %scan3A_52 step %scan3A_53  : i32 {
      %mul3A_133 = arith.constant 6 : i32
      %mul3A_134 = arith.muli %mul3A_133, %scan3A_132 : i32
      %add3A_135 = arith.constant 0 : i32
      %add3A_136 = arith.addi %mul3A_134, %add3A_135 : i32
      %dma_wait3A_137 = arith.constant 0 : i32
      %dma_wait3A_138 = tpu.memref_slice %arg10[%add3A_136, %dma_wait3A_137] : memref<79x128xi32, #tpu.memory_space<vmem>> -> memref<1x128xi32, #tpu.memory_space<vmem>>
      %dma_wait3A_139 = tpu.memref_squeeze %dma_wait3A_138 : memref<1x128xi32, #tpu.memory_space<vmem>> -> memref<128xi32, #tpu.memory_space<vmem>>
      %dma_wait3A_140 = arith.constant 0 : i32
      %dma_wait3A_141 = arith.constant 0 : i32
      %dma_wait3A_142 = tpu.memref_slice %arg2[%dma_wait3A_140, %dma_wait3A_141] : memref<10000x32xf32, #tpu.memory_space<hbm>> -> memref<10000x32xf32, #tpu.memory_space<hbm>>
      tpu.wait_indirect_dma semaphore(%arg21 : memref<!tpu.dma_semaphore, #tpu.memory_space<semaphore_mem>>) src(%dma_wait3A_142 : memref<10000x32xf32, #tpu.memory_space<hbm>>) dst(%arg12 : memref<128x32xf32, #tpu.memory_space<vmem>>)
      "tpu.region"() ({
        %run_scoped3A_241 = tpu.sem_alloc : memref<!tpu.dma_semaphore, #tpu.memory_space<semaphore_mem>>
        %dma_start3A_242 = arith.constant 0 : i32
        %dma_start3A_243 = tpu.memref_slice %arg11[%add3A_136, %dma_start3A_242] : memref<79x128xi32, #tpu.memory_space<vmem>> -> memref<1x128xi32, #tpu.memory_space<vmem>>
        %dma_start3A_244 = tpu.memref_squeeze %dma_start3A_243 : memref<1x128xi32, #tpu.memory_space<vmem>> -> memref<128xi32, #tpu.memory_space<vmem>>
        %dma_start3A_245 = arith.constant 0 : i32
        %dma_start3A_246 = arith.constant 0 : i32
        %dma_start3A_247 = tpu.memref_slice %arg19[%dma_start3A_245, %dma_start3A_246] : memref<10112x32xf32, #tpu.memory_space<vmem_shared>> -> memref<10112x32xf32, #tpu.memory_space<vmem_shared>>
        tpu.enqueue_indirect_dma source(%arg12 : memref<128x32xf32, #tpu.memory_space<vmem>>) target(%dma_start3A_247 : memref<10112x32xf32, #tpu.memory_space<vmem_shared>>) offsets(%dma_start3A_244 : memref<128xi32, #tpu.memory_space<vmem>>) semaphore(%run_scoped3A_241 : memref<!tpu.dma_semaphore, #tpu.memory_space<semaphore_mem>>) {add = true}
        %dma_wait3A_248 = arith.constant 0 : i32
        %dma_wait3A_249 = tpu.memref_slice %arg11[%add3A_136, %dma_wait3A_248] : memref<79x128xi32, #tpu.memory_space<vmem>> -> memref<1x128xi32, #tpu.memory_space<vmem>>
        %dma_wait3A_250 = tpu.memref_squeeze %dma_wait3A_249 : memref<1x128xi32, #tpu.memory_space<vmem>> -> memref<128xi32, #tpu.memory_space<vmem>>
        %dma_wait3A_251 = arith.constant 0 : i32
        %dma_wait3A_252 = arith.constant 0 : i32
        %dma_wait3A_253 = tpu.memref_slice %arg19[%dma_wait3A_251, %dma_wait3A_252] : memref<10112x32xf32, #tpu.memory_space<vmem_shared>> -> memref<10112x32xf32, #tpu.memory_space<vmem_shared>>
        tpu.wait_indirect_dma semaphore(%run_scoped3A_241 : memref<!tpu.dma_semaphore, #tpu.memory_space<semaphore_mem>>) src(%arg12 : memref<128x32xf32, #tpu.memory_space<vmem>>) dst(%dma_wait3A_253 : memref<10112x32xf32, #tpu.memory_space<vmem_shared>>)
        tpu.yield
      }) : () -> ()
      "tpu.region"() ({
        %run_scoped3A_241 = tpu.sem_alloc : memref<!tpu.dma_semaphore, #tpu.memory_space<semaphore_mem>>
        %dma_start3A_242 = arith.constant 0 : i32
        %dma_start3A_243 = tpu.memref_slice %arg11[%add3A_136, %dma_start3A_242] : memref<79x128xi32, #tpu.memory_space<vmem>> -> memref<1x128xi32, #tpu.memory_space<vmem>>
        %dma_start3A_244 = tpu.memref_squeeze %dma_start3A_243 : memref<1x128xi32, #tpu.memory_space<vmem>> -> memref<128xi32, #tpu.memory_space<vmem>>
        %dma_start3A_245 = arith.constant 0 : i32
        %dma_start3A_246 = arith.constant 0 : i32
        %dma_start3A_247 = tpu.memref_slice %arg20[%dma_start3A_245, %dma_start3A_246] : memref<10112x16xf32, #tpu.memory_space<vmem_shared>> -> memref<10112x16xf32, #tpu.memory_space<vmem_shared>>
        tpu.enqueue_indirect_dma source(%arg18 : memref<128x16xf32, #tpu.memory_space<vmem>>) target(%dma_start3A_247 : memref<10112x16xf32, #tpu.memory_space<vmem_shared>>) offsets(%dma_start3A_244 : memref<128xi32, #tpu.memory_space<vmem>>) semaphore(%run_scoped3A_241 : memref<!tpu.dma_semaphore, #tpu.memory_space<semaphore_mem>>) {add = true}
        %dma_wait3A_248 = arith.constant 0 : i32
        %dma_wait3A_249 = tpu.memref_slice %arg11[%add3A_136, %dma_wait3A_248] : memref<79x128xi32, #tpu.memory_space<vmem>> -> memref<1x128xi32, #tpu.memory_space<vmem>>
        %dma_wait3A_250 = tpu.memref_squeeze %dma_wait3A_249 : memref<1x128xi32, #tpu.memory_space<vmem>> -> memref<128xi32, #tpu.memory_space<vmem>>
        %dma_wait3A_251 = arith.constant 0 : i32
        %dma_wait3A_252 = arith.constant 0 : i32
        %dma_wait3A_253 = tpu.memref_slice %arg20[%dma_wait3A_251, %dma_wait3A_252] : memref<10112x16xf32, #tpu.memory_space<vmem_shared>> -> memref<10112x16xf32, #tpu.memory_space<vmem_shared>>
        tpu.wait_indirect_dma semaphore(%run_scoped3A_241 : memref<!tpu.dma_semaphore, #tpu.memory_space<semaphore_mem>>) src(%arg18 : memref<128x16xf32, #tpu.memory_space<vmem>>) dst(%dma_wait3A_253 : memref<10112x16xf32, #tpu.memory_space<vmem_shared>>)
        tpu.yield
      }) : () -> ()
      %add3A_143 = arith.constant 6 : i32
      %add3A_144 = arith.addi %add3A_136, %add3A_143 : i32
      %dma_start3A_145 = arith.constant 0 : i32
      %dma_start3A_146 = tpu.memref_slice %arg10[%add3A_144, %dma_start3A_145] : memref<79x128xi32, #tpu.memory_space<vmem>> -> memref<1x128xi32, #tpu.memory_space<vmem>>
      %dma_start3A_147 = tpu.memref_squeeze %dma_start3A_146 : memref<1x128xi32, #tpu.memory_space<vmem>> -> memref<128xi32, #tpu.memory_space<vmem>>
      %dma_start3A_148 = arith.constant 0 : i32
      %dma_start3A_149 = arith.constant 0 : i32
      %dma_start3A_150 = tpu.memref_slice %arg2[%dma_start3A_148, %dma_start3A_149] : memref<10000x32xf32, #tpu.memory_space<hbm>> -> memref<10000x32xf32, #tpu.memory_space<hbm>>
      tpu.enqueue_indirect_dma source(%dma_start3A_150 : memref<10000x32xf32, #tpu.memory_space<hbm>>) target(%arg12 : memref<128x32xf32, #tpu.memory_space<vmem>>) offsets(%dma_start3A_147 : memref<128xi32, #tpu.memory_space<vmem>>) semaphore(%arg21 : memref<!tpu.dma_semaphore, #tpu.memory_space<semaphore_mem>>)
      %mul3A_151 = arith.constant 6 : i32
      %mul3A_152 = arith.muli %mul3A_151, %scan3A_132 : i32
      %add3A_153 = arith.constant 1 : i32
      %add3A_154 = arith.addi %mul3A_152, %add3A_153 : i32
      %dma_wait3A_155 = arith.constant 0 : i32
      %dma_wait3A_156 = tpu.memref_slice %arg10[%add3A_154, %dma_wait3A_155] : memref<79x128xi32, #tpu.memory_space<vmem>> -> memref<1x128xi32, #tpu.memory_space<vmem>>
      %dma_wait3A_157 = tpu.memref_squeeze %dma_wait3A_156 : memref<1x128xi32, #tpu.memory_space<vmem>> -> memref<128xi32, #tpu.memory_space<vmem>>
      %dma_wait3A_158 = arith.constant 0 : i32
      %dma_wait3A_159 = arith.constant 0 : i32
      %dma_wait3A_160 = tpu.memref_slice %arg2[%dma_wait3A_158, %dma_wait3A_159] : memref<10000x32xf32, #tpu.memory_space<hbm>> -> memref<10000x32xf32, #tpu.memory_space<hbm>>
      tpu.wait_indirect_dma semaphore(%arg22 : memref<!tpu.dma_semaphore, #tpu.memory_space<semaphore_mem>>) src(%dma_wait3A_160 : memref<10000x32xf32, #tpu.memory_space<hbm>>) dst(%arg13 : memref<128x32xf32, #tpu.memory_space<vmem>>)
      "tpu.region"() ({
        %run_scoped3A_241 = tpu.sem_alloc : memref<!tpu.dma_semaphore, #tpu.memory_space<semaphore_mem>>
        %dma_start3A_242 = arith.constant 0 : i32
        %dma_start3A_243 = tpu.memref_slice %arg11[%add3A_154, %dma_start3A_242] : memref<79x128xi32, #tpu.memory_space<vmem>> -> memref<1x128xi32, #tpu.memory_space<vmem>>
        %dma_start3A_244 = tpu.memref_squeeze %dma_start3A_243 : memref<1x128xi32, #tpu.memory_space<vmem>> -> memref<128xi32, #tpu.memory_space<vmem>>
        %dma_start3A_245 = arith.constant 0 : i32
        %dma_start3A_246 = arith.constant 0 : i32
        %dma_start3A_247 = tpu.memref_slice %arg19[%dma_start3A_245, %dma_start3A_246] : memref<10112x32xf32, #tpu.memory_space<vmem_shared>> -> memref<10112x32xf32, #tpu.memory_space<vmem_shared>>
        tpu.enqueue_indirect_dma source(%arg13 : memref<128x32xf32, #tpu.memory_space<vmem>>) target(%dma_start3A_247 : memref<10112x32xf32, #tpu.memory_space<vmem_shared>>) offsets(%dma_start3A_244 : memref<128xi32, #tpu.memory_space<vmem>>) semaphore(%run_scoped3A_241 : memref<!tpu.dma_semaphore, #tpu.memory_space<semaphore_mem>>) {add = true}
        %dma_wait3A_248 = arith.constant 0 : i32
        %dma_wait3A_249 = tpu.memref_slice %arg11[%add3A_154, %dma_wait3A_248] : memref<79x128xi32, #tpu.memory_space<vmem>> -> memref<1x128xi32, #tpu.memory_space<vmem>>
        %dma_wait3A_250 = tpu.memref_squeeze %dma_wait3A_249 : memref<1x128xi32, #tpu.memory_space<vmem>> -> memref<128xi32, #tpu.memory_space<vmem>>
        %dma_wait3A_251 = arith.constant 0 : i32
        %dma_wait3A_252 = arith.constant 0 : i32
        %dma_wait3A_253 = tpu.memref_slice %arg19[%dma_wait3A_251, %dma_wait3A_252] : memref<10112x32xf32, #tpu.memory_space<vmem_shared>> -> memref<10112x32xf32, #tpu.memory_space<vmem_shared>>
        tpu.wait_indirect_dma semaphore(%run_scoped3A_241 : memref<!tpu.dma_semaphore, #tpu.memory_space<semaphore_mem>>) src(%arg13 : memref<128x32xf32, #tpu.memory_space<vmem>>) dst(%dma_wait3A_253 : memref<10112x32xf32, #tpu.memory_space<vmem_shared>>)
        tpu.yield
      }) : () -> ()
      "tpu.region"() ({
        %run_scoped3A_241 = tpu.sem_alloc : memref<!tpu.dma_semaphore, #tpu.memory_space<semaphore_mem>>
        %dma_start3A_242 = arith.constant 0 : i32
        %dma_start3A_243 = tpu.memref_slice %arg11[%add3A_154, %dma_start3A_242] : memref<79x128xi32, #tpu.memory_space<vmem>> -> memref<1x128xi32, #tpu.memory_space<vmem>>
        %dma_start3A_244 = tpu.memref_squeeze %dma_start3A_243 : memref<1x128xi32, #tpu.memory_space<vmem>> -> memref<128xi32, #tpu.memory_space<vmem>>
        %dma_start3A_245 = arith.constant 0 : i32
        %dma_start3A_246 = arith.constant 0 : i32
        %dma_start3A_247 = tpu.memref_slice %arg20[%dma_start3A_245, %dma_start3A_246] : memref<10112x16xf32, #tpu.memory_space<vmem_shared>> -> memref<10112x16xf32, #tpu.memory_space<vmem_shared>>
        tpu.enqueue_indirect_dma source(%arg18 : memref<128x16xf32, #tpu.memory_space<vmem>>) target(%dma_start3A_247 : memref<10112x16xf32, #tpu.memory_space<vmem_shared>>) offsets(%dma_start3A_244 : memref<128xi32, #tpu.memory_space<vmem>>) semaphore(%run_scoped3A_241 : memref<!tpu.dma_semaphore, #tpu.memory_space<semaphore_mem>>) {add = true}
        %dma_wait3A_248 = arith.constant 0 : i32
        %dma_wait3A_249 = tpu.memref_slice %arg11[%add3A_154, %dma_wait3A_248] : memref<79x128xi32, #tpu.memory_space<vmem>> -> memref<1x128xi32, #tpu.memory_space<vmem>>
        %dma_wait3A_250 = tpu.memref_squeeze %dma_wait3A_249 : memref<1x128xi32, #tpu.memory_space<vmem>> -> memref<128xi32, #tpu.memory_space<vmem>>
        %dma_wait3A_251 = arith.constant 0 : i32
        %dma_wait3A_252 = arith.constant 0 : i32
        %dma_wait3A_253 = tpu.memref_slice %arg20[%dma_wait3A_251, %dma_wait3A_252] : memref<10112x16xf32, #tpu.memory_space<vmem_shared>> -> memref<10112x16xf32, #tpu.memory_space<vmem_shared>>
        tpu.wait_indirect_dma semaphore(%run_scoped3A_241 : memref<!tpu.dma_semaphore, #tpu.memory_space<semaphore_mem>>) src(%arg18 : memref<128x16xf32, #tpu.memory_space<vmem>>) dst(%dma_wait3A_253 : memref<10112x16xf32, #tpu.memory_space<vmem_shared>>)
        tpu.yield
      }) : () -> ()
      %add3A_161 = arith.constant 6 : i32
      %add3A_162 = arith.addi %add3A_154, %add3A_161 : i32
      %dma_start3A_163 = arith.constant 0 : i32
      %dma_start3A_164 = tpu.memref_slice %arg10[%add3A_162, %dma_start3A_163] : memref<79x128xi32, #tpu.memory_space<vmem>> -> memref<1x128xi32, #tpu.memory_space<vmem>>
      %dma_start3A_165 = tpu.memref_squeeze %dma_start3A_164 : memref<1x128xi32, #tpu.memory_space<vmem>> -> memref<128xi32, #tpu.memory_space<vmem>>
      %dma_start3A_166 = arith.constant 0 : i32
      %dma_start3A_167 = arith.constant 0 : i32
      %dma_start3A_168 = tpu.memref_slice %arg2[%dma_start3A_166, %dma_start3A_167] : memref<10000x32xf32, #tpu.memory_space<hbm>> -> memref<10000x32xf32, #tpu.memory_space<hbm>>
      tpu.enqueue_indirect_dma source(%dma_start3A_168 : memref<10000x32xf32, #tpu.memory_space<hbm>>) target(%arg13 : memref<128x32xf32, #tpu.memory_space<vmem>>) offsets(%dma_start3A_165 : memref<128xi32, #tpu.memory_space<vmem>>) semaphore(%arg22 : memref<!tpu.dma_semaphore, #tpu.memory_space<semaphore_mem>>)
      %mul3A_169 = arith.constant 6 : i32
      %mul3A_170 = arith.muli %mul3A_169, %scan3A_132 : i32
      %add3A_171 = arith.constant 2 : i32
      %add3A_172 = arith.addi %mul3A_170, %add3A_171 : i32
      %dma_wait3A_173 = arith.constant 0 : i32
      %dma_wait3A_174 = tpu.memref_slice %arg10[%add3A_172, %dma_wait3A_173] : memref<79x128xi32, #tpu.memory_space<vmem>> -> memref<1x128xi32, #tpu.memory_space<vmem>>
      %dma_wait3A_175 = tpu.memref_squeeze %dma_wait3A_174 : memref<1x128xi32, #tpu.memory_space<vmem>> -> memref<128xi32, #tpu.memory_space<vmem>>
      %dma_wait3A_176 = arith.constant 0 : i32
      %dma_wait3A_177 = arith.constant 0 : i32
      %dma_wait3A_178 = tpu.memref_slice %arg2[%dma_wait3A_176, %dma_wait3A_177] : memref<10000x32xf32, #tpu.memory_space<hbm>> -> memref<10000x32xf32, #tpu.memory_space<hbm>>
      tpu.wait_indirect_dma semaphore(%arg23 : memref<!tpu.dma_semaphore, #tpu.memory_space<semaphore_mem>>) src(%dma_wait3A_178 : memref<10000x32xf32, #tpu.memory_space<hbm>>) dst(%arg14 : memref<128x32xf32, #tpu.memory_space<vmem>>)
      "tpu.region"() ({
        %run_scoped3A_241 = tpu.sem_alloc : memref<!tpu.dma_semaphore, #tpu.memory_space<semaphore_mem>>
        %dma_start3A_242 = arith.constant 0 : i32
        %dma_start3A_243 = tpu.memref_slice %arg11[%add3A_172, %dma_start3A_242] : memref<79x128xi32, #tpu.memory_space<vmem>> -> memref<1x128xi32, #tpu.memory_space<vmem>>
        %dma_start3A_244 = tpu.memref_squeeze %dma_start3A_243 : memref<1x128xi32, #tpu.memory_space<vmem>> -> memref<128xi32, #tpu.memory_space<vmem>>
        %dma_start3A_245 = arith.constant 0 : i32
        %dma_start3A_246 = arith.constant 0 : i32
        %dma_start3A_247 = tpu.memref_slice %arg19[%dma_start3A_245, %dma_start3A_246] : memref<10112x32xf32, #tpu.memory_space<vmem_shared>> -> memref<10112x32xf32, #tpu.memory_space<vmem_shared>>
        tpu.enqueue_indirect_dma source(%arg14 : memref<128x32xf32, #tpu.memory_space<vmem>>) target(%dma_start3A_247 : memref<10112x32xf32, #tpu.memory_space<vmem_shared>>) offsets(%dma_start3A_244 : memref<128xi32, #tpu.memory_space<vmem>>) semaphore(%run_scoped3A_241 : memref<!tpu.dma_semaphore, #tpu.memory_space<semaphore_mem>>) {add = true}
        %dma_wait3A_248 = arith.constant 0 : i32
        %dma_wait3A_249 = tpu.memref_slice %arg11[%add3A_172, %dma_wait3A_248] : memref<79x128xi32, #tpu.memory_space<vmem>> -> memref<1x128xi32, #tpu.memory_space<vmem>>
        %dma_wait3A_250 = tpu.memref_squeeze %dma_wait3A_249 : memref<1x128xi32, #tpu.memory_space<vmem>> -> memref<128xi32, #tpu.memory_space<vmem>>
        %dma_wait3A_251 = arith.constant 0 : i32
        %dma_wait3A_252 = arith.constant 0 : i32
        %dma_wait3A_253 = tpu.memref_slice %arg19[%dma_wait3A_251, %dma_wait3A_252] : memref<10112x32xf32, #tpu.memory_space<vmem_shared>> -> memref<10112x32xf32, #tpu.memory_space<vmem_shared>>
        tpu.wait_indirect_dma semaphore(%run_scoped3A_241 : memref<!tpu.dma_semaphore, #tpu.memory_space<semaphore_mem>>) src(%arg14 : memref<128x32xf32, #tpu.memory_space<vmem>>) dst(%dma_wait3A_253 : memref<10112x32xf32, #tpu.memory_space<vmem_shared>>)
        tpu.yield
      }) : () -> ()
      "tpu.region"() ({
        %run_scoped3A_241 = tpu.sem_alloc : memref<!tpu.dma_semaphore, #tpu.memory_space<semaphore_mem>>
        %dma_start3A_242 = arith.constant 0 : i32
        %dma_start3A_243 = tpu.memref_slice %arg11[%add3A_172, %dma_start3A_242] : memref<79x128xi32, #tpu.memory_space<vmem>> -> memref<1x128xi32, #tpu.memory_space<vmem>>
        %dma_start3A_244 = tpu.memref_squeeze %dma_start3A_243 : memref<1x128xi32, #tpu.memory_space<vmem>> -> memref<128xi32, #tpu.memory_space<vmem>>
        %dma_start3A_245 = arith.constant 0 : i32
        %dma_start3A_246 = arith.constant 0 : i32
        %dma_start3A_247 = tpu.memref_slice %arg20[%dma_start3A_245, %dma_start3A_246] : memref<10112x16xf32, #tpu.memory_space<vmem_shared>> -> memref<10112x16xf32, #tpu.memory_space<vmem_shared>>
        tpu.enqueue_indirect_dma source(%arg18 : memref<128x16xf32, #tpu.memory_space<vmem>>) target(%dma_start3A_247 : memref<10112x16xf32, #tpu.memory_space<vmem_shared>>) offsets(%dma_start3A_244 : memref<128xi32, #tpu.memory_space<vmem>>) semaphore(%run_scoped3A_241 : memref<!tpu.dma_semaphore, #tpu.memory_space<semaphore_mem>>) {add = true}
        %dma_wait3A_248 = arith.constant 0 : i32
        %dma_wait3A_249 = tpu.memref_slice %arg11[%add3A_172, %dma_wait3A_248] : memref<79x128xi32, #tpu.memory_space<vmem>> -> memref<1x128xi32, #tpu.memory_space<vmem>>
        %dma_wait3A_250 = tpu.memref_squeeze %dma_wait3A_249 : memref<1x128xi32, #tpu.memory_space<vmem>> -> memref<128xi32, #tpu.memory_space<vmem>>
        %dma_wait3A_251 = arith.constant 0 : i32
        %dma_wait3A_252 = arith.constant 0 : i32
        %dma_wait3A_253 = tpu.memref_slice %arg20[%dma_wait3A_251, %dma_wait3A_252] : memref<10112x16xf32, #tpu.memory_space<vmem_shared>> -> memref<10112x16xf32, #tpu.memory_space<vmem_shared>>
        tpu.wait_indirect_dma semaphore(%run_scoped3A_241 : memref<!tpu.dma_semaphore, #tpu.memory_space<semaphore_mem>>) src(%arg18 : memref<128x16xf32, #tpu.memory_space<vmem>>) dst(%dma_wait3A_253 : memref<10112x16xf32, #tpu.memory_space<vmem_shared>>)
        tpu.yield
      }) : () -> ()
      %add3A_179 = arith.constant 6 : i32
      %add3A_180 = arith.addi %add3A_172, %add3A_179 : i32
      %dma_start3A_181 = arith.constant 0 : i32
      %dma_start3A_182 = tpu.memref_slice %arg10[%add3A_180, %dma_start3A_181] : memref<79x128xi32, #tpu.memory_space<vmem>> -> memref<1x128xi32, #tpu.memory_space<vmem>>
      %dma_start3A_183 = tpu.memref_squeeze %dma_start3A_182 : memref<1x128xi32, #tpu.memory_space<vmem>> -> memref<128xi32, #tpu.memory_space<vmem>>
      %dma_start3A_184 = arith.constant 0 : i32
      %dma_start3A_185 = arith.constant 0 : i32
      %dma_start3A_186 = tpu.memref_slice %arg2[%dma_start3A_184, %dma_start3A_185] : memref<10000x32xf32, #tpu.memory_space<hbm>> -> memref<10000x32xf32, #tpu.memory_space<hbm>>
      tpu.enqueue_indirect_dma source(%dma_start3A_186 : memref<10000x32xf32, #tpu.memory_space<hbm>>) target(%arg14 : memref<128x32xf32, #tpu.memory_space<vmem>>) offsets(%dma_start3A_183 : memref<128xi32, #tpu.memory_space<vmem>>) semaphore(%arg23 : memref<!tpu.dma_semaphore, #tpu.memory_space<semaphore_mem>>)
      %mul3A_187 = arith.constant 6 : i32
      %mul3A_188 = arith.muli %mul3A_187, %scan3A_132 : i32
      %add3A_189 = arith.constant 3 : i32
      %add3A_190 = arith.addi %mul3A_188, %add3A_189 : i32
      %dma_wait3A_191 = arith.constant 0 : i32
      %dma_wait3A_192 = tpu.memref_slice %arg10[%add3A_190, %dma_wait3A_191] : memref<79x128xi32, #tpu.memory_space<vmem>> -> memref<1x128xi32, #tpu.memory_space<vmem>>
      %dma_wait3A_193 = tpu.memref_squeeze %dma_wait3A_192 : memref<1x128xi32, #tpu.memory_space<vmem>> -> memref<128xi32, #tpu.memory_space<vmem>>
      %dma_wait3A_194 = arith.constant 0 : i32
      %dma_wait3A_195 = arith.constant 0 : i32
      %dma_wait3A_196 = tpu.memref_slice %arg2[%dma_wait3A_194, %dma_wait3A_195] : memref<10000x32xf32, #tpu.memory_space<hbm>> -> memref<10000x32xf32, #tpu.memory_space<hbm>>
      tpu.wait_indirect_dma semaphore(%arg24 : memref<!tpu.dma_semaphore, #tpu.memory_space<semaphore_mem>>) src(%dma_wait3A_196 : memref<10000x32xf32, #tpu.memory_space<hbm>>) dst(%arg15 : memref<128x32xf32, #tpu.memory_space<vmem>>)
      "tpu.region"() ({
        %run_scoped3A_241 = tpu.sem_alloc : memref<!tpu.dma_semaphore, #tpu.memory_space<semaphore_mem>>
        %dma_start3A_242 = arith.constant 0 : i32
        %dma_start3A_243 = tpu.memref_slice %arg11[%add3A_190, %dma_start3A_242] : memref<79x128xi32, #tpu.memory_space<vmem>> -> memref<1x128xi32, #tpu.memory_space<vmem>>
        %dma_start3A_244 = tpu.memref_squeeze %dma_start3A_243 : memref<1x128xi32, #tpu.memory_space<vmem>> -> memref<128xi32, #tpu.memory_space<vmem>>
        %dma_start3A_245 = arith.constant 0 : i32
        %dma_start3A_246 = arith.constant 0 : i32
        %dma_start3A_247 = tpu.memref_slice %arg19[%dma_start3A_245, %dma_start3A_246] : memref<10112x32xf32, #tpu.memory_space<vmem_shared>> -> memref<10112x32xf32, #tpu.memory_space<vmem_shared>>
        tpu.enqueue_indirect_dma source(%arg15 : memref<128x32xf32, #tpu.memory_space<vmem>>) target(%dma_start3A_247 : memref<10112x32xf32, #tpu.memory_space<vmem_shared>>) offsets(%dma_start3A_244 : memref<128xi32, #tpu.memory_space<vmem>>) semaphore(%run_scoped3A_241 : memref<!tpu.dma_semaphore, #tpu.memory_space<semaphore_mem>>) {add = true}
        %dma_wait3A_248 = arith.constant 0 : i32
        %dma_wait3A_249 = tpu.memref_slice %arg11[%add3A_190, %dma_wait3A_248] : memref<79x128xi32, #tpu.memory_space<vmem>> -> memref<1x128xi32, #tpu.memory_space<vmem>>
        %dma_wait3A_250 = tpu.memref_squeeze %dma_wait3A_249 : memref<1x128xi32, #tpu.memory_space<vmem>> -> memref<128xi32, #tpu.memory_space<vmem>>
        %dma_wait3A_251 = arith.constant 0 : i32
        %dma_wait3A_252 = arith.constant 0 : i32
        %dma_wait3A_253 = tpu.memref_slice %arg19[%dma_wait3A_251, %dma_wait3A_252] : memref<10112x32xf32, #tpu.memory_space<vmem_shared>> -> memref<10112x32xf32, #tpu.memory_space<vmem_shared>>
        tpu.wait_indirect_dma semaphore(%run_scoped3A_241 : memref<!tpu.dma_semaphore, #tpu.memory_space<semaphore_mem>>) src(%arg15 : memref<128x32xf32, #tpu.memory_space<vmem>>) dst(%dma_wait3A_253 : memref<10112x32xf32, #tpu.memory_space<vmem_shared>>)
        tpu.yield
      }) : () -> ()
      "tpu.region"() ({
        %run_scoped3A_241 = tpu.sem_alloc : memref<!tpu.dma_semaphore, #tpu.memory_space<semaphore_mem>>
        %dma_start3A_242 = arith.constant 0 : i32
        %dma_start3A_243 = tpu.memref_slice %arg11[%add3A_190, %dma_start3A_242] : memref<79x128xi32, #tpu.memory_space<vmem>> -> memref<1x128xi32, #tpu.memory_space<vmem>>
        %dma_start3A_244 = tpu.memref_squeeze %dma_start3A_243 : memref<1x128xi32, #tpu.memory_space<vmem>> -> memref<128xi32, #tpu.memory_space<vmem>>
        %dma_start3A_245 = arith.constant 0 : i32
        %dma_start3A_246 = arith.constant 0 : i32
        %dma_start3A_247 = tpu.memref_slice %arg20[%dma_start3A_245, %dma_start3A_246] : memref<10112x16xf32, #tpu.memory_space<vmem_shared>> -> memref<10112x16xf32, #tpu.memory_space<vmem_shared>>
        tpu.enqueue_indirect_dma source(%arg18 : memref<128x16xf32, #tpu.memory_space<vmem>>) target(%dma_start3A_247 : memref<10112x16xf32, #tpu.memory_space<vmem_shared>>) offsets(%dma_start3A_244 : memref<128xi32, #tpu.memory_space<vmem>>) semaphore(%run_scoped3A_241 : memref<!tpu.dma_semaphore, #tpu.memory_space<semaphore_mem>>) {add = true}
        %dma_wait3A_248 = arith.constant 0 : i32
        %dma_wait3A_249 = tpu.memref_slice %arg11[%add3A_190, %dma_wait3A_248] : memref<79x128xi32, #tpu.memory_space<vmem>> -> memref<1x128xi32, #tpu.memory_space<vmem>>
        %dma_wait3A_250 = tpu.memref_squeeze %dma_wait3A_249 : memref<1x128xi32, #tpu.memory_space<vmem>> -> memref<128xi32, #tpu.memory_space<vmem>>
        %dma_wait3A_251 = arith.constant 0 : i32
        %dma_wait3A_252 = arith.constant 0 : i32
        %dma_wait3A_253 = tpu.memref_slice %arg20[%dma_wait3A_251, %dma_wait3A_252] : memref<10112x16xf32, #tpu.memory_space<vmem_shared>> -> memref<10112x16xf32, #tpu.memory_space<vmem_shared>>
        tpu.wait_indirect_dma semaphore(%run_scoped3A_241 : memref<!tpu.dma_semaphore, #tpu.memory_space<semaphore_mem>>) src(%arg18 : memref<128x16xf32, #tpu.memory_space<vmem>>) dst(%dma_wait3A_253 : memref<10112x16xf32, #tpu.memory_space<vmem_shared>>)
        tpu.yield
      }) : () -> ()
      %add3A_197 = arith.constant 6 : i32
      %add3A_198 = arith.addi %add3A_190, %add3A_197 : i32
      %dma_start3A_199 = arith.constant 0 : i32
      %dma_start3A_200 = tpu.memref_slice %arg10[%add3A_198, %dma_start3A_199] : memref<79x128xi32, #tpu.memory_space<vmem>> -> memref<1x128xi32, #tpu.memory_space<vmem>>
      %dma_start3A_201 = tpu.memref_squeeze %dma_start3A_200 : memref<1x128xi32, #tpu.memory_space<vmem>> -> memref<128xi32, #tpu.memory_space<vmem>>
      %dma_start3A_202 = arith.constant 0 : i32
      %dma_start3A_203 = arith.constant 0 : i32
      %dma_start3A_204 = tpu.memref_slice %arg2[%dma_start3A_202, %dma_start3A_203] : memref<10000x32xf32, #tpu.memory_space<hbm>> -> memref<10000x32xf32, #tpu.memory_space<hbm>>
      tpu.enqueue_indirect_dma source(%dma_start3A_204 : memref<10000x32xf32, #tpu.memory_space<hbm>>) target(%arg15 : memref<128x32xf32, #tpu.memory_space<vmem>>) offsets(%dma_start3A_201 : memref<128xi32, #tpu.memory_space<vmem>>) semaphore(%arg24 : memref<!tpu.dma_semaphore, #tpu.memory_space<semaphore_mem>>)
      %mul3A_205 = arith.constant 6 : i32
      %mul3A_206 = arith.muli %mul3A_205, %scan3A_132 : i32
      %add3A_207 = arith.constant 4 : i32
      %add3A_208 = arith.addi %mul3A_206, %add3A_207 : i32
      %dma_wait3A_209 = arith.constant 0 : i32
      %dma_wait3A_210 = tpu.memref_slice %arg10[%add3A_208, %dma_wait3A_209] : memref<79x128xi32, #tpu.memory_space<vmem>> -> memref<1x128xi32, #tpu.memory_space<vmem>>
      %dma_wait3A_211 = tpu.memref_squeeze %dma_wait3A_210 : memref<1x128xi32, #tpu.memory_space<vmem>> -> memref<128xi32, #tpu.memory_space<vmem>>
      %dma_wait3A_212 = arith.constant 0 : i32
      %dma_wait3A_213 = arith.constant 0 : i32
      %dma_wait3A_214 = tpu.memref_slice %arg2[%dma_wait3A_212, %dma_wait3A_213] : memref<10000x32xf32, #tpu.memory_space<hbm>> -> memref<10000x32xf32, #tpu.memory_space<hbm>>
      tpu.wait_indirect_dma semaphore(%arg25 : memref<!tpu.dma_semaphore, #tpu.memory_space<semaphore_mem>>) src(%dma_wait3A_214 : memref<10000x32xf32, #tpu.memory_space<hbm>>) dst(%arg16 : memref<128x32xf32, #tpu.memory_space<vmem>>)
      "tpu.region"() ({
        %run_scoped3A_241 = tpu.sem_alloc : memref<!tpu.dma_semaphore, #tpu.memory_space<semaphore_mem>>
        %dma_start3A_242 = arith.constant 0 : i32
        %dma_start3A_243 = tpu.memref_slice %arg11[%add3A_208, %dma_start3A_242] : memref<79x128xi32, #tpu.memory_space<vmem>> -> memref<1x128xi32, #tpu.memory_space<vmem>>
        %dma_start3A_244 = tpu.memref_squeeze %dma_start3A_243 : memref<1x128xi32, #tpu.memory_space<vmem>> -> memref<128xi32, #tpu.memory_space<vmem>>
        %dma_start3A_245 = arith.constant 0 : i32
        %dma_start3A_246 = arith.constant 0 : i32
        %dma_start3A_247 = tpu.memref_slice %arg19[%dma_start3A_245, %dma_start3A_246] : memref<10112x32xf32, #tpu.memory_space<vmem_shared>> -> memref<10112x32xf32, #tpu.memory_space<vmem_shared>>
        tpu.enqueue_indirect_dma source(%arg16 : memref<128x32xf32, #tpu.memory_space<vmem>>) target(%dma_start3A_247 : memref<10112x32xf32, #tpu.memory_space<vmem_shared>>) offsets(%dma_start3A_244 : memref<128xi32, #tpu.memory_space<vmem>>) semaphore(%run_scoped3A_241 : memref<!tpu.dma_semaphore, #tpu.memory_space<semaphore_mem>>) {add = true}
        %dma_wait3A_248 = arith.constant 0 : i32
        %dma_wait3A_249 = tpu.memref_slice %arg11[%add3A_208, %dma_wait3A_248] : memref<79x128xi32, #tpu.memory_space<vmem>> -> memref<1x128xi32, #tpu.memory_space<vmem>>
        %dma_wait3A_250 = tpu.memref_squeeze %dma_wait3A_249 : memref<1x128xi32, #tpu.memory_space<vmem>> -> memref<128xi32, #tpu.memory_space<vmem>>
        %dma_wait3A_251 = arith.constant 0 : i32
        %dma_wait3A_252 = arith.constant 0 : i32
        %dma_wait3A_253 = tpu.memref_slice %arg19[%dma_wait3A_251, %dma_wait3A_252] : memref<10112x32xf32, #tpu.memory_space<vmem_shared>> -> memref<10112x32xf32, #tpu.memory_space<vmem_shared>>
        tpu.wait_indirect_dma semaphore(%run_scoped3A_241 : memref<!tpu.dma_semaphore, #tpu.memory_space<semaphore_mem>>) src(%arg16 : memref<128x32xf32, #tpu.memory_space<vmem>>) dst(%dma_wait3A_253 : memref<10112x32xf32, #tpu.memory_space<vmem_shared>>)
        tpu.yield
      }) : () -> ()
      "tpu.region"() ({
        %run_scoped3A_241 = tpu.sem_alloc : memref<!tpu.dma_semaphore, #tpu.memory_space<semaphore_mem>>
        %dma_start3A_242 = arith.constant 0 : i32
        %dma_start3A_243 = tpu.memref_slice %arg11[%add3A_208, %dma_start3A_242] : memref<79x128xi32, #tpu.memory_space<vmem>> -> memref<1x128xi32, #tpu.memory_space<vmem>>
        %dma_start3A_244 = tpu.memref_squeeze %dma_start3A_243 : memref<1x128xi32, #tpu.memory_space<vmem>> -> memref<128xi32, #tpu.memory_space<vmem>>
        %dma_start3A_245 = arith.constant 0 : i32
        %dma_start3A_246 = arith.constant 0 : i32
        %dma_start3A_247 = tpu.memref_slice %arg20[%dma_start3A_245, %dma_start3A_246] : memref<10112x16xf32, #tpu.memory_space<vmem_shared>> -> memref<10112x16xf32, #tpu.memory_space<vmem_shared>>
        tpu.enqueue_indirect_dma source(%arg18 : memref<128x16xf32, #tpu.memory_space<vmem>>) target(%dma_start3A_247 : memref<10112x16xf32, #tpu.memory_space<vmem_shared>>) offsets(%dma_start3A_244 : memref<128xi32, #tpu.memory_space<vmem>>) semaphore(%run_scoped3A_241 : memref<!tpu.dma_semaphore, #tpu.memory_space<semaphore_mem>>) {add = true}
        %dma_wait3A_248 = arith.constant 0 : i32
        %dma_wait3A_249 = tpu.memref_slice %arg11[%add3A_208, %dma_wait3A_248] : memref<79x128xi32, #tpu.memory_space<vmem>> -> memref<1x128xi32, #tpu.memory_space<vmem>>
        %dma_wait3A_250 = tpu.memref_squeeze %dma_wait3A_249 : memref<1x128xi32, #tpu.memory_space<vmem>> -> memref<128xi32, #tpu.memory_space<vmem>>
        %dma_wait3A_251 = arith.constant 0 : i32
        %dma_wait3A_252 = arith.constant 0 : i32
        %dma_wait3A_253 = tpu.memref_slice %arg20[%dma_wait3A_251, %dma_wait3A_252] : memref<10112x16xf32, #tpu.memory_space<vmem_shared>> -> memref<10112x16xf32, #tpu.memory_space<vmem_shared>>
        tpu.wait_indirect_dma semaphore(%run_scoped3A_241 : memref<!tpu.dma_semaphore, #tpu.memory_space<semaphore_mem>>) src(%arg18 : memref<128x16xf32, #tpu.memory_space<vmem>>) dst(%dma_wait3A_253 : memref<10112x16xf32, #tpu.memory_space<vmem_shared>>)
        tpu.yield
      }) : () -> ()
      %add3A_215 = arith.constant 6 : i32
      %add3A_216 = arith.addi %add3A_208, %add3A_215 : i32
      %dma_start3A_217 = arith.constant 0 : i32
      %dma_start3A_218 = tpu.memref_slice %arg10[%add3A_216, %dma_start3A_217] : memref<79x128xi32, #tpu.memory_space<vmem>> -> memref<1x128xi32, #tpu.memory_space<vmem>>
      %dma_start3A_219 = tpu.memref_squeeze %dma_start3A_218 : memref<1x128xi32, #tpu.memory_space<vmem>> -> memref<128xi32, #tpu.memory_space<vmem>>
      %dma_start3A_220 = arith.constant 0 : i32
      %dma_start3A_221 = arith.constant 0 : i32
      %dma_start3A_222 = tpu.memref_slice %arg2[%dma_start3A_220, %dma_start3A_221] : memref<10000x32xf32, #tpu.memory_space<hbm>> -> memref<10000x32xf32, #tpu.memory_space<hbm>>
      tpu.enqueue_indirect_dma source(%dma_start3A_222 : memref<10000x32xf32, #tpu.memory_space<hbm>>) target(%arg16 : memref<128x32xf32, #tpu.memory_space<vmem>>) offsets(%dma_start3A_219 : memref<128xi32, #tpu.memory_space<vmem>>) semaphore(%arg25 : memref<!tpu.dma_semaphore, #tpu.memory_space<semaphore_mem>>)
      %mul3A_223 = arith.constant 6 : i32
      %mul3A_224 = arith.muli %mul3A_223, %scan3A_132 : i32
      %add3A_225 = arith.constant 5 : i32
      %add3A_226 = arith.addi %mul3A_224, %add3A_225 : i32
      %dma_wait3A_227 = arith.constant 0 : i32
      %dma_wait3A_228 = tpu.memref_slice %arg10[%add3A_226, %dma_wait3A_227] : memref<79x128xi32, #tpu.memory_space<vmem>> -> memref<1x128xi32, #tpu.memory_space<vmem>>
      %dma_wait3A_229 = tpu.memref_squeeze %dma_wait3A_228 : memref<1x128xi32, #tpu.memory_space<vmem>> -> memref<128xi32, #tpu.memory_space<vmem>>
      %dma_wait3A_230 = arith.constant 0 : i32
      %dma_wait3A_231 = arith.constant 0 : i32
      %dma_wait3A_232 = tpu.memref_slice %arg2[%dma_wait3A_230, %dma_wait3A_231] : memref<10000x32xf32, #tpu.memory_space<hbm>> -> memref<10000x32xf32, #tpu.memory_space<hbm>>
      tpu.wait_indirect_dma semaphore(%arg26 : memref<!tpu.dma_semaphore, #tpu.memory_space<semaphore_mem>>) src(%dma_wait3A_232 : memref<10000x32xf32, #tpu.memory_space<hbm>>) dst(%arg17 : memref<128x32xf32, #tpu.memory_space<vmem>>)
      "tpu.region"() ({
        %run_scoped3A_241 = tpu.sem_alloc : memref<!tpu.dma_semaphore, #tpu.memory_space<semaphore_mem>>
        %dma_start3A_242 = arith.constant 0 : i32
        %dma_start3A_243 = tpu.memref_slice %arg11[%add3A_226, %dma_start3A_242] : memref<79x128xi32, #tpu.memory_space<vmem>> -> memref<1x128xi32, #tpu.memory_space<vmem>>
        %dma_start3A_244 = tpu.memref_squeeze %dma_start3A_243 : memref<1x128xi32, #tpu.memory_space<vmem>> -> memref<128xi32, #tpu.memory_space<vmem>>
        %dma_start3A_245 = arith.constant 0 : i32
        %dma_start3A_246 = arith.constant 0 : i32
        %dma_start3A_247 = tpu.memref_slice %arg19[%dma_start3A_245, %dma_start3A_246] : memref<10112x32xf32, #tpu.memory_space<vmem_shared>> -> memref<10112x32xf32, #tpu.memory_space<vmem_shared>>
        tpu.enqueue_indirect_dma source(%arg17 : memref<128x32xf32, #tpu.memory_space<vmem>>) target(%dma_start3A_247 : memref<10112x32xf32, #tpu.memory_space<vmem_shared>>) offsets(%dma_start3A_244 : memref<128xi32, #tpu.memory_space<vmem>>) semaphore(%run_scoped3A_241 : memref<!tpu.dma_semaphore, #tpu.memory_space<semaphore_mem>>) {add = true}
        %dma_wait3A_248 = arith.constant 0 : i32
        %dma_wait3A_249 = tpu.memref_slice %arg11[%add3A_226, %dma_wait3A_248] : memref<79x128xi32, #tpu.memory_space<vmem>> -> memref<1x128xi32, #tpu.memory_space<vmem>>
        %dma_wait3A_250 = tpu.memref_squeeze %dma_wait3A_249 : memref<1x128xi32, #tpu.memory_space<vmem>> -> memref<128xi32, #tpu.memory_space<vmem>>
        %dma_wait3A_251 = arith.constant 0 : i32
        %dma_wait3A_252 = arith.constant 0 : i32
        %dma_wait3A_253 = tpu.memref_slice %arg19[%dma_wait3A_251, %dma_wait3A_252] : memref<10112x32xf32, #tpu.memory_space<vmem_shared>> -> memref<10112x32xf32, #tpu.memory_space<vmem_shared>>
        tpu.wait_indirect_dma semaphore(%run_scoped3A_241 : memref<!tpu.dma_semaphore, #tpu.memory_space<semaphore_mem>>) src(%arg17 : memref<128x32xf32, #tpu.memory_space<vmem>>) dst(%dma_wait3A_253 : memref<10112x32xf32, #tpu.memory_space<vmem_shared>>)
        tpu.yield
      }) : () -> ()
      "tpu.region"() ({
        %run_scoped3A_241 = tpu.sem_alloc : memref<!tpu.dma_semaphore, #tpu.memory_space<semaphore_mem>>
        %dma_start3A_242 = arith.constant 0 : i32
        %dma_start3A_243 = tpu.memref_slice %arg11[%add3A_226, %dma_start3A_242] : memref<79x128xi32, #tpu.memory_space<vmem>> -> memref<1x128xi32, #tpu.memory_space<vmem>>
        %dma_start3A_244 = tpu.memref_squeeze %dma_start3A_243 : memref<1x128xi32, #tpu.memory_space<vmem>> -> memref<128xi32, #tpu.memory_space<vmem>>
        %dma_start3A_245 = arith.constant 0 : i32
        %dma_start3A_246 = arith.constant 0 : i32
        %dma_start3A_247 = tpu.memref_slice %arg20[%dma_start3A_245, %dma_start3A_246] : memref<10112x16xf32, #tpu.memory_space<vmem_shared>> -> memref<10112x16xf32, #tpu.memory_space<vmem_shared>>
        tpu.enqueue_indirect_dma source(%arg18 : memref<128x16xf32, #tpu.memory_space<vmem>>) target(%dma_start3A_247 : memref<10112x16xf32, #tpu.memory_space<vmem_shared>>) offsets(%dma_start3A_244 : memref<128xi32, #tpu.memory_space<vmem>>) semaphore(%run_scoped3A_241 : memref<!tpu.dma_semaphore, #tpu.memory_space<semaphore_mem>>) {add = true}
        %dma_wait3A_248 = arith.constant 0 : i32
        %dma_wait3A_249 = tpu.memref_slice %arg11[%add3A_226, %dma_wait3A_248] : memref<79x128xi32, #tpu.memory_space<vmem>> -> memref<1x128xi32, #tpu.memory_space<vmem>>
        %dma_wait3A_250 = tpu.memref_squeeze %dma_wait3A_249 : memref<1x128xi32, #tpu.memory_space<vmem>> -> memref<128xi32, #tpu.memory_space<vmem>>
        %dma_wait3A_251 = arith.constant 0 : i32
        %dma_wait3A_252 = arith.constant 0 : i32
        %dma_wait3A_253 = tpu.memref_slice %arg20[%dma_wait3A_251, %dma_wait3A_252] : memref<10112x16xf32, #tpu.memory_space<vmem_shared>> -> memref<10112x16xf32, #tpu.memory_space<vmem_shared>>
        tpu.wait_indirect_dma semaphore(%run_scoped3A_241 : memref<!tpu.dma_semaphore, #tpu.memory_space<semaphore_mem>>) src(%arg18 : memref<128x16xf32, #tpu.memory_space<vmem>>) dst(%dma_wait3A_253 : memref<10112x16xf32, #tpu.memory_space<vmem_shared>>)
        tpu.yield
      }) : () -> ()
      %add3A_233 = arith.constant 6 : i32
      %add3A_234 = arith.addi %add3A_226, %add3A_233 : i32
      %dma_start3A_235 = arith.constant 0 : i32
      %dma_start3A_236 = tpu.memref_slice %arg10[%add3A_234, %dma_start3A_235] : memref<79x128xi32, #tpu.memory_space<vmem>> -> memref<1x128xi32, #tpu.memory_space<vmem>>
      %dma_start3A_237 = tpu.memref_squeeze %dma_start3A_236 : memref<1x128xi32, #tpu.memory_space<vmem>> -> memref<128xi32, #tpu.memory_space<vmem>>
      %dma_start3A_238 = arith.constant 0 : i32
      %dma_start3A_239 = arith.constant 0 : i32
      %dma_start3A_240 = tpu.memref_slice %arg2[%dma_start3A_238, %dma_start3A_239] : memref<10000x32xf32, #tpu.memory_space<hbm>> -> memref<10000x32xf32, #tpu.memory_space<hbm>>
      tpu.enqueue_indirect_dma source(%dma_start3A_240 : memref<10000x32xf32, #tpu.memory_space<hbm>>) target(%arg17 : memref<128x32xf32, #tpu.memory_space<vmem>>) offsets(%dma_start3A_237 : memref<128xi32, #tpu.memory_space<vmem>>) semaphore(%arg26 : memref<!tpu.dma_semaphore, #tpu.memory_space<semaphore_mem>>)
    }
    %scan3A_54 = arith.constant 12 : i32
    %dma_wait3A = arith.constant 72 : i32
    %dma_wait3A_55 = arith.constant 0 : i32
    %dma_wait3A_56 = tpu.memref_slice %arg10[%dma_wait3A, %dma_wait3A_55] : memref<79x128xi32, #tpu.memory_space<vmem>> -> memref<1x128xi32, #tpu.memory_space<vmem>>
    %dma_wait3A_57 = tpu.memref_squeeze %dma_wait3A_56 : memref<1x128xi32, #tpu.memory_space<vmem>> -> memref<128xi32, #tpu.memory_space<vmem>>
    %dma_wait3A_58 = arith.constant 0 : i32
    %dma_wait3A_59 = arith.constant 0 : i32
    %dma_wait3A_60 = tpu.memref_slice %arg2[%dma_wait3A_58, %dma_wait3A_59] : memref<10000x32xf32, #tpu.memory_space<hbm>> -> memref<10000x32xf32, #tpu.memory_space<hbm>>
    tpu.wait_indirect_dma semaphore(%arg21 : memref<!tpu.dma_semaphore, #tpu.memory_space<semaphore_mem>>) src(%dma_wait3A_60 : memref<10000x32xf32, #tpu.memory_space<hbm>>) dst(%arg12 : memref<128x32xf32, #tpu.memory_space<vmem>>)
    %run_scoped3A = arith.constant 72 : i32
    "tpu.region"() ({
      %run_scoped3A_132 = tpu.sem_alloc : memref<!tpu.dma_semaphore, #tpu.memory_space<semaphore_mem>>
      %dma_start3A_133 = arith.constant 0 : i32
      %dma_start3A_134 = tpu.memref_slice %arg11[%run_scoped3A, %dma_start3A_133] : memref<79x128xi32, #tpu.memory_space<vmem>> -> memref<1x128xi32, #tpu.memory_space<vmem>>
      %dma_start3A_135 = tpu.memref_squeeze %dma_start3A_134 : memref<1x128xi32, #tpu.memory_space<vmem>> -> memref<128xi32, #tpu.memory_space<vmem>>
      %dma_start3A_136 = arith.constant 0 : i32
      %dma_start3A_137 = arith.constant 0 : i32
      %dma_start3A_138 = tpu.memref_slice %arg19[%dma_start3A_136, %dma_start3A_137] : memref<10112x32xf32, #tpu.memory_space<vmem_shared>> -> memref<10112x32xf32, #tpu.memory_space<vmem_shared>>
      tpu.enqueue_indirect_dma source(%arg12 : memref<128x32xf32, #tpu.memory_space<vmem>>) target(%dma_start3A_138 : memref<10112x32xf32, #tpu.memory_space<vmem_shared>>) offsets(%dma_start3A_135 : memref<128xi32, #tpu.memory_space<vmem>>) semaphore(%run_scoped3A_132 : memref<!tpu.dma_semaphore, #tpu.memory_space<semaphore_mem>>) {add = true}
      %dma_wait3A_139 = arith.constant 0 : i32
      %dma_wait3A_140 = tpu.memref_slice %arg11[%run_scoped3A, %dma_wait3A_139] : memref<79x128xi32, #tpu.memory_space<vmem>> -> memref<1x128xi32, #tpu.memory_space<vmem>>
      %dma_wait3A_141 = tpu.memref_squeeze %dma_wait3A_140 : memref<1x128xi32, #tpu.memory_space<vmem>> -> memref<128xi32, #tpu.memory_space<vmem>>
      %dma_wait3A_142 = arith.constant 0 : i32
      %dma_wait3A_143 = arith.constant 0 : i32
      %dma_wait3A_144 = tpu.memref_slice %arg19[%dma_wait3A_142, %dma_wait3A_143] : memref<10112x32xf32, #tpu.memory_space<vmem_shared>> -> memref<10112x32xf32, #tpu.memory_space<vmem_shared>>
      tpu.wait_indirect_dma semaphore(%run_scoped3A_132 : memref<!tpu.dma_semaphore, #tpu.memory_space<semaphore_mem>>) src(%arg12 : memref<128x32xf32, #tpu.memory_space<vmem>>) dst(%dma_wait3A_144 : memref<10112x32xf32, #tpu.memory_space<vmem_shared>>)
      tpu.yield
    }) : () -> ()
    %run_scoped3A_61 = arith.constant 72 : i32
    "tpu.region"() ({
      %run_scoped3A_132 = tpu.sem_alloc : memref<!tpu.dma_semaphore, #tpu.memory_space<semaphore_mem>>
      %dma_start3A_133 = arith.constant 0 : i32
      %dma_start3A_134 = tpu.memref_slice %arg11[%run_scoped3A_61, %dma_start3A_133] : memref<79x128xi32, #tpu.memory_space<vmem>> -> memref<1x128xi32, #tpu.memory_space<vmem>>
      %dma_start3A_135 = tpu.memref_squeeze %dma_start3A_134 : memref<1x128xi32, #tpu.memory_space<vmem>> -> memref<128xi32, #tpu.memory_space<vmem>>
      %dma_start3A_136 = arith.constant 0 : i32
      %dma_start3A_137 = arith.constant 0 : i32
      %dma_start3A_138 = tpu.memref_slice %arg20[%dma_start3A_136, %dma_start3A_137] : memref<10112x16xf32, #tpu.memory_space<vmem_shared>> -> memref<10112x16xf32, #tpu.memory_space<vmem_shared>>
      tpu.enqueue_indirect_dma source(%arg18 : memref<128x16xf32, #tpu.memory_space<vmem>>) target(%dma_start3A_138 : memref<10112x16xf32, #tpu.memory_space<vmem_shared>>) offsets(%dma_start3A_135 : memref<128xi32, #tpu.memory_space<vmem>>) semaphore(%run_scoped3A_132 : memref<!tpu.dma_semaphore, #tpu.memory_space<semaphore_mem>>) {add = true}
      %dma_wait3A_139 = arith.constant 0 : i32
      %dma_wait3A_140 = tpu.memref_slice %arg11[%run_scoped3A_61, %dma_wait3A_139] : memref<79x128xi32, #tpu.memory_space<vmem>> -> memref<1x128xi32, #tpu.memory_space<vmem>>
      %dma_wait3A_141 = tpu.memref_squeeze %dma_wait3A_140 : memref<1x128xi32, #tpu.memory_space<vmem>> -> memref<128xi32, #tpu.memory_space<vmem>>
      %dma_wait3A_142 = arith.constant 0 : i32
      %dma_wait3A_143 = arith.constant 0 : i32
      %dma_wait3A_144 = tpu.memref_slice %arg20[%dma_wait3A_142, %dma_wait3A_143] : memref<10112x16xf32, #tpu.memory_space<vmem_shared>> -> memref<10112x16xf32, #tpu.memory_space<vmem_shared>>
      tpu.wait_indirect_dma semaphore(%run_scoped3A_132 : memref<!tpu.dma_semaphore, #tpu.memory_space<semaphore_mem>>) src(%arg18 : memref<128x16xf32, #tpu.memory_space<vmem>>) dst(%dma_wait3A_144 : memref<10112x16xf32, #tpu.memory_space<vmem_shared>>)
      tpu.yield
    }) : () -> ()
    %dma_start3A_62 = arith.constant 78 : i32
    %dma_start3A_63 = arith.constant 0 : i32
    %dma_start3A_64 = tpu.memref_slice %arg10[%dma_start3A_62, %dma_start3A_63] : memref<79x128xi32, #tpu.memory_space<vmem>> -> memref<1x128xi32, #tpu.memory_space<vmem>>
    %dma_start3A_65 = tpu.memref_squeeze %dma_start3A_64 : memref<1x128xi32, #tpu.memory_space<vmem>> -> memref<128xi32, #tpu.memory_space<vmem>>
    %dma_start3A_66 = arith.constant 0 : i32
    %dma_start3A_67 = arith.constant 0 : i32
    %dma_start3A_68 = tpu.memref_slice %arg2[%dma_start3A_66, %dma_start3A_67] : memref<10000x32xf32, #tpu.memory_space<hbm>> -> memref<10000x32xf32, #tpu.memory_space<hbm>>
    tpu.enqueue_indirect_dma source(%dma_start3A_68 : memref<10000x32xf32, #tpu.memory_space<hbm>>) target(%arg12 : memref<128x32xf32, #tpu.memory_space<vmem>>) offsets(%dma_start3A_65 : memref<128xi32, #tpu.memory_space<vmem>>) semaphore(%arg21 : memref<!tpu.dma_semaphore, #tpu.memory_space<semaphore_mem>>)
    %dma_wait3A_69 = arith.constant 73 : i32
    %dma_wait3A_70 = arith.constant 0 : i32
    %dma_wait3A_71 = tpu.memref_slice %arg10[%dma_wait3A_69, %dma_wait3A_70] : memref<79x128xi32, #tpu.memory_space<vmem>> -> memref<1x128xi32, #tpu.memory_space<vmem>>
    %dma_wait3A_72 = tpu.memref_squeeze %dma_wait3A_71 : memref<1x128xi32, #tpu.memory_space<vmem>> -> memref<128xi32, #tpu.memory_space<vmem>>
    %dma_wait3A_73 = arith.constant 0 : i32
    %dma_wait3A_74 = arith.constant 0 : i32
    %dma_wait3A_75 = tpu.memref_slice %arg2[%dma_wait3A_73, %dma_wait3A_74] : memref<10000x32xf32, #tpu.memory_space<hbm>> -> memref<10000x32xf32, #tpu.memory_space<hbm>>
    tpu.wait_indirect_dma semaphore(%arg22 : memref<!tpu.dma_semaphore, #tpu.memory_space<semaphore_mem>>) src(%dma_wait3A_75 : memref<10000x32xf32, #tpu.memory_space<hbm>>) dst(%arg13 : memref<128x32xf32, #tpu.memory_space<vmem>>)
    %run_scoped3A_76 = arith.constant 73 : i32
    "tpu.region"() ({
      %run_scoped3A_132 = tpu.sem_alloc : memref<!tpu.dma_semaphore, #tpu.memory_space<semaphore_mem>>
      %dma_start3A_133 = arith.constant 0 : i32
      %dma_start3A_134 = tpu.memref_slice %arg11[%run_scoped3A_76, %dma_start3A_133] : memref<79x128xi32, #tpu.memory_space<vmem>> -> memref<1x128xi32, #tpu.memory_space<vmem>>
      %dma_start3A_135 = tpu.memref_squeeze %dma_start3A_134 : memref<1x128xi32, #tpu.memory_space<vmem>> -> memref<128xi32, #tpu.memory_space<vmem>>
      %dma_start3A_136 = arith.constant 0 : i32
      %dma_start3A_137 = arith.constant 0 : i32
      %dma_start3A_138 = tpu.memref_slice %arg19[%dma_start3A_136, %dma_start3A_137] : memref<10112x32xf32, #tpu.memory_space<vmem_shared>> -> memref<10112x32xf32, #tpu.memory_space<vmem_shared>>
      tpu.enqueue_indirect_dma source(%arg13 : memref<128x32xf32, #tpu.memory_space<vmem>>) target(%dma_start3A_138 : memref<10112x32xf32, #tpu.memory_space<vmem_shared>>) offsets(%dma_start3A_135 : memref<128xi32, #tpu.memory_space<vmem>>) semaphore(%run_scoped3A_132 : memref<!tpu.dma_semaphore, #tpu.memory_space<semaphore_mem>>) {add = true}
      %dma_wait3A_139 = arith.constant 0 : i32
      %dma_wait3A_140 = tpu.memref_slice %arg11[%run_scoped3A_76, %dma_wait3A_139] : memref<79x128xi32, #tpu.memory_space<vmem>> -> memref<1x128xi32, #tpu.memory_space<vmem>>
      %dma_wait3A_141 = tpu.memref_squeeze %dma_wait3A_140 : memref<1x128xi32, #tpu.memory_space<vmem>> -> memref<128xi32, #tpu.memory_space<vmem>>
      %dma_wait3A_142 = arith.constant 0 : i32
      %dma_wait3A_143 = arith.constant 0 : i32
      %dma_wait3A_144 = tpu.memref_slice %arg19[%dma_wait3A_142, %dma_wait3A_143] : memref<10112x32xf32, #tpu.memory_space<vmem_shared>> -> memref<10112x32xf32, #tpu.memory_space<vmem_shared>>
      tpu.wait_indirect_dma semaphore(%run_scoped3A_132 : memref<!tpu.dma_semaphore, #tpu.memory_space<semaphore_mem>>) src(%arg13 : memref<128x32xf32, #tpu.memory_space<vmem>>) dst(%dma_wait3A_144 : memref<10112x32xf32, #tpu.memory_space<vmem_shared>>)
      tpu.yield
    }) : () -> ()
    %run_scoped3A_77 = arith.constant 73 : i32
    "tpu.region"() ({
      %run_scoped3A_132 = tpu.sem_alloc : memref<!tpu.dma_semaphore, #tpu.memory_space<semaphore_mem>>
      %dma_start3A_133 = arith.constant 0 : i32
      %dma_start3A_134 = tpu.memref_slice %arg11[%run_scoped3A_77, %dma_start3A_133] : memref<79x128xi32, #tpu.memory_space<vmem>> -> memref<1x128xi32, #tpu.memory_space<vmem>>
      %dma_start3A_135 = tpu.memref_squeeze %dma_start3A_134 : memref<1x128xi32, #tpu.memory_space<vmem>> -> memref<128xi32, #tpu.memory_space<vmem>>
      %dma_start3A_136 = arith.constant 0 : i32
      %dma_start3A_137 = arith.constant 0 : i32
      %dma_start3A_138 = tpu.memref_slice %arg20[%dma_start3A_136, %dma_start3A_137] : memref<10112x16xf32, #tpu.memory_space<vmem_shared>> -> memref<10112x16xf32, #tpu.memory_space<vmem_shared>>
      tpu.enqueue_indirect_dma source(%arg18 : memref<128x16xf32, #tpu.memory_space<vmem>>) target(%dma_start3A_138 : memref<10112x16xf32, #tpu.memory_space<vmem_shared>>) offsets(%dma_start3A_135 : memref<128xi32, #tpu.memory_space<vmem>>) semaphore(%run_scoped3A_132 : memref<!tpu.dma_semaphore, #tpu.memory_space<semaphore_mem>>) {add = true}
      %dma_wait3A_139 = arith.constant 0 : i32
      %dma_wait3A_140 = tpu.memref_slice %arg11[%run_scoped3A_77, %dma_wait3A_139] : memref<79x128xi32, #tpu.memory_space<vmem>> -> memref<1x128xi32, #tpu.memory_space<vmem>>
      %dma_wait3A_141 = tpu.memref_squeeze %dma_wait3A_140 : memref<1x128xi32, #tpu.memory_space<vmem>> -> memref<128xi32, #tpu.memory_space<vmem>>
      %dma_wait3A_142 = arith.constant 0 : i32
      %dma_wait3A_143 = arith.constant 0 : i32
      %dma_wait3A_144 = tpu.memref_slice %arg20[%dma_wait3A_142, %dma_wait3A_143] : memref<10112x16xf32, #tpu.memory_space<vmem_shared>> -> memref<10112x16xf32, #tpu.memory_space<vmem_shared>>
      tpu.wait_indirect_dma semaphore(%run_scoped3A_132 : memref<!tpu.dma_semaphore, #tpu.memory_space<semaphore_mem>>) src(%arg18 : memref<128x16xf32, #tpu.memory_space<vmem>>) dst(%dma_wait3A_144 : memref<10112x16xf32, #tpu.memory_space<vmem_shared>>)
      tpu.yield
    }) : () -> ()
    %dma_wait3A_78 = arith.constant 74 : i32
    %dma_wait3A_79 = arith.constant 0 : i32
    %dma_wait3A_80 = tpu.memref_slice %arg10[%dma_wait3A_78, %dma_wait3A_79] : memref<79x128xi32, #tpu.memory_space<vmem>> -> memref<1x128xi32, #tpu.memory_space<vmem>>
    %dma_wait3A_81 = tpu.memref_squeeze %dma_wait3A_80 : memref<1x128xi32, #tpu.memory_space<vmem>> -> memref<128xi32, #tpu.memory_space<vmem>>
    %dma_wait3A_82 = arith.constant 0 : i32
    %dma_wait3A_83 = arith.constant 0 : i32
    %dma_wait3A_84 = tpu.memref_slice %arg2[%dma_wait3A_82, %dma_wait3A_83] : memref<10000x32xf32, #tpu.memory_space<hbm>> -> memref<10000x32xf32, #tpu.memory_space<hbm>>
    tpu.wait_indirect_dma semaphore(%arg23 : memref<!tpu.dma_semaphore, #tpu.memory_space<semaphore_mem>>) src(%dma_wait3A_84 : memref<10000x32xf32, #tpu.memory_space<hbm>>) dst(%arg14 : memref<128x32xf32, #tpu.memory_space<vmem>>)
    %run_scoped3A_85 = arith.constant 74 : i32
    "tpu.region"() ({
      %run_scoped3A_132 = tpu.sem_alloc : memref<!tpu.dma_semaphore, #tpu.memory_space<semaphore_mem>>
      %dma_start3A_133 = arith.constant 0 : i32
      %dma_start3A_134 = tpu.memref_slice %arg11[%run_scoped3A_85, %dma_start3A_133] : memref<79x128xi32, #tpu.memory_space<vmem>> -> memref<1x128xi32, #tpu.memory_space<vmem>>
      %dma_start3A_135 = tpu.memref_squeeze %dma_start3A_134 : memref<1x128xi32, #tpu.memory_space<vmem>> -> memref<128xi32, #tpu.memory_space<vmem>>
      %dma_start3A_136 = arith.constant 0 : i32
      %dma_start3A_137 = arith.constant 0 : i32
      %dma_start3A_138 = tpu.memref_slice %arg19[%dma_start3A_136, %dma_start3A_137] : memref<10112x32xf32, #tpu.memory_space<vmem_shared>> -> memref<10112x32xf32, #tpu.memory_space<vmem_shared>>
      tpu.enqueue_indirect_dma source(%arg14 : memref<128x32xf32, #tpu.memory_space<vmem>>) target(%dma_start3A_138 : memref<10112x32xf32, #tpu.memory_space<vmem_shared>>) offsets(%dma_start3A_135 : memref<128xi32, #tpu.memory_space<vmem>>) semaphore(%run_scoped3A_132 : memref<!tpu.dma_semaphore, #tpu.memory_space<semaphore_mem>>) {add = true}
      %dma_wait3A_139 = arith.constant 0 : i32
      %dma_wait3A_140 = tpu.memref_slice %arg11[%run_scoped3A_85, %dma_wait3A_139] : memref<79x128xi32, #tpu.memory_space<vmem>> -> memref<1x128xi32, #tpu.memory_space<vmem>>
      %dma_wait3A_141 = tpu.memref_squeeze %dma_wait3A_140 : memref<1x128xi32, #tpu.memory_space<vmem>> -> memref<128xi32, #tpu.memory_space<vmem>>
      %dma_wait3A_142 = arith.constant 0 : i32
      %dma_wait3A_143 = arith.constant 0 : i32
      %dma_wait3A_144 = tpu.memref_slice %arg19[%dma_wait3A_142, %dma_wait3A_143] : memref<10112x32xf32, #tpu.memory_space<vmem_shared>> -> memref<10112x32xf32, #tpu.memory_space<vmem_shared>>
      tpu.wait_indirect_dma semaphore(%run_scoped3A_132 : memref<!tpu.dma_semaphore, #tpu.memory_space<semaphore_mem>>) src(%arg14 : memref<128x32xf32, #tpu.memory_space<vmem>>) dst(%dma_wait3A_144 : memref<10112x32xf32, #tpu.memory_space<vmem_shared>>)
      tpu.yield
    }) : () -> ()
    %run_scoped3A_86 = arith.constant 74 : i32
    "tpu.region"() ({
      %run_scoped3A_132 = tpu.sem_alloc : memref<!tpu.dma_semaphore, #tpu.memory_space<semaphore_mem>>
      %dma_start3A_133 = arith.constant 0 : i32
      %dma_start3A_134 = tpu.memref_slice %arg11[%run_scoped3A_86, %dma_start3A_133] : memref<79x128xi32, #tpu.memory_space<vmem>> -> memref<1x128xi32, #tpu.memory_space<vmem>>
      %dma_start3A_135 = tpu.memref_squeeze %dma_start3A_134 : memref<1x128xi32, #tpu.memory_space<vmem>> -> memref<128xi32, #tpu.memory_space<vmem>>
      %dma_start3A_136 = arith.constant 0 : i32
      %dma_start3A_137 = arith.constant 0 : i32
      %dma_start3A_138 = tpu.memref_slice %arg20[%dma_start3A_136, %dma_start3A_137] : memref<10112x16xf32, #tpu.memory_space<vmem_shared>> -> memref<10112x16xf32, #tpu.memory_space<vmem_shared>>
      tpu.enqueue_indirect_dma source(%arg18 : memref<128x16xf32, #tpu.memory_space<vmem>>) target(%dma_start3A_138 : memref<10112x16xf32, #tpu.memory_space<vmem_shared>>) offsets(%dma_start3A_135 : memref<128xi32, #tpu.memory_space<vmem>>) semaphore(%run_scoped3A_132 : memref<!tpu.dma_semaphore, #tpu.memory_space<semaphore_mem>>) {add = true}
      %dma_wait3A_139 = arith.constant 0 : i32
      %dma_wait3A_140 = tpu.memref_slice %arg11[%run_scoped3A_86, %dma_wait3A_139] : memref<79x128xi32, #tpu.memory_space<vmem>> -> memref<1x128xi32, #tpu.memory_space<vmem>>
      %dma_wait3A_141 = tpu.memref_squeeze %dma_wait3A_140 : memref<1x128xi32, #tpu.memory_space<vmem>> -> memref<128xi32, #tpu.memory_space<vmem>>
      %dma_wait3A_142 = arith.constant 0 : i32
      %dma_wait3A_143 = arith.constant 0 : i32
      %dma_wait3A_144 = tpu.memref_slice %arg20[%dma_wait3A_142, %dma_wait3A_143] : memref<10112x16xf32, #tpu.memory_space<vmem_shared>> -> memref<10112x16xf32, #tpu.memory_space<vmem_shared>>
      tpu.wait_indirect_dma semaphore(%run_scoped3A_132 : memref<!tpu.dma_semaphore, #tpu.memory_space<semaphore_mem>>) src(%arg18 : memref<128x16xf32, #tpu.memory_space<vmem>>) dst(%dma_wait3A_144 : memref<10112x16xf32, #tpu.memory_space<vmem_shared>>)
      tpu.yield
    }) : () -> ()
    %dma_wait3A_87 = arith.constant 75 : i32
    %dma_wait3A_88 = arith.constant 0 : i32
    %dma_wait3A_89 = tpu.memref_slice %arg10[%dma_wait3A_87, %dma_wait3A_88] : memref<79x128xi32, #tpu.memory_space<vmem>> -> memref<1x128xi32, #tpu.memory_space<vmem>>
    %dma_wait3A_90 = tpu.memref_squeeze %dma_wait3A_89 : memref<1x128xi32, #tpu.memory_space<vmem>> -> memref<128xi32, #tpu.memory_space<vmem>>
    %dma_wait3A_91 = arith.constant 0 : i32
    %dma_wait3A_92 = arith.constant 0 : i32
    %dma_wait3A_93 = tpu.memref_slice %arg2[%dma_wait3A_91, %dma_wait3A_92] : memref<10000x32xf32, #tpu.memory_space<hbm>> -> memref<10000x32xf32, #tpu.memory_space<hbm>>
    tpu.wait_indirect_dma semaphore(%arg24 : memref<!tpu.dma_semaphore, #tpu.memory_space<semaphore_mem>>) src(%dma_wait3A_93 : memref<10000x32xf32, #tpu.memory_space<hbm>>) dst(%arg15 : memref<128x32xf32, #tpu.memory_space<vmem>>)
    %run_scoped3A_94 = arith.constant 75 : i32
    "tpu.region"() ({
      %run_scoped3A_132 = tpu.sem_alloc : memref<!tpu.dma_semaphore, #tpu.memory_space<semaphore_mem>>
      %dma_start3A_133 = arith.constant 0 : i32
      %dma_start3A_134 = tpu.memref_slice %arg11[%run_scoped3A_94, %dma_start3A_133] : memref<79x128xi32, #tpu.memory_space<vmem>> -> memref<1x128xi32, #tpu.memory_space<vmem>>
      %dma_start3A_135 = tpu.memref_squeeze %dma_start3A_134 : memref<1x128xi32, #tpu.memory_space<vmem>> -> memref<128xi32, #tpu.memory_space<vmem>>
      %dma_start3A_136 = arith.constant 0 : i32
      %dma_start3A_137 = arith.constant 0 : i32
      %dma_start3A_138 = tpu.memref_slice %arg19[%dma_start3A_136, %dma_start3A_137] : memref<10112x32xf32, #tpu.memory_space<vmem_shared>> -> memref<10112x32xf32, #tpu.memory_space<vmem_shared>>
      tpu.enqueue_indirect_dma source(%arg15 : memref<128x32xf32, #tpu.memory_space<vmem>>) target(%dma_start3A_138 : memref<10112x32xf32, #tpu.memory_space<vmem_shared>>) offsets(%dma_start3A_135 : memref<128xi32, #tpu.memory_space<vmem>>) semaphore(%run_scoped3A_132 : memref<!tpu.dma_semaphore, #tpu.memory_space<semaphore_mem>>) {add = true}
      %dma_wait3A_139 = arith.constant 0 : i32
      %dma_wait3A_140 = tpu.memref_slice %arg11[%run_scoped3A_94, %dma_wait3A_139] : memref<79x128xi32, #tpu.memory_space<vmem>> -> memref<1x128xi32, #tpu.memory_space<vmem>>
      %dma_wait3A_141 = tpu.memref_squeeze %dma_wait3A_140 : memref<1x128xi32, #tpu.memory_space<vmem>> -> memref<128xi32, #tpu.memory_space<vmem>>
      %dma_wait3A_142 = arith.constant 0 : i32
      %dma_wait3A_143 = arith.constant 0 : i32
      %dma_wait3A_144 = tpu.memref_slice %arg19[%dma_wait3A_142, %dma_wait3A_143] : memref<10112x32xf32, #tpu.memory_space<vmem_shared>> -> memref<10112x32xf32, #tpu.memory_space<vmem_shared>>
      tpu.wait_indirect_dma semaphore(%run_scoped3A_132 : memref<!tpu.dma_semaphore, #tpu.memory_space<semaphore_mem>>) src(%arg15 : memref<128x32xf32, #tpu.memory_space<vmem>>) dst(%dma_wait3A_144 : memref<10112x32xf32, #tpu.memory_space<vmem_shared>>)
      tpu.yield
    }) : () -> ()
    %run_scoped3A_95 = arith.constant 75 : i32
    "tpu.region"() ({
      %run_scoped3A_132 = tpu.sem_alloc : memref<!tpu.dma_semaphore, #tpu.memory_space<semaphore_mem>>
      %dma_start3A_133 = arith.constant 0 : i32
      %dma_start3A_134 = tpu.memref_slice %arg11[%run_scoped3A_95, %dma_start3A_133] : memref<79x128xi32, #tpu.memory_space<vmem>> -> memref<1x128xi32, #tpu.memory_space<vmem>>
      %dma_start3A_135 = tpu.memref_squeeze %dma_start3A_134 : memref<1x128xi32, #tpu.memory_space<vmem>> -> memref<128xi32, #tpu.memory_space<vmem>>
      %dma_start3A_136 = arith.constant 0 : i32
      %dma_start3A_137 = arith.constant 0 : i32
      %dma_start3A_138 = tpu.memref_slice %arg20[%dma_start3A_136, %dma_start3A_137] : memref<10112x16xf32, #tpu.memory_space<vmem_shared>> -> memref<10112x16xf32, #tpu.memory_space<vmem_shared>>
      tpu.enqueue_indirect_dma source(%arg18 : memref<128x16xf32, #tpu.memory_space<vmem>>) target(%dma_start3A_138 : memref<10112x16xf32, #tpu.memory_space<vmem_shared>>) offsets(%dma_start3A_135 : memref<128xi32, #tpu.memory_space<vmem>>) semaphore(%run_scoped3A_132 : memref<!tpu.dma_semaphore, #tpu.memory_space<semaphore_mem>>) {add = true}
      %dma_wait3A_139 = arith.constant 0 : i32
      %dma_wait3A_140 = tpu.memref_slice %arg11[%run_scoped3A_95, %dma_wait3A_139] : memref<79x128xi32, #tpu.memory_space<vmem>> -> memref<1x128xi32, #tpu.memory_space<vmem>>
      %dma_wait3A_141 = tpu.memref_squeeze %dma_wait3A_140 : memref<1x128xi32, #tpu.memory_space<vmem>> -> memref<128xi32, #tpu.memory_space<vmem>>
      %dma_wait3A_142 = arith.constant 0 : i32
      %dma_wait3A_143 = arith.constant 0 : i32
      %dma_wait3A_144 = tpu.memref_slice %arg20[%dma_wait3A_142, %dma_wait3A_143] : memref<10112x16xf32, #tpu.memory_space<vmem_shared>> -> memref<10112x16xf32, #tpu.memory_space<vmem_shared>>
      tpu.wait_indirect_dma semaphore(%run_scoped3A_132 : memref<!tpu.dma_semaphore, #tpu.memory_space<semaphore_mem>>) src(%arg18 : memref<128x16xf32, #tpu.memory_space<vmem>>) dst(%dma_wait3A_144 : memref<10112x16xf32, #tpu.memory_space<vmem_shared>>)
      tpu.yield
    }) : () -> ()
    %dma_wait3A_96 = arith.constant 76 : i32
    %dma_wait3A_97 = arith.constant 0 : i32
    %dma_wait3A_98 = tpu.memref_slice %arg10[%dma_wait3A_96, %dma_wait3A_97] : memref<79x128xi32, #tpu.memory_space<vmem>> -> memref<1x128xi32, #tpu.memory_space<vmem>>
    %dma_wait3A_99 = tpu.memref_squeeze %dma_wait3A_98 : memref<1x128xi32, #tpu.memory_space<vmem>> -> memref<128xi32, #tpu.memory_space<vmem>>
    %dma_wait3A_100 = arith.constant 0 : i32
    %dma_wait3A_101 = arith.constant 0 : i32
    %dma_wait3A_102 = tpu.memref_slice %arg2[%dma_wait3A_100, %dma_wait3A_101] : memref<10000x32xf32, #tpu.memory_space<hbm>> -> memref<10000x32xf32, #tpu.memory_space<hbm>>
    tpu.wait_indirect_dma semaphore(%arg25 : memref<!tpu.dma_semaphore, #tpu.memory_space<semaphore_mem>>) src(%dma_wait3A_102 : memref<10000x32xf32, #tpu.memory_space<hbm>>) dst(%arg16 : memref<128x32xf32, #tpu.memory_space<vmem>>)
    %run_scoped3A_103 = arith.constant 76 : i32
    "tpu.region"() ({
      %run_scoped3A_132 = tpu.sem_alloc : memref<!tpu.dma_semaphore, #tpu.memory_space<semaphore_mem>>
      %dma_start3A_133 = arith.constant 0 : i32
      %dma_start3A_134 = tpu.memref_slice %arg11[%run_scoped3A_103, %dma_start3A_133] : memref<79x128xi32, #tpu.memory_space<vmem>> -> memref<1x128xi32, #tpu.memory_space<vmem>>
      %dma_start3A_135 = tpu.memref_squeeze %dma_start3A_134 : memref<1x128xi32, #tpu.memory_space<vmem>> -> memref<128xi32, #tpu.memory_space<vmem>>
      %dma_start3A_136 = arith.constant 0 : i32
      %dma_start3A_137 = arith.constant 0 : i32
      %dma_start3A_138 = tpu.memref_slice %arg19[%dma_start3A_136, %dma_start3A_137] : memref<10112x32xf32, #tpu.memory_space<vmem_shared>> -> memref<10112x32xf32, #tpu.memory_space<vmem_shared>>
      tpu.enqueue_indirect_dma source(%arg16 : memref<128x32xf32, #tpu.memory_space<vmem>>) target(%dma_start3A_138 : memref<10112x32xf32, #tpu.memory_space<vmem_shared>>) offsets(%dma_start3A_135 : memref<128xi32, #tpu.memory_space<vmem>>) semaphore(%run_scoped3A_132 : memref<!tpu.dma_semaphore, #tpu.memory_space<semaphore_mem>>) {add = true}
      %dma_wait3A_139 = arith.constant 0 : i32
      %dma_wait3A_140 = tpu.memref_slice %arg11[%run_scoped3A_103, %dma_wait3A_139] : memref<79x128xi32, #tpu.memory_space<vmem>> -> memref<1x128xi32, #tpu.memory_space<vmem>>
      %dma_wait3A_141 = tpu.memref_squeeze %dma_wait3A_140 : memref<1x128xi32, #tpu.memory_space<vmem>> -> memref<128xi32, #tpu.memory_space<vmem>>
      %dma_wait3A_142 = arith.constant 0 : i32
      %dma_wait3A_143 = arith.constant 0 : i32
      %dma_wait3A_144 = tpu.memref_slice %arg19[%dma_wait3A_142, %dma_wait3A_143] : memref<10112x32xf32, #tpu.memory_space<vmem_shared>> -> memref<10112x32xf32, #tpu.memory_space<vmem_shared>>
      tpu.wait_indirect_dma semaphore(%run_scoped3A_132 : memref<!tpu.dma_semaphore, #tpu.memory_space<semaphore_mem>>) src(%arg16 : memref<128x32xf32, #tpu.memory_space<vmem>>) dst(%dma_wait3A_144 : memref<10112x32xf32, #tpu.memory_space<vmem_shared>>)
      tpu.yield
    }) : () -> ()
    %run_scoped3A_104 = arith.constant 76 : i32
    "tpu.region"() ({
      %run_scoped3A_132 = tpu.sem_alloc : memref<!tpu.dma_semaphore, #tpu.memory_space<semaphore_mem>>
      %dma_start3A_133 = arith.constant 0 : i32
      %dma_start3A_134 = tpu.memref_slice %arg11[%run_scoped3A_104, %dma_start3A_133] : memref<79x128xi32, #tpu.memory_space<vmem>> -> memref<1x128xi32, #tpu.memory_space<vmem>>
      %dma_start3A_135 = tpu.memref_squeeze %dma_start3A_134 : memref<1x128xi32, #tpu.memory_space<vmem>> -> memref<128xi32, #tpu.memory_space<vmem>>
      %dma_start3A_136 = arith.constant 0 : i32
      %dma_start3A_137 = arith.constant 0 : i32
      %dma_start3A_138 = tpu.memref_slice %arg20[%dma_start3A_136, %dma_start3A_137] : memref<10112x16xf32, #tpu.memory_space<vmem_shared>> -> memref<10112x16xf32, #tpu.memory_space<vmem_shared>>
      tpu.enqueue_indirect_dma source(%arg18 : memref<128x16xf32, #tpu.memory_space<vmem>>) target(%dma_start3A_138 : memref<10112x16xf32, #tpu.memory_space<vmem_shared>>) offsets(%dma_start3A_135 : memref<128xi32, #tpu.memory_space<vmem>>) semaphore(%run_scoped3A_132 : memref<!tpu.dma_semaphore, #tpu.memory_space<semaphore_mem>>) {add = true}
      %dma_wait3A_139 = arith.constant 0 : i32
      %dma_wait3A_140 = tpu.memref_slice %arg11[%run_scoped3A_104, %dma_wait3A_139] : memref<79x128xi32, #tpu.memory_space<vmem>> -> memref<1x128xi32, #tpu.memory_space<vmem>>
      %dma_wait3A_141 = tpu.memref_squeeze %dma_wait3A_140 : memref<1x128xi32, #tpu.memory_space<vmem>> -> memref<128xi32, #tpu.memory_space<vmem>>
      %dma_wait3A_142 = arith.constant 0 : i32
      %dma_wait3A_143 = arith.constant 0 : i32
      %dma_wait3A_144 = tpu.memref_slice %arg20[%dma_wait3A_142, %dma_wait3A_143] : memref<10112x16xf32, #tpu.memory_space<vmem_shared>> -> memref<10112x16xf32, #tpu.memory_space<vmem_shared>>
      tpu.wait_indirect_dma semaphore(%run_scoped3A_132 : memref<!tpu.dma_semaphore, #tpu.memory_space<semaphore_mem>>) src(%arg18 : memref<128x16xf32, #tpu.memory_space<vmem>>) dst(%dma_wait3A_144 : memref<10112x16xf32, #tpu.memory_space<vmem_shared>>)
      tpu.yield
    }) : () -> ()
    %dma_wait3A_105 = arith.constant 77 : i32
    %dma_wait3A_106 = arith.constant 0 : i32
    %dma_wait3A_107 = tpu.memref_slice %arg10[%dma_wait3A_105, %dma_wait3A_106] : memref<79x128xi32, #tpu.memory_space<vmem>> -> memref<1x128xi32, #tpu.memory_space<vmem>>
    %dma_wait3A_108 = tpu.memref_squeeze %dma_wait3A_107 : memref<1x128xi32, #tpu.memory_space<vmem>> -> memref<128xi32, #tpu.memory_space<vmem>>
    %dma_wait3A_109 = arith.constant 0 : i32
    %dma_wait3A_110 = arith.constant 0 : i32
    %dma_wait3A_111 = tpu.memref_slice %arg2[%dma_wait3A_109, %dma_wait3A_110] : memref<10000x32xf32, #tpu.memory_space<hbm>> -> memref<10000x32xf32, #tpu.memory_space<hbm>>
    tpu.wait_indirect_dma semaphore(%arg26 : memref<!tpu.dma_semaphore, #tpu.memory_space<semaphore_mem>>) src(%dma_wait3A_111 : memref<10000x32xf32, #tpu.memory_space<hbm>>) dst(%arg17 : memref<128x32xf32, #tpu.memory_space<vmem>>)
    %run_scoped3A_112 = arith.constant 77 : i32
    "tpu.region"() ({
      %run_scoped3A_132 = tpu.sem_alloc : memref<!tpu.dma_semaphore, #tpu.memory_space<semaphore_mem>>
      %dma_start3A_133 = arith.constant 0 : i32
      %dma_start3A_134 = tpu.memref_slice %arg11[%run_scoped3A_112, %dma_start3A_133] : memref<79x128xi32, #tpu.memory_space<vmem>> -> memref<1x128xi32, #tpu.memory_space<vmem>>
      %dma_start3A_135 = tpu.memref_squeeze %dma_start3A_134 : memref<1x128xi32, #tpu.memory_space<vmem>> -> memref<128xi32, #tpu.memory_space<vmem>>
      %dma_start3A_136 = arith.constant 0 : i32
      %dma_start3A_137 = arith.constant 0 : i32
      %dma_start3A_138 = tpu.memref_slice %arg19[%dma_start3A_136, %dma_start3A_137] : memref<10112x32xf32, #tpu.memory_space<vmem_shared>> -> memref<10112x32xf32, #tpu.memory_space<vmem_shared>>
      tpu.enqueue_indirect_dma source(%arg17 : memref<128x32xf32, #tpu.memory_space<vmem>>) target(%dma_start3A_138 : memref<10112x32xf32, #tpu.memory_space<vmem_shared>>) offsets(%dma_start3A_135 : memref<128xi32, #tpu.memory_space<vmem>>) semaphore(%run_scoped3A_132 : memref<!tpu.dma_semaphore, #tpu.memory_space<semaphore_mem>>) {add = true}
      %dma_wait3A_139 = arith.constant 0 : i32
      %dma_wait3A_140 = tpu.memref_slice %arg11[%run_scoped3A_112, %dma_wait3A_139] : memref<79x128xi32, #tpu.memory_space<vmem>> -> memref<1x128xi32, #tpu.memory_space<vmem>>
      %dma_wait3A_141 = tpu.memref_squeeze %dma_wait3A_140 : memref<1x128xi32, #tpu.memory_space<vmem>> -> memref<128xi32, #tpu.memory_space<vmem>>
      %dma_wait3A_142 = arith.constant 0 : i32
      %dma_wait3A_143 = arith.constant 0 : i32
      %dma_wait3A_144 = tpu.memref_slice %arg19[%dma_wait3A_142, %dma_wait3A_143] : memref<10112x32xf32, #tpu.memory_space<vmem_shared>> -> memref<10112x32xf32, #tpu.memory_space<vmem_shared>>
      tpu.wait_indirect_dma semaphore(%run_scoped3A_132 : memref<!tpu.dma_semaphore, #tpu.memory_space<semaphore_mem>>) src(%arg17 : memref<128x32xf32, #tpu.memory_space<vmem>>) dst(%dma_wait3A_144 : memref<10112x32xf32, #tpu.memory_space<vmem_shared>>)
      tpu.yield
    }) : () -> ()
    %run_scoped3A_113 = arith.constant 77 : i32
    "tpu.region"() ({
      %run_scoped3A_132 = tpu.sem_alloc : memref<!tpu.dma_semaphore, #tpu.memory_space<semaphore_mem>>
      %dma_start3A_133 = arith.constant 0 : i32
      %dma_start3A_134 = tpu.memref_slice %arg11[%run_scoped3A_113, %dma_start3A_133] : memref<79x128xi32, #tpu.memory_space<vmem>> -> memref<1x128xi32, #tpu.memory_space<vmem>>
      %dma_start3A_135 = tpu.memref_squeeze %dma_start3A_134 : memref<1x128xi32, #tpu.memory_space<vmem>> -> memref<128xi32, #tpu.memory_space<vmem>>
      %dma_start3A_136 = arith.constant 0 : i32
      %dma_start3A_137 = arith.constant 0 : i32
      %dma_start3A_138 = tpu.memref_slice %arg20[%dma_start3A_136, %dma_start3A_137] : memref<10112x16xf32, #tpu.memory_space<vmem_shared>> -> memref<10112x16xf32, #tpu.memory_space<vmem_shared>>
      tpu.enqueue_indirect_dma source(%arg18 : memref<128x16xf32, #tpu.memory_space<vmem>>) target(%dma_start3A_138 : memref<10112x16xf32, #tpu.memory_space<vmem_shared>>) offsets(%dma_start3A_135 : memref<128xi32, #tpu.memory_space<vmem>>) semaphore(%run_scoped3A_132 : memref<!tpu.dma_semaphore, #tpu.memory_space<semaphore_mem>>) {add = true}
      %dma_wait3A_139 = arith.constant 0 : i32
      %dma_wait3A_140 = tpu.memref_slice %arg11[%run_scoped3A_113, %dma_wait3A_139] : memref<79x128xi32, #tpu.memory_space<vmem>> -> memref<1x128xi32, #tpu.memory_space<vmem>>
      %dma_wait3A_141 = tpu.memref_squeeze %dma_wait3A_140 : memref<1x128xi32, #tpu.memory_space<vmem>> -> memref<128xi32, #tpu.memory_space<vmem>>
      %dma_wait3A_142 = arith.constant 0 : i32
      %dma_wait3A_143 = arith.constant 0 : i32
      %dma_wait3A_144 = tpu.memref_slice %arg20[%dma_wait3A_142, %dma_wait3A_143] : memref<10112x16xf32, #tpu.memory_space<vmem_shared>> -> memref<10112x16xf32, #tpu.memory_space<vmem_shared>>
      tpu.wait_indirect_dma semaphore(%run_scoped3A_132 : memref<!tpu.dma_semaphore, #tpu.memory_space<semaphore_mem>>) src(%arg18 : memref<128x16xf32, #tpu.memory_space<vmem>>) dst(%dma_wait3A_144 : memref<10112x16xf32, #tpu.memory_space<vmem_shared>>)
      tpu.yield
    }) : () -> ()
    %dma_wait3A_114 = arith.constant 78 : i32
    %dma_wait3A_115 = arith.constant 0 : i32
    %dma_wait3A_116 = tpu.memref_slice %arg10[%dma_wait3A_114, %dma_wait3A_115] : memref<79x128xi32, #tpu.memory_space<vmem>> -> memref<1x128xi32, #tpu.memory_space<vmem>>
    %dma_wait3A_117 = tpu.memref_squeeze %dma_wait3A_116 : memref<1x128xi32, #tpu.memory_space<vmem>> -> memref<128xi32, #tpu.memory_space<vmem>>
    %dma_wait3A_118 = arith.constant 0 : i32
    %dma_wait3A_119 = arith.constant 0 : i32
    %dma_wait3A_120 = tpu.memref_slice %arg2[%dma_wait3A_118, %dma_wait3A_119] : memref<10000x32xf32, #tpu.memory_space<hbm>> -> memref<10000x32xf32, #tpu.memory_space<hbm>>
    tpu.wait_indirect_dma semaphore(%arg21 : memref<!tpu.dma_semaphore, #tpu.memory_space<semaphore_mem>>) src(%dma_wait3A_120 : memref<10000x32xf32, #tpu.memory_space<hbm>>) dst(%arg12 : memref<128x32xf32, #tpu.memory_space<vmem>>)
    %run_scoped3A_121 = arith.constant 78 : i32
    "tpu.region"() ({
      %run_scoped3A_132 = tpu.sem_alloc : memref<!tpu.dma_semaphore, #tpu.memory_space<semaphore_mem>>
      %dma_start3A_133 = arith.constant 0 : i32
      %dma_start3A_134 = tpu.memref_slice %arg11[%run_scoped3A_121, %dma_start3A_133] : memref<79x128xi32, #tpu.memory_space<vmem>> -> memref<1x128xi32, #tpu.memory_space<vmem>>
      %dma_start3A_135 = tpu.memref_squeeze %dma_start3A_134 : memref<1x128xi32, #tpu.memory_space<vmem>> -> memref<128xi32, #tpu.memory_space<vmem>>
      %dma_start3A_136 = arith.constant 0 : i32
      %dma_start3A_137 = arith.constant 0 : i32
      %dma_start3A_138 = tpu.memref_slice %arg19[%dma_start3A_136, %dma_start3A_137] : memref<10112x32xf32, #tpu.memory_space<vmem_shared>> -> memref<10112x32xf32, #tpu.memory_space<vmem_shared>>
      tpu.enqueue_indirect_dma source(%arg12 : memref<128x32xf32, #tpu.memory_space<vmem>>) target(%dma_start3A_138 : memref<10112x32xf32, #tpu.memory_space<vmem_shared>>) offsets(%dma_start3A_135 : memref<128xi32, #tpu.memory_space<vmem>>) semaphore(%run_scoped3A_132 : memref<!tpu.dma_semaphore, #tpu.memory_space<semaphore_mem>>) {add = true}
      %dma_wait3A_139 = arith.constant 0 : i32
      %dma_wait3A_140 = tpu.memref_slice %arg11[%run_scoped3A_121, %dma_wait3A_139] : memref<79x128xi32, #tpu.memory_space<vmem>> -> memref<1x128xi32, #tpu.memory_space<vmem>>
      %dma_wait3A_141 = tpu.memref_squeeze %dma_wait3A_140 : memref<1x128xi32, #tpu.memory_space<vmem>> -> memref<128xi32, #tpu.memory_space<vmem>>
      %dma_wait3A_142 = arith.constant 0 : i32
      %dma_wait3A_143 = arith.constant 0 : i32
      %dma_wait3A_144 = tpu.memref_slice %arg19[%dma_wait3A_142, %dma_wait3A_143] : memref<10112x32xf32, #tpu.memory_space<vmem_shared>> -> memref<10112x32xf32, #tpu.memory_space<vmem_shared>>
      tpu.wait_indirect_dma semaphore(%run_scoped3A_132 : memref<!tpu.dma_semaphore, #tpu.memory_space<semaphore_mem>>) src(%arg12 : memref<128x32xf32, #tpu.memory_space<vmem>>) dst(%dma_wait3A_144 : memref<10112x32xf32, #tpu.memory_space<vmem_shared>>)
      tpu.yield
    }) : () -> ()
    %run_scoped3A_122 = arith.constant 78 : i32
    "tpu.region"() ({
      %run_scoped3A_132 = tpu.sem_alloc : memref<!tpu.dma_semaphore, #tpu.memory_space<semaphore_mem>>
      %dma_start3A_133 = arith.constant 0 : i32
      %dma_start3A_134 = tpu.memref_slice %arg11[%run_scoped3A_122, %dma_start3A_133] : memref<79x128xi32, #tpu.memory_space<vmem>> -> memref<1x128xi32, #tpu.memory_space<vmem>>
      %dma_start3A_135 = tpu.memref_squeeze %dma_start3A_134 : memref<1x128xi32, #tpu.memory_space<vmem>> -> memref<128xi32, #tpu.memory_space<vmem>>
      %dma_start3A_136 = arith.constant 0 : i32
      %dma_start3A_137 = arith.constant 0 : i32
      %dma_start3A_138 = tpu.memref_slice %arg20[%dma_start3A_136, %dma_start3A_137] : memref<10112x16xf32, #tpu.memory_space<vmem_shared>> -> memref<10112x16xf32, #tpu.memory_space<vmem_shared>>
      tpu.enqueue_indirect_dma source(%arg18 : memref<128x16xf32, #tpu.memory_space<vmem>>) target(%dma_start3A_138 : memref<10112x16xf32, #tpu.memory_space<vmem_shared>>) offsets(%dma_start3A_135 : memref<128xi32, #tpu.memory_space<vmem>>) semaphore(%run_scoped3A_132 : memref<!tpu.dma_semaphore, #tpu.memory_space<semaphore_mem>>) {add = true}
      %dma_wait3A_139 = arith.constant 0 : i32
      %dma_wait3A_140 = tpu.memref_slice %arg11[%run_scoped3A_122, %dma_wait3A_139] : memref<79x128xi32, #tpu.memory_space<vmem>> -> memref<1x128xi32, #tpu.memory_space<vmem>>
      %dma_wait3A_141 = tpu.memref_squeeze %dma_wait3A_140 : memref<1x128xi32, #tpu.memory_space<vmem>> -> memref<128xi32, #tpu.memory_space<vmem>>
      %dma_wait3A_142 = arith.constant 0 : i32
      %dma_wait3A_143 = arith.constant 0 : i32
      %dma_wait3A_144 = tpu.memref_slice %arg20[%dma_wait3A_142, %dma_wait3A_143] : memref<10112x16xf32, #tpu.memory_space<vmem_shared>> -> memref<10112x16xf32, #tpu.memory_space<vmem_shared>>
      tpu.wait_indirect_dma semaphore(%run_scoped3A_132 : memref<!tpu.dma_semaphore, #tpu.memory_space<semaphore_mem>>) src(%arg18 : memref<128x16xf32, #tpu.memory_space<vmem>>) dst(%dma_wait3A_144 : memref<10112x16xf32, #tpu.memory_space<vmem_shared>>)
      tpu.yield
    }) : () -> ()
    %barrier3A_123 = arith.constant 0 : index
    tpu.barrier barrier_id(%barrier3A_123)
    %mul3A_124 = arith.constant 632 : i32
    %mul3A_125 = arith.muli %arg1, %mul3A_124 : i32
    %mul3A_126 = arith.constant 632 : i32
    %mul3A_127 = arith.muli %arg1, %mul3A_126 : i32
    "tpu.region"() ({
      %run_scoped3A_132 = tpu.sem_alloc : memref<!tpu.dma_semaphore, #tpu.memory_space<semaphore_mem>>
      %dma_start3A_133 = arith.constant 0 : i32
      %dma_start3A_134 = arith.constant 0 : i32
      %dma_start3A_135 = tpu.memref_slice %arg8[%arg0, %dma_start3A_133, %dma_start3A_134] : memref<2x10112x32xf32, #tpu.memory_space<hbm>> -> memref<1x10112x32xf32, #tpu.memory_space<hbm>>
      %dma_start3A_136 = tpu.memref_squeeze %dma_start3A_135 : memref<1x10112x32xf32, #tpu.memory_space<hbm>> -> memref<10112x32xf32, #tpu.memory_space<hbm>>
      %dma_start3A_137 = arith.constant 0 : i32
      %dma_start3A_138 = tpu.memref_slice %dma_start3A_136[%mul3A_127, %dma_start3A_137] : memref<10112x32xf32, #tpu.memory_space<hbm>> -> memref<632x32xf32, #tpu.memory_space<hbm>>
      %dma_start3A_139 = arith.constant 0 : i32
      %dma_start3A_140 = tpu.memref_slice %arg19[%mul3A_125, %dma_start3A_139] : memref<10112x32xf32, #tpu.memory_space<vmem_shared>> -> memref<632x32xf32, #tpu.memory_space<vmem_shared>>
      tpu.enqueue_dma source(%dma_start3A_140 : memref<632x32xf32, #tpu.memory_space<vmem_shared>>) target(%dma_start3A_138 : memref<632x32xf32, #tpu.memory_space<hbm>>) target_semaphore(%run_scoped3A_132 : memref<!tpu.dma_semaphore, #tpu.memory_space<semaphore_mem>>)
      %dma_wait3A_141 = arith.constant 0 : i32
      %dma_wait3A_142 = arith.constant 0 : i32
      %dma_wait3A_143 = tpu.memref_slice %arg8[%arg0, %dma_wait3A_141, %dma_wait3A_142] : memref<2x10112x32xf32, #tpu.memory_space<hbm>> -> memref<1x10112x32xf32, #tpu.memory_space<hbm>>
      %dma_wait3A_144 = tpu.memref_squeeze %dma_wait3A_143 : memref<1x10112x32xf32, #tpu.memory_space<hbm>> -> memref<10112x32xf32, #tpu.memory_space<hbm>>
      %dma_wait3A_145 = arith.constant 0 : i32
      %dma_wait3A_146 = tpu.memref_slice %dma_wait3A_144[%mul3A_127, %dma_wait3A_145] : memref<10112x32xf32, #tpu.memory_space<hbm>> -> memref<632x32xf32, #tpu.memory_space<hbm>>
      %dma_wait3A_147 = arith.constant 0 : i32
      %dma_wait3A_148 = tpu.memref_slice %arg19[%mul3A_125, %dma_wait3A_147] : memref<10112x32xf32, #tpu.memory_space<vmem_shared>> -> memref<632x32xf32, #tpu.memory_space<vmem_shared>>
      tpu.wait_dma2 semaphore(%run_scoped3A_132 : memref<!tpu.dma_semaphore, #tpu.memory_space<semaphore_mem>>) src(%dma_wait3A_148 : memref<632x32xf32, #tpu.memory_space<vmem_shared>>) dst(%dma_wait3A_146 : memref<632x32xf32, #tpu.memory_space<hbm>>)
      tpu.yield
    }) : () -> ()
    %mul3A_128 = arith.constant 632 : i32
    %mul3A_129 = arith.muli %arg1, %mul3A_128 : i32
    %mul3A_130 = arith.constant 632 : i32
    %mul3A_131 = arith.muli %arg1, %mul3A_130 : i32
    "tpu.region"() ({
      %run_scoped3A_132 = tpu.sem_alloc : memref<!tpu.dma_semaphore, #tpu.memory_space<semaphore_mem>>
      %dma_start3A_133 = arith.constant 0 : i32
      %dma_start3A_134 = arith.constant 0 : i32
      %dma_start3A_135 = tpu.memref_slice %arg9[%arg0, %dma_start3A_133, %dma_start3A_134] : memref<2x10112x16xf32, #tpu.memory_space<hbm>> -> memref<1x10112x16xf32, #tpu.memory_space<hbm>>
      %dma_start3A_136 = tpu.memref_squeeze %dma_start3A_135 : memref<1x10112x16xf32, #tpu.memory_space<hbm>> -> memref<10112x16xf32, #tpu.memory_space<hbm>>
      %dma_start3A_137 = arith.constant 0 : i32
      %dma_start3A_138 = tpu.memref_slice %dma_start3A_136[%mul3A_131, %dma_start3A_137] : memref<10112x16xf32, #tpu.memory_space<hbm>> -> memref<632x16xf32, #tpu.memory_space<hbm>>
      %dma_start3A_139 = arith.constant 0 : i32
      %dma_start3A_140 = tpu.memref_slice %arg20[%mul3A_129, %dma_start3A_139] : memref<10112x16xf32, #tpu.memory_space<vmem_shared>> -> memref<632x16xf32, #tpu.memory_space<vmem_shared>>
      tpu.enqueue_dma source(%dma_start3A_140 : memref<632x16xf32, #tpu.memory_space<vmem_shared>>) target(%dma_start3A_138 : memref<632x16xf32, #tpu.memory_space<hbm>>) target_semaphore(%run_scoped3A_132 : memref<!tpu.dma_semaphore, #tpu.memory_space<semaphore_mem>>)
      %dma_wait3A_141 = arith.constant 0 : i32
      %dma_wait3A_142 = arith.constant 0 : i32
      %dma_wait3A_143 = tpu.memref_slice %arg9[%arg0, %dma_wait3A_141, %dma_wait3A_142] : memref<2x10112x16xf32, #tpu.memory_space<hbm>> -> memref<1x10112x16xf32, #tpu.memory_space<hbm>>
      %dma_wait3A_144 = tpu.memref_squeeze %dma_wait3A_143 : memref<1x10112x16xf32, #tpu.memory_space<hbm>> -> memref<10112x16xf32, #tpu.memory_space<hbm>>
      %dma_wait3A_145 = arith.constant 0 : i32
      %dma_wait3A_146 = tpu.memref_slice %dma_wait3A_144[%mul3A_131, %dma_wait3A_145] : memref<10112x16xf32, #tpu.memory_space<hbm>> -> memref<632x16xf32, #tpu.memory_space<hbm>>
      %dma_wait3A_147 = arith.constant 0 : i32
      %dma_wait3A_148 = tpu.memref_slice %arg20[%mul3A_129, %dma_wait3A_147] : memref<10112x16xf32, #tpu.memory_space<vmem_shared>> -> memref<632x16xf32, #tpu.memory_space<vmem_shared>>
      tpu.wait_dma2 semaphore(%run_scoped3A_132 : memref<!tpu.dma_semaphore, #tpu.memory_space<semaphore_mem>>) src(%dma_wait3A_148 : memref<632x16xf32, #tpu.memory_space<vmem_shared>>) dst(%dma_wait3A_146 : memref<632x16xf32, #tpu.memory_space<hbm>>)
      tpu.yield
    }) : () -> ()
    return
  }
}

module attributes {stable_mosaic.version = 14 : i64} {
  func.func @_proj_body(%arg0: i32, %arg1: memref<1000x128xf32, #tpu.memory_space<vmem>>, %arg2: memref<128x32xf32, #tpu.memory_space<vmem>>, %arg3: memref<128x32xf32, #tpu.memory_space<vmem>>, %arg4: memref<1000x32xf32, #tpu.memory_space<vmem>>, %arg5: memref<1000x32xf32, #tpu.memory_space<vmem>>) attributes {dimension_semantics = [#tpu.dimension_semantics<arbitrary>], iteration_bounds = array<i64: 10>, scalar_prefetch = 0 : i64, scratch_operands = 0 : i64, tpu.core_type = #tpu.core_type<tc>, window_params = [{transform_indices = @transform_0, window_bounds = array<i64: 1000, 128>}, {pipeline_mode = #tpu.pipeline_mode<synchronous>, transform_indices = @transform_1, window_bounds = array<i64: 128, 32>}, {pipeline_mode = #tpu.pipeline_mode<synchronous>, transform_indices = @transform_2, window_bounds = array<i64: 128, 32>}, {transform_indices = @transform_3, window_bounds = array<i64: 1000, 32>}, {transform_indices = @transform_4, window_bounds = array<i64: 1000, 32>}]} {
    %get3A = arith.constant 0 : index
    %get3A_0 = arith.constant 0 : index
    %get3A_1 = vector.load %arg1[%get3A, %get3A_0] : memref<1000x128xf32, #tpu.memory_space<vmem>>, vector<1000x128xf32>
    %get3A_2 = arith.constant 0 : index
    %get3A_3 = arith.constant 0 : index
    %get3A_4 = vector.load %arg2[%get3A_2, %get3A_3] : memref<128x32xf32, #tpu.memory_space<vmem>>, vector<128x32xf32>
    %dot_general3A = arith.constant dense<0.000000e+00> : vector<1000x32xf32>
    %dot_general3A_5 = tpu.matmul %get3A_1, %get3A_4, %dot_general3A {dimension_numbers = #tpu.dot_dimension_numbers<[1], [0], [0], [1], [0, 0, 1, 1], [], []>, transpose_lhs_hint = false} : vector<1000x128xf32>, vector<128x32xf32>, vector<1000x32xf32> -> vector<1000x32xf32>
    %swap3A = arith.constant 0 : index
    %swap3A_6 = arith.constant 0 : index
    %swap3A_7 = vector.load %arg4[%swap3A, %swap3A_6] : memref<1000x32xf32, #tpu.memory_space<vmem>>, vector<1000x32xf32>
    tpu.vector_store %arg4[%swap3A, %swap3A_6], %dot_general3A_5 {strides = array<i32>} : memref<1000x32xf32, #tpu.memory_space<vmem>>, vector<1000x32xf32>,
    %get3A_8 = arith.constant 0 : index
    %get3A_9 = arith.constant 0 : index
    %get3A_10 = vector.load %arg3[%get3A_8, %get3A_9] : memref<128x32xf32, #tpu.memory_space<vmem>>, vector<128x32xf32>
    %dot_general3A_11 = arith.constant dense<0.000000e+00> : vector<1000x32xf32>
    %dot_general3A_12 = tpu.matmul %get3A_1, %get3A_10, %dot_general3A_11 {dimension_numbers = #tpu.dot_dimension_numbers<[1], [0], [0], [1], [0, 0, 1, 1], [], []>, transpose_lhs_hint = false} : vector<1000x128xf32>, vector<128x32xf32>, vector<1000x32xf32> -> vector<1000x32xf32>
    %swap3A_13 = arith.constant 0 : index
    %swap3A_14 = arith.constant 0 : index
    %swap3A_15 = vector.load %arg5[%swap3A_13, %swap3A_14] : memref<1000x32xf32, #tpu.memory_space<vmem>>, vector<1000x32xf32>
    tpu.vector_store %arg5[%swap3A_13, %swap3A_14], %dot_general3A_12 {strides = array<i32>} : memref<1000x32xf32, #tpu.memory_space<vmem>>, vector<1000x32xf32>,
    return
  }
  func.func @transform_0(%arg0: i32) -> (i32, i32) {
    %c0_i32 = arith.constant 0 : i32
    %c0_i32_0 = arith.constant 0 : i32
    return %arg0, %c0_i32 : i32, i32
  }
  func.func @transform_1(%arg0: i32) -> (i32, i32) {
    %c0_i32 = arith.constant 0 : i32
    %c0_i32_0 = arith.constant 0 : i32
    %c0_i32_1 = arith.constant 0 : i32
    return %c0_i32, %c0_i32_0 : i32, i32
  }
  func.func @transform_2(%arg0: i32) -> (i32, i32) {
    %c0_i32 = arith.constant 0 : i32
    %c0_i32_0 = arith.constant 0 : i32
    %c0_i32_1 = arith.constant 0 : i32
    return %c0_i32, %c0_i32_0 : i32, i32
  }
  func.func @transform_3(%arg0: i32) -> (i32, i32) {
    %c0_i32 = arith.constant 0 : i32
    %c0_i32_0 = arith.constant 0 : i32
    return %arg0, %c0_i32 : i32, i32
  }
  func.func @transform_4(%arg0: i32) -> (i32, i32) {
    %c0_i32 = arith.constant 0 : i32
    %c0_i32_0 = arith.constant 0 : i32
    return %arg0, %c0_i32 : i32, i32
  }
}

module attributes {stable_mosaic.version = 14 : i64} {
  func.func @_mid_body(%arg0: i32, %arg1: memref<2x1000x32xf32, #tpu.memory_space<vmem>>, %arg2: memref<2x1000x16xf32, #tpu.memory_space<vmem>>, %arg3: memref<1000x32xf32, #tpu.memory_space<vmem>>, %arg4: memref<32x32xf32, #tpu.memory_space<vmem>>, %arg5: memref<32x32xf32, #tpu.memory_space<vmem>>, %arg6: memref<1x32xf32, #tpu.memory_space<vmem>>, %arg7: memref<1000x32xf32, #tpu.memory_space<vmem>>, %arg8: memref<1000x32xf32, #tpu.memory_space<vmem>>) attributes {dimension_semantics = [#tpu.dimension_semantics<arbitrary>], iteration_bounds = array<i64: 10>, scalar_prefetch = 0 : i64, scratch_operands = 0 : i64, tpu.core_type = #tpu.core_type<tc>, window_params = [{transform_indices = @transform_0, window_bounds = array<i64: 2, 1000, 32>}, {transform_indices = @transform_1, window_bounds = array<i64: 2, 1000, 16>}, {transform_indices = @transform_2, window_bounds = array<i64: 1000, 32>}, {pipeline_mode = #tpu.pipeline_mode<synchronous>, transform_indices = @transform_3, window_bounds = array<i64: 32, 32>}, {pipeline_mode = #tpu.pipeline_mode<synchronous>, transform_indices = @transform_4, window_bounds = array<i64: 32, 32>}, {pipeline_mode = #tpu.pipeline_mode<synchronous>, transform_indices = @transform_5, window_bounds = array<i64: 1, 32>}, {transform_indices = @transform_6, window_bounds = array<i64: 1000, 32>}, {transform_indices = @transform_7, window_bounds = array<i64: 1000, 32>}]} {
    %get3A = arith.constant 0 : index
    %get3A_0 = arith.constant 0 : index
    %get3A_1 = arith.constant 0 : index
    %get3A_2 = vector.load %arg1[%get3A, %get3A_0, %get3A_1] : memref<2x1000x32xf32, #tpu.memory_space<vmem>>, vector<2x1000x32xf32>
    %get3A_3 = arith.constant 0 : index
    %get3A_4 = arith.constant 0 : index
    %get3A_5 = arith.constant 0 : index
    %get3A_6 = vector.load %arg2[%get3A_3, %get3A_4, %get3A_5] : memref<2x1000x16xf32, #tpu.memory_space<vmem>>, vector<2x1000x16xf32>
    %slice3A = vector.extract_strided_slice %get3A_2 {offsets = [0, 0, 0], sizes = [1, 1000, 32], strides = [1, 1, 1]} : vector<2x1000x32xf32> to vector<1x1000x32xf32>
    %squeeze3A = vector.shape_cast %slice3A : vector<1x1000x32xf32> to vector<1000x32xf32>
    %slice3A_7 = vector.extract_strided_slice %get3A_2 {offsets = [1, 0, 0], sizes = [1, 1000, 32], strides = [1, 1, 1]} : vector<2x1000x32xf32> to vector<1x1000x32xf32>
    %squeeze3A_8 = vector.shape_cast %slice3A_7 : vector<1x1000x32xf32> to vector<1000x32xf32>
    %add3A = arith.addf %squeeze3A, %squeeze3A_8 : vector<1000x32xf32>
    %slice3A_9 = vector.extract_strided_slice %get3A_6 {offsets = [0, 0, 0], sizes = [1, 1000, 1], strides = [1, 1, 1]} : vector<2x1000x16xf32> to vector<1x1000x1xf32>
    %squeeze3A_10 = vector.shape_cast %slice3A_9 : vector<1x1000x1xf32> to vector<1000x1xf32>
    %slice3A_11 = vector.extract_strided_slice %get3A_6 {offsets = [1, 0, 0], sizes = [1, 1000, 1], strides = [1, 1, 1]} : vector<2x1000x16xf32> to vector<1x1000x1xf32>
    %squeeze3A_12 = vector.shape_cast %slice3A_11 : vector<1x1000x1xf32> to vector<1000x1xf32>
    %add3A_13 = arith.addf %squeeze3A_10, %squeeze3A_12 : vector<1000x1xf32>
    %max3A = arith.constant 1.000000e+00 : f32
    %max3A_14 = vector.broadcast %max3A : f32 to vector<1000x1xf32>
    %max3A_15 = arith.maximumf %add3A_13, %max3A_14 : vector<1000x1xf32>
    %div3A = arith.constant 1.000000e+00 : f32
    %div3A_16 = vector.broadcast %div3A : f32 to vector<1000x1xf32>
    %div3A_17 = arith.divf %div3A_16, %max3A_15 : vector<1000x1xf32>
    %mul3A = vector.broadcast %div3A_17 : vector<1000x1xf32> to vector<1000x32xf32>
    %mul3A_18 = arith.mulf %add3A, %mul3A : vector<1000x32xf32>
    %get3A_19 = arith.constant 0 : index
    %get3A_20 = arith.constant 0 : index
    %get3A_21 = vector.load %arg3[%get3A_19, %get3A_20] : memref<1000x32xf32, #tpu.memory_space<vmem>>, vector<1000x32xf32>
    %add3A_22 = arith.addf %mul3A_18, %get3A_21 : vector<1000x32xf32>
    %get3A_23 = arith.constant 0 : index
    %get3A_24 = arith.constant 0 : index
    %get3A_25 = vector.load %arg6[%get3A_23, %get3A_24] : memref<1x32xf32, #tpu.memory_space<vmem>>, vector<1x32xf32>
    %add3A_26 = vector.broadcast %get3A_25 : vector<1x32xf32> to vector<1000x32xf32>
    %add3A_27 = arith.addf %add3A_22, %add3A_26 : vector<1000x32xf32>
    %max3A_28 = arith.constant 0.000000e+00 : f32
    %max3A_29 = vector.broadcast %max3A_28 : f32 to vector<1000x32xf32>
    %max3A_30 = arith.maximumf %add3A_27, %max3A_29 : vector<1000x32xf32>
    %get3A_31 = arith.constant 0 : index
    %get3A_32 = arith.constant 0 : index
    %get3A_33 = vector.load %arg4[%get3A_31, %get3A_32] : memref<32x32xf32, #tpu.memory_space<vmem>>, vector<32x32xf32>
    %dot_general3A = arith.constant dense<0.000000e+00> : vector<1000x32xf32>
    %dot_general3A_34 = tpu.matmul %max3A_30, %get3A_33, %dot_general3A {dimension_numbers = #tpu.dot_dimension_numbers<[1], [0], [0], [1], [0, 0, 1, 1], [], []>, transpose_lhs_hint = false} : vector<1000x32xf32>, vector<32x32xf32>, vector<1000x32xf32> -> vector<1000x32xf32>
    %swap3A = arith.constant 0 : index
    %swap3A_35 = arith.constant 0 : index
    %swap3A_36 = vector.load %arg7[%swap3A, %swap3A_35] : memref<1000x32xf32, #tpu.memory_space<vmem>>, vector<1000x32xf32>
    tpu.vector_store %arg7[%swap3A, %swap3A_35], %dot_general3A_34 {strides = array<i32>} : memref<1000x32xf32, #tpu.memory_space<vmem>>, vector<1000x32xf32>,
    %get3A_37 = arith.constant 0 : index
    %get3A_38 = arith.constant 0 : index
    %get3A_39 = vector.load %arg5[%get3A_37, %get3A_38] : memref<32x32xf32, #tpu.memory_space<vmem>>, vector<32x32xf32>
    %dot_general3A_40 = arith.constant dense<0.000000e+00> : vector<1000x32xf32>
    %dot_general3A_41 = tpu.matmul %max3A_30, %get3A_39, %dot_general3A_40 {dimension_numbers = #tpu.dot_dimension_numbers<[1], [0], [0], [1], [0, 0, 1, 1], [], []>, transpose_lhs_hint = false} : vector<1000x32xf32>, vector<32x32xf32>, vector<1000x32xf32> -> vector<1000x32xf32>
    %swap3A_42 = arith.constant 0 : index
    %swap3A_43 = arith.constant 0 : index
    %swap3A_44 = vector.load %arg8[%swap3A_42, %swap3A_43] : memref<1000x32xf32, #tpu.memory_space<vmem>>, vector<1000x32xf32>
    tpu.vector_store %arg8[%swap3A_42, %swap3A_43], %dot_general3A_41 {strides = array<i32>} : memref<1000x32xf32, #tpu.memory_space<vmem>>, vector<1000x32xf32>,
    return
  }
  func.func @transform_0(%arg0: i32) -> (i32, i32, i32) {
    %c0_i32 = arith.constant 0 : i32
    %c0_i32_0 = arith.constant 0 : i32
    %c0_i32_1 = arith.constant 0 : i32
    return %c0_i32, %arg0, %c0_i32_0 : i32, i32, i32
  }
  func.func @transform_1(%arg0: i32) -> (i32, i32, i32) {
    %c0_i32 = arith.constant 0 : i32
    %c0_i32_0 = arith.constant 0 : i32
    %c0_i32_1 = arith.constant 0 : i32
    return %c0_i32, %arg0, %c0_i32_0 : i32, i32, i32
  }
  func.func @transform_2(%arg0: i32) -> (i32, i32) {
    %c0_i32 = arith.constant 0 : i32
    %c0_i32_0 = arith.constant 0 : i32
    return %arg0, %c0_i32 : i32, i32
  }
  func.func @transform_3(%arg0: i32) -> (i32, i32) {
    %c0_i32 = arith.constant 0 : i32
    %c0_i32_0 = arith.constant 0 : i32
    %c0_i32_1 = arith.constant 0 : i32
    return %c0_i32, %c0_i32_0 : i32, i32
  }
  func.func @transform_4(%arg0: i32) -> (i32, i32) {
    %c0_i32 = arith.constant 0 : i32
    %c0_i32_0 = arith.constant 0 : i32
    %c0_i32_1 = arith.constant 0 : i32
    return %c0_i32, %c0_i32_0 : i32, i32
  }
  func.func @transform_5(%arg0: i32) -> (i32, i32) {
    %c0_i32 = arith.constant 0 : i32
    %c0_i32_0 = arith.constant 0 : i32
    %c0_i32_1 = arith.constant 0 : i32
    return %c0_i32, %c0_i32_0 : i32, i32
  }
  func.func @transform_6(%arg0: i32) -> (i32, i32) {
    %c0_i32 = arith.constant 0 : i32
    %c0_i32_0 = arith.constant 0 : i32
    return %arg0, %c0_i32 : i32, i32
  }
  func.func @transform_7(%arg0: i32) -> (i32, i32) {
    %c0_i32 = arith.constant 0 : i32
    %c0_i32_0 = arith.constant 0 : i32
    return %arg0, %c0_i32 : i32, i32
  }
}

module attributes {stable_mosaic.version = 14 : i64} {
  func.func @_fin_body(%arg0: i32, %arg1: memref<2x1000x32xf32, #tpu.memory_space<vmem>>, %arg2: memref<2x1000x16xf32, #tpu.memory_space<vmem>>, %arg3: memref<1000x32xf32, #tpu.memory_space<vmem>>, %arg4: memref<1x32xf32, #tpu.memory_space<vmem>>, %arg5: memref<32x3000xf32, #tpu.memory_space<vmem>>, %arg6: memref<1x3000xf32, #tpu.memory_space<vmem>>, %arg7: memref<1000x3000xf32, #tpu.memory_space<vmem>>) attributes {dimension_semantics = [#tpu.dimension_semantics<arbitrary>], iteration_bounds = array<i64: 10>, scalar_prefetch = 0 : i64, scratch_operands = 0 : i64, tpu.core_type = #tpu.core_type<tc>, window_params = [{transform_indices = @transform_0, window_bounds = array<i64: 2, 1000, 32>}, {transform_indices = @transform_1, window_bounds = array<i64: 2, 1000, 16>}, {transform_indices = @transform_2, window_bounds = array<i64: 1000, 32>}, {pipeline_mode = #tpu.pipeline_mode<synchronous>, transform_indices = @transform_3, window_bounds = array<i64: 1, 32>}, {pipeline_mode = #tpu.pipeline_mode<synchronous>, transform_indices = @transform_4, window_bounds = array<i64: 32, 3000>}, {pipeline_mode = #tpu.pipeline_mode<synchronous>, transform_indices = @transform_5, window_bounds = array<i64: 1, 3000>}, {transform_indices = @transform_6, window_bounds = array<i64: 1000, 3000>}]} {
    %get3A = arith.constant 0 : index
    %get3A_0 = arith.constant 0 : index
    %get3A_1 = arith.constant 0 : index
    %get3A_2 = vector.load %arg1[%get3A, %get3A_0, %get3A_1] : memref<2x1000x32xf32, #tpu.memory_space<vmem>>, vector<2x1000x32xf32>
    %get3A_3 = arith.constant 0 : index
    %get3A_4 = arith.constant 0 : index
    %get3A_5 = arith.constant 0 : index
    %get3A_6 = vector.load %arg2[%get3A_3, %get3A_4, %get3A_5] : memref<2x1000x16xf32, #tpu.memory_space<vmem>>, vector<2x1000x16xf32>
    %slice3A = vector.extract_strided_slice %get3A_2 {offsets = [0, 0, 0], sizes = [1, 1000, 32], strides = [1, 1, 1]} : vector<2x1000x32xf32> to vector<1x1000x32xf32>
    %squeeze3A = vector.shape_cast %slice3A : vector<1x1000x32xf32> to vector<1000x32xf32>
    %slice3A_7 = vector.extract_strided_slice %get3A_2 {offsets = [1, 0, 0], sizes = [1, 1000, 32], strides = [1, 1, 1]} : vector<2x1000x32xf32> to vector<1x1000x32xf32>
    %squeeze3A_8 = vector.shape_cast %slice3A_7 : vector<1x1000x32xf32> to vector<1000x32xf32>
    %add3A = arith.addf %squeeze3A, %squeeze3A_8 : vector<1000x32xf32>
    %slice3A_9 = vector.extract_strided_slice %get3A_6 {offsets = [0, 0, 0], sizes = [1, 1000, 1], strides = [1, 1, 1]} : vector<2x1000x16xf32> to vector<1x1000x1xf32>
    %squeeze3A_10 = vector.shape_cast %slice3A_9 : vector<1x1000x1xf32> to vector<1000x1xf32>
    %slice3A_11 = vector.extract_strided_slice %get3A_6 {offsets = [1, 0, 0], sizes = [1, 1000, 1], strides = [1, 1, 1]} : vector<2x1000x16xf32> to vector<1x1000x1xf32>
    %squeeze3A_12 = vector.shape_cast %slice3A_11 : vector<1x1000x1xf32> to vector<1000x1xf32>
    %add3A_13 = arith.addf %squeeze3A_10, %squeeze3A_12 : vector<1000x1xf32>
    %max3A = arith.constant 1.000000e+00 : f32
    %max3A_14 = vector.broadcast %max3A : f32 to vector<1000x1xf32>
    %max3A_15 = arith.maximumf %add3A_13, %max3A_14 : vector<1000x1xf32>
    %div3A = arith.constant 1.000000e+00 : f32
    %div3A_16 = vector.broadcast %div3A : f32 to vector<1000x1xf32>
    %div3A_17 = arith.divf %div3A_16, %max3A_15 : vector<1000x1xf32>
    %mul3A = vector.broadcast %div3A_17 : vector<1000x1xf32> to vector<1000x32xf32>
    %mul3A_18 = arith.mulf %add3A, %mul3A : vector<1000x32xf32>
    %get3A_19 = arith.constant 0 : index
    %get3A_20 = arith.constant 0 : index
    %get3A_21 = vector.load %arg3[%get3A_19, %get3A_20] : memref<1000x32xf32, #tpu.memory_space<vmem>>, vector<1000x32xf32>
    %add3A_22 = arith.addf %mul3A_18, %get3A_21 : vector<1000x32xf32>
    %get3A_23 = arith.constant 0 : index
    %get3A_24 = arith.constant 0 : index
    %get3A_25 = vector.load %arg4[%get3A_23, %get3A_24] : memref<1x32xf32, #tpu.memory_space<vmem>>, vector<1x32xf32>
    %add3A_26 = vector.broadcast %get3A_25 : vector<1x32xf32> to vector<1000x32xf32>
    %add3A_27 = arith.addf %add3A_22, %add3A_26 : vector<1000x32xf32>
    %max3A_28 = arith.constant 0.000000e+00 : f32
    %max3A_29 = vector.broadcast %max3A_28 : f32 to vector<1000x32xf32>
    %max3A_30 = arith.maximumf %add3A_27, %max3A_29 : vector<1000x32xf32>
    %get3A_31 = arith.constant 0 : index
    %get3A_32 = arith.constant 0 : index
    %get3A_33 = vector.load %arg5[%get3A_31, %get3A_32] : memref<32x3000xf32, #tpu.memory_space<vmem>>, vector<32x3000xf32>
    %dot_general3A = arith.constant dense<0.000000e+00> : vector<1000x3000xf32>
    %dot_general3A_34 = tpu.matmul %max3A_30, %get3A_33, %dot_general3A {dimension_numbers = #tpu.dot_dimension_numbers<[1], [0], [0], [1], [0, 0, 1, 1], [], []>, transpose_lhs_hint = false} : vector<1000x32xf32>, vector<32x3000xf32>, vector<1000x3000xf32> -> vector<1000x3000xf32>
    %get3A_35 = arith.constant 0 : index
    %get3A_36 = arith.constant 0 : index
    %get3A_37 = vector.load %arg6[%get3A_35, %get3A_36] : memref<1x3000xf32, #tpu.memory_space<vmem>>, vector<1x3000xf32>
    %add3A_38 = vector.broadcast %get3A_37 : vector<1x3000xf32> to vector<1000x3000xf32>
    %add3A_39 = arith.addf %dot_general3A_34, %add3A_38 : vector<1000x3000xf32>
    %swap3A = arith.constant 0 : index
    %swap3A_40 = arith.constant 0 : index
    %swap3A_41 = vector.load %arg7[%swap3A, %swap3A_40] : memref<1000x3000xf32, #tpu.memory_space<vmem>>, vector<1000x3000xf32>
    tpu.vector_store %arg7[%swap3A, %swap3A_40], %add3A_39 {strides = array<i32>} : memref<1000x3000xf32, #tpu.memory_space<vmem>>, vector<1000x3000xf32>,
    return
  }
  func.func @transform_0(%arg0: i32) -> (i32, i32, i32) {
    %c0_i32 = arith.constant 0 : i32
    %c0_i32_0 = arith.constant 0 : i32
    %c0_i32_1 = arith.constant 0 : i32
    return %c0_i32, %arg0, %c0_i32_0 : i32, i32, i32
  }
  func.func @transform_1(%arg0: i32) -> (i32, i32, i32) {
    %c0_i32 = arith.constant 0 : i32
    %c0_i32_0 = arith.constant 0 : i32
    %c0_i32_1 = arith.constant 0 : i32
    return %c0_i32, %arg0, %c0_i32_0 : i32, i32, i32
  }
  func.func @transform_2(%arg0: i32) -> (i32, i32) {
    %c0_i32 = arith.constant 0 : i32
    %c0_i32_0 = arith.constant 0 : i32
    return %arg0, %c0_i32 : i32, i32
  }
  func.func @transform_3(%arg0: i32) -> (i32, i32) {
    %c0_i32 = arith.constant 0 : i32
    %c0_i32_0 = arith.constant 0 : i32
    %c0_i32_1 = arith.constant 0 : i32
    return %c0_i32, %c0_i32_0 : i32, i32
  }
  func.func @transform_4(%arg0: i32) -> (i32, i32) {
    %c0_i32 = arith.constant 0 : i32
    %c0_i32_0 = arith.constant 0 : i32
    %c0_i32_1 = arith.constant 0 : i32
    return %c0_i32, %c0_i32_0 : i32, i32
  }
  func.func @transform_5(%arg0: i32) -> (i32, i32) {
    %c0_i32 = arith.constant 0 : i32
    %c0_i32_0 = arith.constant 0 : i32
    %c0_i32_1 = arith.constant 0 : i32
    return %c0_i32, %c0_i32_0 : i32, i32
  }
  func.func @transform_6(%arg0: i32) -> (i32, i32) {
    %c0_i32 = arith.constant 0 : i32
    %c0_i32_0 = arith.constant 0 : i32
    return %arg0, %c0_i32 : i32, i32
  }
}

</mosaic_0001>

<sc_bundles>
// kernel: kernel.10.cloned.1.call-start
scs
__scs_entry_jumppad:
0x0: {  	(pc) =	sbr.rel $0x88, $3  }
0x1: {  	(tag) =	ssettag $0x0;
	lr =	simm.s32 $0x1  }
0x2: {  	[smem:$0x3F97] =	sst lr;
	_ =	strace $0xD0000000  }
0x3: {  	_ = 	snop  }
0x4: {  	_ = 	snop  }
0x5: {  	_ = 	snop  }
0x6: {  	_ = 	snop  }
0x7: {  	_ = 	snop  }
__scs_overlays_trampoline_lowered:
0x8: {  	[smem:$0x3FA6] =	sst s0  }
0x9: {  	[smem:$0x3FA7] =	sst s1  }
0xa: {  	[smem:$0x3FA8] =	sst s2  }
0xb: {  	[smem:$0x3FA9] =	sst s3  }
0xc: {  	[smem:$0x3FAA] =	sst s4  }
0xd: {  	[smem:$0x3FAB] =	sst s5  }
0xe: {  	[smem:$0x3FAC] =	sst s6  }
0xf: {  	[smem:$0x3FAD] =	sst s7  }
0x10: {  	[smem:$0x3FAE] =	sst s8  }
0x11: {  	[smem:$0x3FAF] =	sst s9;
	s0 =	simm.s32 @!p0 $0x0  }
0x12: {  	s1 =	sld [smem:$0x3F95];
	s0 =	simm.s32 @p0 $0x1  }
0x13: {  	[smem:$0x3FB0] =	sst s0;
	s0 =	simm.s32 @!p1 $0x0  }
0x14: {  	s2 =	sld [smem:$0x3F94];
	s0 =	simm.s32 @p1 $0x1  }
0x15: {  	[smem:$0x3FB1] =	sst s0;
	s0 =	simm.s32 @!p2 $0x0  }
0x16: {  	s3 =	sld [smem:$0x3FDB];
	s0 =	simm.s32 @p2 $0x1  }
0x17: {  	s4 =	simm.s32 $0x1BF5;
	[smem:$0x3FB3] =	sst s0  }
0x18: {  	s0 =	sld [smem:$0x3F96];
	_ =	swait.ge [sflag:s4], $0x0  }
0x19: {  	s7 =	sld [smem:$0x3F97]  }
0x1a: {  	s8 =	sadd.s32 $0xFFFFE003, lr  }
0x1b: {  	s9 =	sadd.s32 $0xFFFFFEF7, lr;
	s5 =	simm.s32 $0xFFFFFFFF;
	p2 =	slt.u32 s8, $0xFFFFF086  }
0x1c: {  	p1 =	slt.u32 s9, $0xF7A;
	s5 =	simm.s32 @!p2 $0x0  }
0x1d: {  	s5 =	simm.s32 @p1 $0x1;
	p0 =	seq.s32 s7, s2  }
0x1e: {  	s7 =	smul.u32 @!p0 $0xF7A, s2;
	p2 =	seq.s32 @!p0 s5, $0x0  }
0x1f: {  	s9 =	smul.u32 $0xF7A, s1;
	s8 =	simm.s32 @!p0 $0x1BF5;
	p2 =	por !p2, p0  }
0x20: {  	[sflag:s8] =	ssyncset.s32 @!p0 $0xFFFFF086;
	s6 =	sadd.s32 @!p0 s3, s7;
	s7 =	simm.s32 @!p0 $0x108  }
0x21: {  	s3 =	sadd.s32 s3, s9;
	s6 =	sadd.s32 @!p0 $0x88, s6;
	s7 =	simm.s32 @p2 $0x1082  }
0x22: {  	[simem:s7], [sflag:s8] =	dma.local @!p0 [hbm:s6], $0xF7A  }
0x23: {  	s9 =	sor.u32 $0xD0000000, s2;
	s6 =	simm.s32 $0x108;
	_ =	swait.ge @!p0 [sflag:s8], $0x0  }
0x24: {  	s3 =	sadd.s32 $0x88, s3;
	s6 =	simm.s32 @!p1 $0x1082;
	[sflag:s4] =	ssyncset.s32 $0xFFFFF086  }
0x25: {  	[simem:s6], [sflag:s4] =	dma.local [hbm:s3], $0xF7A  }
0x26: {  	[smem:$0x3F97] =	sst s1;
	(tag) =	ssettag s2;
	_ =	strace s9  }
0x27: {  	s1 =	sld [smem:$0x3FA7]  }
0x28: {  	s2 =	sld [smem:$0x3FA8]  }
0x29: {  	s4 =	sld [smem:$0x3FAA]  }
0x2a: {  	p0 =	seq.s32 s5, $0x0;
	s5 =	sld [smem:$0x3FAB]  }
0x2b: {  	s6 =	sld [smem:$0x3FAC]  }
0x2c: {  	s7 =	sld [smem:$0x3FAD]  }
0x2d: {  	s3 =	simm.s32 $0x108;
	s8 =	sld [smem:$0x3FAE]  }
0x2e: {  	s3 =	simm.s32 @!p0 $0x1082;
	s9 =	sld [smem:$0x3FAF]  }
0x2f: {  	lr =	sadd.s32 s0, s3;
	s0 =	sld [smem:$0x3FA6]  }
0x30: {  	s3 =	sld [smem:$0x3FA9]  }
0x31: {  	[smem:$0x3FB2] =	sst s10  }
0x32: {  	s10 =	sld [smem:$0x3FB0];
	_ =	sdelay $0x3  }
0x33: {  	p0 =	seq.s32 s10, $0x1;
	s10 =	sld [smem:$0x3FB2];
	_ =	sdelay $0x3  }
0x34: {  	[smem:$0x3FB2] =	sst s10  }
0x35: {  	s10 =	sld [smem:$0x3FB1];
	_ =	sdelay $0x3  }
0x36: {  	p1 =	seq.s32 s10, $0x1;
	s10 =	sld [smem:$0x3FB2];
	_ =	sdelay $0x3  }
0x37: {  	[smem:$0x3FB2] =	sst s10  }
0x38: {  	s10 =	sld [smem:$0x3FB3]  }
0x39: {  	_ = 	snop;
	(pc) =	sbr.ind lr, $3  }
0x3a: {  	_ = 	snop  }
0x3b: {  	_ = 	snop  }
0x3c: {  	p2 =	seq.s32 s10, $0x1;
	s10 =	sld [smem:$0x3FB2]  }
0x3d: {  	_ =	shalt  }
0x3e: {  	_ =	shalt  }
0x3f: {  	_ =	shalt  }
0x40: {  	_ =	shalt  }
0x41: {  	_ =	shalt  }
0x42: {  	_ =	shalt  }
0x43: {  	_ =	shalt  }
0x44: {  	_ =	shalt  }
0x45: {  	_ =	shalt  }
0x46: {  	_ =	shalt  }
0x47: {  	_ =	shalt  }
0x48: {  	_ =	shalt  }
0x49: {  	_ =	shalt  }
0x4a: {  	_ =	shalt  }
0x4b: {  	_ =	shalt  }
0x4c: {  	_ =	shalt  }
0x4d: {  	_ =	shalt  }
0x4e: {  	_ =	shalt  }
0x4f: {  	_ =	shalt  }
0x50: {  	_ =	shalt  }
0x51: {  	_ =	shalt  }
0x52: {  	_ =	shalt  }
0x53: {  	_ =	shalt  }
0x54: {  	_ =	shalt  }
0x55: {  	_ =	shalt  }
0x56: {  	_ =	shalt  }
0x57: {  	_ =	shalt  }
0x58: {  	_ =	shalt  }
0x59: {  	_ =	shalt  }
0x5a: {  	_ =	shalt  }
0x5b: {  	_ =	shalt  }
0x5c: {  	_ =	shalt  }
0x5d: {  	_ =	shalt  }
0x5e: {  	_ =	shalt  }
0x5f: {  	_ =	shalt  }
0x60: {  	_ =	shalt  }
0x61: {  	_ =	shalt  }
0x62: {  	_ =	shalt  }
0x63: {  	_ =	shalt  }
0x64: {  	_ =	shalt  }
0x65: {  	_ =	shalt  }
0x66: {  	_ =	shalt  }
0x67: {  	_ =	shalt  }
0x68: {  	_ =	shalt  }
0x69: {  	_ =	shalt  }
0x6a: {  	_ =	shalt  }
0x6b: {  	_ =	shalt  }
0x6c: {  	_ =	shalt  }
0x6d: {  	_ =	shalt  }
0x6e: {  	_ =	shalt  }
0x6f: {  	_ =	shalt  }
0x70: {  	_ =	shalt  }
0x71: {  	_ =	shalt  }
0x72: {  	_ =	shalt  }
0x73: {  	_ =	shalt  }
0x74: {  	_ =	shalt  }
0x75: {  	_ =	shalt  }
0x76: {  	_ =	shalt  }
0x77: {  	_ =	shalt  }
0x78: {  	_ =	shalt  }
0x79: {  	_ =	shalt  }
0x7a: {  	_ =	shalt  }
0x7b: {  	_ =	shalt  }
0x7c: {  	_ =	shalt  }
0x7d: {  	_ =	shalt  }
0x7e: {  	_ =	shalt  }
0x7f: {  	_ =	shalt  }
0x80: {  	_ =	shalt  }
0x81: {  	_ =	shalt  }
0x82: {  	_ =	shalt  }
0x83: {  	_ =	shalt  }
0x84: {  	_ =	shalt  }
0x85: {  	_ =	shalt  }
0x86: {  	_ =	shalt  }
0x87: {  	_ =	shalt  }
.Lfunc_end0:
.L_simem_size_0:
called_computation.1_lowered:
.L_overlay_start_0:
0x88: {  	s2 =	sld [smem:$0x3FD9]  }
0x89: {  	s3 =	sld [smem:$0x3FFE];
	_ =	sdelay $0x1  }
0x8a: {  	s1 =	srdreg.scid  }
0x8b: {  	s0 =	sand.u32 $0x1, s1  }
0x8c: {  	s17 =	sshll.u32 s0, $0xA;
	s2 =	sadd.s32 s3, s2  }
0x8d: {  	s2 =	sadd.s32 s2, s17  }
0x8e: {  	[smem:$0x3FBE] =	sst s2  }
0x8f: {  	_ = 	snop  }
0x90: {  	s2 =	sld [smem:$0x3FD0];
	(tm) =	ssettm $0x1  }
0x91: {  	s18 =	sld [smem:$0x3FFB];
	_ =	sdelay $0x3  }
0x92: {  	_ =	strace s18  }
0x93: {  	s3 =	sld [smem:$0x3FFC];
	_ =	sdelay $0x3  }
0x94: {  	_ =	strace s3  }
0x95: {  	s3 =	sld [smem:$0x3FFD];
	_ =	sdelay $0x3  }
0x96: {  	_ =	strace s3  }
0x97: {  	_ =	strace $0x8FFFFFFF  }
0x98: {  	s19 =	sld [smem:$0x3FDB];
	_ =	sdelay $0x1  }
0x99: {  	s4 =	simm.s32 $_scs_section_size  }
0x9a: {  	s5 =	simm.s32 $_size__tile_overlayer_lowered;
	s6 =	simm.s32 $_tile_overlayer_lowered  }
0x9b: {  	s22 =	simm.s32 $0x1BFF;
	s21 =	sshll.u32 s6, $0x1;
	s3 =	sadd.s32 s4, s19  }
0x9c: {  	s7 =	simm.s32 $0x0;
	s20 =	sshll.u32 s5, $0x1;
	s5 =	sadd.s32 s21, s3  }
0x9d: {  	[timem:s7], [sflag:s22] =	dma.local [hbm:s5], s20  }
0x9e: {  	_ =	swait.ge [sflag:s22], s20  }
0x9f: {  	s4 =	ssub.s32 $0x0, s20;
	[sflag:s22] =	ssyncset.done $0x0  }
0xa0: {  	[sflag:s22] =	ssyncadd.s32 s4;
	_ =	sdelay $0x1  }
0xa1: {  	s23 =	simm.s32 $0x1B8B  }
0xa2: {  	_ =	swait.ge [sflag:s23], $0x1  }
0xa3: {  	[sflag:s23] =	ssyncset.done $0x0  }
0xa4: {  	s25 =	simm.s32 $0x1B8E;
	s24 =	sld [smem:$0x3FFE];
	[sflag:s23] =	ssyncadd.s32 $0xFFFFFFFF  }
0xa5: {  	s26 =	simm.s32 $execute0_lowered;
	[smem:$0x3FD2] =	sst s25  }
0xa6: {  	s5 =	sshll.u32 s26, $0x1;
	_ =	strace $0x80000049;
	[dreg:$0x1] =	wrdreg $0xFFFFFFFF  }
0xa7: {  	s28 =	simm.s32 $_size_execute0_lowered;
	s3 =	sadd.s32 s3, s5;
	[dreg:$0x0] =	wrdreg $0x0  }
0xa8: {  	s5 =	sshll.u32 s28, $0x1;
	[dreg:$0x2] =	wrdreg s3  }
0xa9: {  	[dreg:$0x3] =	wrdreg s5  }
0xaa: {  	[dreg:$0x4] =	wrdreg $0xC0  }
0xab: {  	_ =	task [dreg:s7], $0x5FFFF  }
0xac: {  	[dreg:$0x1] =	wrdreg $0xFFFFFFFF  }
0xad: {  	[dreg:$0x0] =	wrdreg $0x60  }
0xae: {  	[dreg:$0x2] =	wrdreg s24  }
0xaf: {  	[dreg:$0x3] =	wrdreg s2  }
0xb0: {  	[dreg:$0x4] =	wrdreg $0xAF000  }
0xb1: {  	[dreg:$0x5] =	wrdreg $0x9  }
0xb2: {  	_ =	task.clear_ibuf [dreg:s7], $0x6FFFF;
	_ =	strace $0x90000049  }
0xb3: {  	s29 =	simm.s32 $0x9;
	_ =	strace $0x8000004B  }
0xb4: {  	_ =	swait.ge [sflag:s29], $0x1  }
0xb5: {  	[sflag:s29] =	ssyncadd.s32 $0xFFFFFFFF  }
0xb6: {  	_ =	strace $0x9000004B  }
0xb7: {  	_ =	sfence  }
0xb8: {  	s30 =	sld [smem:$0x0];
	_ =	sdelay $0x2  }
0xb9: {  	s31 =	sshll.u32 s1, $0xD;
	s1 =	sshrl.u32 s1, $0x2  }
0xba: {  	s3 =	sand.u32 $0x4000, s31;
	s1 =	sadd.s32 s1, s30  }
0xbb: {  	s0 =	sor.u32 s3, s0;
	s1 =	sshll.u32 s1, $0x11  }
0xbc: {  	s0 =	sor.u32 s1, s0  }
0xbd: {  	s0 =	sadd.s32 $0x8F2B, s0  }
0xbe: {  	[sflag:s0] =	ssyncadd.remote.s32 $0x1  }
0xbf: {  	_ =	sfence.sel $0xFFFF  }
0xc0: {  	[dreg:$0x0] =	wrdreg $0xFFFFFFFF;
	(pc) =	sbr.abs _section_cstart, $3  }
0xc1: {  	[dreg:$0x1] =	wrdreg $0xFFFFFFFF  }
0xc2: {  	_ =	task.clear_ibuf [dreg:s7], $0x2FFFF;
	_ =	strace $0x9FFFFFFF  }
0xc3: {  	(tm) =	ssettm $0x7FFFFFFF  }
tec
execute0_lowered:
.L_overlay_start_1:
0x0: {  	(tag) =	ssettag $0x1  }
0x1: {  	s0 =	rddreg [dreg:$0x0]  }
0x2: {  	s2 =	rddreg [dreg:$0x1]  }
0x3: {  	s1 =	rddreg [dreg:$0x2];
	s3 =	srdreg.scid  }
0x4: {  	s13 =	stileid.u32;
	s14 =	simm.s32 $0x4F00;
	s15 =	simm.s32 $0x5F00  }
0x5: {  	s17 =	simm.s32 $0x6F00;
	s19 =	simm.s32 $0x7F00;
	s21 =	simm.s32 $0x8F00  }
0x6: {  	s23 =	simm.s32 $0x9F00;
	s28 =	simm.s32 $0x3;
	s29 =	simm.s32 $0x4  }
0x7: {  	s30 =	simm.s32 $0x5;
	s31 =	simm.s32 $0x6;
	s20 =	simm.s32 $0x4D80  }
0x8: {  	s22 =	simm.s32 $0x4E00;
	s5 =	sand.u32 $0x1, s3;
	s3 =	simm.s32 $0x0  }
0x9: {  	s6 =	smul.u32 $0x4F00, s13;
	s24 =	sshll.u32 s13, $0x6;
	s4 =	sshll.u32 s5, $0x4  }
0xa: {  	[smem:$0x7FF] =	sst s3;
	s8 =	ssub.s32 $0x2, s5;
	s25 =	smul.u32 $0x9E00, s5  }
0xb: {  	s4 =	sor.u32 s13, s4;
	_ =	strace $0x8000004A;
	s12 =	sshrl.u32 s6, $0x3  }
0xc: {  	s9 =	sshrl.u32 s8, $0x1;
	s11 =	sadd.s32 s6, s1;
	s6 =	sor.u32 $0x1C07, s24  }
0xd: {  	s13 =	simm.s32 $0x80;
	s7 =	smul.u32 $0x4F0, s4;
	s4 =	sadd.s32 $0x73A00, s0  }
0xe: {  	s9 =	ssub.s32 s8, s9;
	s26 =	sadd.s32 s2, s25;
	s25 =	simm.s32 $0x1  }
0xf: {  	s2 =	simm.s32 $0x0;
	s9 =	smax.u32 s9, $0x1;
	s24 =	sadd.s32 s12, s26  }
0x10: {  	s26 =	simm.s32 $0x2;
	s10 =	sadd.s32 s7, s0;
	s0 =	sadd.s32 s12, s0  }
0x11: {  	s5 =	sadd.s32 $0x1AC00, s0;
	s7 =	sadd.s32 $0xBC00, s10;
	s8 =	sadd.s32 $0x1E00, s10  }
0x12: {  	s10 =	sshrl.u32 s11, $0x3;
	s11 =	simm.s32 $0x7;
	s0 =	simm.s32 $0x4E80  }
.LBB2_1:
0x13: {  	[spmem:s10], [sflag:s6] =	dma.local [hbm:s5], $0x9E0  }
0x14: {  	_ =	swait.ge [sflag:s11], $0x9E0  }
0x15: {  	[sflag:s11] =	ssyncset.done $0x0  }
0x16: {  	[sflag:s11] =	ssyncadd.s32 $0xFFFFF620  }
0x17: {  	[tilespmem:s3], [sflag:$0x7] =	stream.linear.gather [hbm4b:s7+s3], $0x2780, $0x38;
	[tilespmem:$0xFE00] =	vst v63  }
0x18: {  	_ =	swait.ge [sflag:s11], $0x2780  }
0x19: {  	[sflag:s11] =	ssyncset.done $0x0  }
0x1a: {  	s12 =	simm.s32 $0x2780;
	[sflag:s11] =	ssyncadd.s32 $0xFFFFD880  }
0x1b: {  	[tilespmem:s12], [sflag:$0x7] =	stream.linear.gather [hbm4b:s8+s3], $0x2780, $0x38;
	[tilespmem:$0xFE00] =	vst v63  }
0x1c: {  	_ =	swait.ge [sflag:s11], $0x2780  }
0x1d: {  	[sflag:s11] =	ssyncset.done $0x0  }
0x1e: {  	[sflag:s11] =	ssyncadd.s32 $0xFFFFD880  }
0x1f: {  	[bflag:$0x0] =	sbarrier.arrive $0xFFFF  }
0x20: {  	[tilespmem:s14], [sflag:$0x1] =	stream.indirect.gather [hbm4b:s4+s13], $0x20, s3, s13, $0xb8;
	[tilespmem:$0xFE00] =	vst v63  }
0x21: {  	_ = 	snop  }
0x22: {  	[tilespmem:s15], [sflag:$0x2] =	stream.indirect.gather [hbm4b:s4+s13], $0x20, s13, s13, $0xb8;
	[tilespmem:$0xFE00] =	vst v63  }
0x23: {  	s18 =	simm.s32 $0x100  }
0x24: {  	[tilespmem:s17], [sflag:$0x3] =	stream.indirect.gather [hbm4b:s4+s13], $0x20, s18, s13, $0xb8;
	[tilespmem:$0xFE00] =	vst v63  }
0x25: {  	s16 =	simm.s32 $0x180  }
0x26: {  	[tilespmem:s19], [sflag:$0x4] =	stream.indirect.gather [hbm4b:s4+s13], $0x20, s16, s13, $0xb8;
	[tilespmem:$0xFE00] =	vst v63  }
0x27: {  	s18 =	simm.s32 $0x200  }
0x28: {  	[tilespmem:s21], [sflag:$0x5] =	stream.indirect.gather [hbm4b:s4+s13], $0x20, s18, s13, $0xb8;
	[tilespmem:$0xFE00] =	vst v63  }
0x29: {  	s16 =	simm.s32 $0x280  }
0x2a: {  	[tilespmem:s23], [sflag:$0x6] =	stream.indirect.gather [hbm4b:s4+s13], $0x20, s16, s13, $0xb8;
	[tilespmem:$0xFE00] =	vst v63  }
0x2b: {  	_ =	swait.ge [sflag:s25], $0x1000  }
0x2c: {  	[sflag:s25] =	ssyncset.done $0x0  }
0x2d: {  	s18 =	simm.s32 $0x2780;
	[sflag:s25] =	ssyncadd.s32 $0xFFFFF000  }
0x2e: {  	[spmem:s1] =	stream.indirect.scatter.add.f32 [tilespmem:s14], [sflag:$0x7], $0x20, s18, s13, $0xb8;
	[tilespmem:$0xFE00] =	vst v63  }
0x2f: {  	_ =	swait.ge [sflag:s11], $0x1000  }
0x30: {  	[sflag:s11] =	ssyncset.done $0x0  }
0x31: {  	s16 =	simm.s32 $0x300;
	[sflag:s11] =	ssyncadd.s32 $0xFFFFF000  }
0x32: {  	[tilespmem:s14], [sflag:$0x1] =	stream.indirect.gather [hbm4b:s4+s13], $0x20, s16, s13, $0xb8;
	[tilespmem:$0xFE00] =	vst v63  }
0x33: {  	_ =	swait.ge [sflag:s26], $0x1000  }
0x34: {  	[sflag:s26] =	ssyncset.done $0x0  }
0x35: {  	s18 =	simm.s32 $0x2800;
	[sflag:s26] =	ssyncadd.s32 $0xFFFFF000  }
0x36: {  	[spmem:s1] =	stream.indirect.scatter.add.f32 [tilespmem:s15], [sflag:$0x7], $0x20, s18, s13, $0xb8;
	[tilespmem:$0xFE00] =	vst v63  }
0x37: {  	_ =	swait.ge [sflag:s11], $0x1000  }
0x38: {  	[sflag:s11] =	ssyncset.done $0x0  }
0x39: {  	s16 =	simm.s32 $0x380;
	[sflag:s11] =	ssyncadd.s32 $0xFFFFF000  }
0x3a: {  	[tilespmem:s15], [sflag:$0x2] =	stream.indirect.gather [hbm4b:s4+s13], $0x20, s16, s13, $0xb8;
	[tilespmem:$0xFE00] =	vst v63  }
0x3b: {  	_ =	swait.ge [sflag:s28], $0x1000  }
0x3c: {  	[sflag:s28] =	ssyncset.done $0x0  }
0x3d: {  	s18 =	simm.s32 $0x2880;
	[sflag:s28] =	ssyncadd.s32 $0xFFFFF000  }
0x3e: {  	[spmem:s1] =	stream.indirect.scatter.add.f32 [tilespmem:s17], [sflag:$0x7], $0x20, s18, s13, $0xb8;
	[tilespmem:$0xFE00] =	vst v63  }
0x3f: {  	_ =	swait.ge [sflag:s11], $0x1000  }
0x40: {  	[sflag:s11] =	ssyncset.done $0x0  }
0x41: {  	s16 =	simm.s32 $0x400;
	[sflag:s11] =	ssyncadd.s32 $0xFFFFF000  }
0x42: {  	[tilespmem:s17], [sflag:$0x3] =	stream.indirect.gather [hbm4b:s4+s13], $0x20, s16, s13, $0xb8;
	[tilespmem:$0xFE00] =	vst v63  }
0x43: {  	_ =	swait.ge [sflag:s29], $0x1000  }
0x44: {  	[sflag:s29] =	ssyncset.done $0x0  }
0x45: {  	s18 =	simm.s32 $0x2900;
	[sflag:s29] =	ssyncadd.s32 $0xFFFFF000  }
0x46: {  	[spmem:s1] =	stream.indirect.scatter.add.f32 [tilespmem:s19], [sflag:$0x7], $0x20, s18, s13, $0xb8;
	[tilespmem:$0xFE00] =	vst v63  }
0x47: {  	_ =	swait.ge [sflag:s11], $0x1000  }
0x48: {  	[sflag:s11] =	ssyncset.done $0x0  }
0x49: {  	s16 =	simm.s32 $0x480;
	[sflag:s11] =	ssyncadd.s32 $0xFFFFF000  }
0x4a: {  	[tilespmem:s19], [sflag:$0x4] =	stream.indirect.gather [hbm4b:s4+s13], $0x20, s16, s13, $0xb8;
	[tilespmem:$0xFE00] =	vst v63  }
0x4b: {  	_ =	swait.ge [sflag:s30], $0x1000  }
0x4c: {  	[sflag:s30] =	ssyncset.done $0x0  }
0x4d: {  	s18 =	simm.s32 $0x2980;
	[sflag:s30] =	ssyncadd.s32 $0xFFFFF000  }
0x4e: {  	[spmem:s1] =	stream.indirect.scatter.add.f32 [tilespmem:s21], [sflag:$0x7], $0x20, s18, s13, $0xb8;
	[tilespmem:$0xFE00] =	vst v63  }
0x4f: {  	_ =	swait.ge [sflag:s11], $0x1000  }
0x50: {  	[sflag:s11] =	ssyncset.done $0x0  }
0x51: {  	s16 =	simm.s32 $0x500;
	[sflag:s11] =	ssyncadd.s32 $0xFFFFF000  }
0x52: {  	[tilespmem:s21], [sflag:$0x5] =	stream.indirect.gather [hbm4b:s4+s13], $0x20, s16, s13, $0xb8;
	[tilespmem:$0xFE00] =	vst v63  }
0x53: {  	_ =	swait.ge [sflag:s31], $0x1000  }
0x54: {  	[sflag:s31] =	ssyncset.done $0x0  }
0x55: {  	s18 =	simm.s32 $0x2A00;
	[sflag:s31] =	ssyncadd.s32 $0xFFFFF000  }
0x56: {  	[spmem:s1] =	stream.indirect.scatter.add.f32 [tilespmem:s23], [sflag:$0x7], $0x20, s18, s13, $0xb8;
	[tilespmem:$0xFE00] =	vst v63  }
0x57: {  	_ =	swait.ge [sflag:s11], $0x1000  }
0x58: {  	[sflag:s11] =	ssyncset.done $0x0  }
0x59: {  	s12 =	simm.s32 $0xC00;
	s16 =	simm.s32 $0x580;
	[sflag:s11] =	ssyncadd.s32 $0xFFFFF000  }
.LBB2_2:
0x5a: {  	[tilespmem:s23], [sflag:$0x6] =	stream.indirect.gather [hbm4b:s4+s13], $0x20, s16, s13, $0xb8;
	[tilespmem:$0xFE00] =	vst v63  }
0x5b: {  	s16 =	smov.u32 s12  }
0x5c: {  	p0 =	sne.s32 s12, $0x8400;
	s12 =	sadd.s32 $0xC00, s12;
	_ =	swait.ge [sflag:s25], $0x1000  }
0x5d: {  	s16 =	sshra.s32 s16, $0x2;
	[sflag:s25] =	ssyncset.done $0x0  }
0x5e: {  	s18 =	sadd.s32 $0x2780, s16;
	[sflag:s25] =	ssyncadd.s32 $0xFFFFF000  }
0x5f: {  	[spmem:s1] =	stream.indirect.scatter.add.f32 [tilespmem:s14], [sflag:$0x7], $0x20, s18, s13, $0xb8;
	[tilespmem:$0xFE00] =	vst v63  }
0x60: {  	_ =	swait.ge [sflag:s11], $0x1000  }
0x61: {  	[sflag:s11] =	ssyncset.done $0x0  }
0x62: {  	s18 =	sadd.s32 $0x300, s16;
	[sflag:s11] =	ssyncadd.s32 $0xFFFFF000  }
0x63: {  	[tilespmem:s14], [sflag:$0x1] =	stream.indirect.gather [hbm4b:s4+s13], $0x20, s18, s13, $0xb8;
	[tilespmem:$0xFE00] =	vst v63  }
0x64: {  	_ =	swait.ge [sflag:s26], $0x1000  }
0x65: {  	[sflag:s26] =	ssyncset.done $0x0  }
0x66: {  	s18 =	sadd.s32 $0x2800, s16;
	[sflag:s26] =	ssyncadd.s32 $0xFFFFF000  }
0x67: {  	[spmem:s1] =	stream.indirect.scatter.add.f32 [tilespmem:s15], [sflag:$0x7], $0x20, s18, s13, $0xb8;
	[tilespmem:$0xFE00] =	vst v63  }
0x68: {  	_ =	swait.ge [sflag:s11], $0x1000  }
0x69: {  	[sflag:s11] =	ssyncset.done $0x0  }
0x6a: {  	s18 =	sadd.s32 $0x380, s16;
	[sflag:s11] =	ssyncadd.s32 $0xFFFFF000  }
0x6b: {  	[tilespmem:s15], [sflag:$0x2] =	stream.indirect.gather [hbm4b:s4+s13], $0x20, s18, s13, $0xb8;
	[tilespmem:$0xFE00] =	vst v63  }
0x6c: {  	_ =	swait.ge [sflag:s28], $0x1000  }
0x6d: {  	[sflag:s28] =	ssyncset.done $0x0  }
0x6e: {  	s18 =	sadd.s32 $0x2880, s16;
	[sflag:s28] =	ssyncadd.s32 $0xFFFFF000  }
0x6f: {  	[spmem:s1] =	stream.indirect.scatter.add.f32 [tilespmem:s17], [sflag:$0x7], $0x20, s18, s13, $0xb8;
	[tilespmem:$0xFE00] =	vst v63  }
0x70: {  	_ =	swait.ge [sflag:s11], $0x1000  }
0x71: {  	[sflag:s11] =	ssyncset.done $0x0  }
0x72: {  	s18 =	sadd.s32 $0x400, s16;
	[sflag:s11] =	ssyncadd.s32 $0xFFFFF000  }
0x73: {  	[tilespmem:s17], [sflag:$0x3] =	stream.indirect.gather [hbm4b:s4+s13], $0x20, s18, s13, $0xb8;
	[tilespmem:$0xFE00] =	vst v63  }
0x74: {  	_ =	swait.ge [sflag:s29], $0x1000  }
0x75: {  	[sflag:s29] =	ssyncset.done $0x0  }
0x76: {  	s18 =	sadd.s32 $0x2900, s16;
	[sflag:s29] =	ssyncadd.s32 $0xFFFFF000  }
0x77: {  	[spmem:s1] =	stream.indirect.scatter.add.f32 [tilespmem:s19], [sflag:$0x7], $0x20, s18, s13, $0xb8;
	[tilespmem:$0xFE00] =	vst v63  }
0x78: {  	_ =	swait.ge [sflag:s11], $0x1000  }
0x79: {  	[sflag:s11] =	ssyncset.done $0x0  }
0x7a: {  	s18 =	sadd.s32 $0x480, s16;
	[sflag:s11] =	ssyncadd.s32 $0xFFFFF000  }
0x7b: {  	[tilespmem:s19], [sflag:$0x4] =	stream.indirect.gather [hbm4b:s4+s13], $0x20, s18, s13, $0xb8;
	[tilespmem:$0xFE00] =	vst v63  }
0x7c: {  	_ =	swait.ge [sflag:s30], $0x1000  }
0x7d: {  	[sflag:s30] =	ssyncset.done $0x0  }
0x7e: {  	s18 =	sadd.s32 $0x2980, s16;
	[sflag:s30] =	ssyncadd.s32 $0xFFFFF000  }
0x7f: {  	[spmem:s1] =	stream.indirect.scatter.add.f32 [tilespmem:s21], [sflag:$0x7], $0x20, s18, s13, $0xb8;
	[tilespmem:$0xFE00] =	vst v63  }
0x80: {  	_ =	swait.ge [sflag:s11], $0x1000  }
0x81: {  	[sflag:s11] =	ssyncset.done $0x0  }
0x82: {  	s18 =	sadd.s32 $0x500, s16;
	[sflag:s11] =	ssyncadd.s32 $0xFFFFF000  }
0x83: {  	[tilespmem:s21], [sflag:$0x5] =	stream.indirect.gather [hbm4b:s4+s13], $0x20, s18, s13, $0xb8;
	[tilespmem:$0xFE00] =	vst v63  }
0x84: {  	_ =	swait.ge [sflag:s31], $0x1000  }
0x85: {  	[sflag:s31] =	ssyncset.done $0x0  }
.Ltmp0:
0x86: {  	s18 =	sadd.s32 $0x2A00, s16;
	[sflag:s31] =	ssyncadd.s32 $0xFFFFF000;
	(pc) =	sbr.rel @p0 .LBB2_2-.Ltmp0, $4  }
0x87: {  	[spmem:s1] =	stream.indirect.scatter.add.f32 [tilespmem:s23], [sflag:$0x7], $0x20, s18, s13, $0xb8;
	[tilespmem:$0xFE00] =	vst v63  }
0x88: {  	_ =	swait.ge [sflag:s11], $0x1000  }
0x89: {  	[sflag:s11] =	ssyncset.done $0x0  }
0x8a: {  	s16 =	sadd.s32 $0x580, s16;
	[sflag:s11] =	ssyncadd.s32 $0xFFFFF000  }
0x8b: {  	[tilespmem:s23], [sflag:$0x6] =	stream.indirect.gather [hbm4b:s4+s13], $0x20, s16, s13, $0xb8;
	[tilespmem:$0xFE00] =	vst v63  }
0x8c: {  	_ =	swait.ge [sflag:s25], $0x1000  }
0x8d: {  	[sflag:s25] =	ssyncset.done $0x0  }
0x8e: {  	s12 =	simm.s32 $0x4B80;
	[sflag:s25] =	ssyncadd.s32 $0xFFFFF000  }
0x8f: {  	[spmem:s1] =	stream.indirect.scatter.add.f32 [tilespmem:s14], [sflag:$0x7], $0x20, s12, s13, $0xb8;
	[tilespmem:$0xFE00] =	vst v63  }
0x90: {  	_ =	swait.ge [sflag:s11], $0x1000  }
0x91: {  	[sflag:s11] =	ssyncset.done $0x0  }
0x92: {  	s16 =	simm.s32 $0x2700;
	[sflag:s11] =	ssyncadd.s32 $0xFFFFF000  }
0x93: {  	[tilespmem:s14], [sflag:$0x1] =	stream.indirect.gather [hbm4b:s4+s13], $0x20, s16, s13, $0xb8;
	[tilespmem:$0xFE00] =	vst v63  }
0x94: {  	_ =	swait.ge [sflag:s26], $0x1000  }
0x95: {  	[sflag:s26] =	ssyncset.done $0x0  }
0x96: {  	s18 =	simm.s32 $0x4C00;
	[sflag:s26] =	ssyncadd.s32 $0xFFFFF000  }
0x97: {  	[spmem:s1] =	stream.indirect.scatter.add.f32 [tilespmem:s15], [sflag:$0x7], $0x20, s18, s13, $0xb8;
	[tilespmem:$0xFE00] =	vst v63  }
0x98: {  	_ =	swait.ge [sflag:s11], $0x1000  }
0x99: {  	[sflag:s11] =	ssyncset.done $0x0  }
0x9a: {  	[sflag:s11] =	ssyncadd.s32 $0xFFFFF000  }
0x9b: {  	_ =	swait.ge [sflag:s28], $0x1000  }
0x9c: {  	[sflag:s28] =	ssyncset.done $0x0  }
0x9d: {  	s16 =	simm.s32 $0x4C80;
	[sflag:s28] =	ssyncadd.s32 $0xFFFFF000  }
0x9e: {  	[spmem:s1] =	stream.indirect.scatter.add.f32 [tilespmem:s17], [sflag:$0x7], $0x20, s16, s13, $0xb8;
	[tilespmem:$0xFE00] =	vst v63  }
0x9f: {  	_ =	swait.ge [sflag:s11], $0x1000  }
0xa0: {  	[sflag:s11] =	ssyncset.done $0x0  }
0xa1: {  	[sflag:s11] =	ssyncadd.s32 $0xFFFFF000  }
0xa2: {  	_ =	swait.ge [sflag:s29], $0x1000  }
0xa3: {  	[sflag:s29] =	ssyncset.done $0x0  }
0xa4: {  	s18 =	simm.s32 $0x4D00;
	[sflag:s29] =	ssyncadd.s32 $0xFFFFF000  }
0xa5: {  	[spmem:s1] =	stream.indirect.scatter.add.f32 [tilespmem:s19], [sflag:$0x7], $0x20, s18, s13, $0xb8;
	[tilespmem:$0xFE00] =	vst v63  }
0xa6: {  	_ =	swait.ge [sflag:s11], $0x1000  }
0xa7: {  	[sflag:s11] =	ssyncset.done $0x0  }
0xa8: {  	[sflag:s11] =	ssyncadd.s32 $0xFFFFF000  }
0xa9: {  	_ =	swait.ge [sflag:s30], $0x1000  }
0xaa: {  	[sflag:s30] =	ssyncset.done $0x0  }
0xab: {  	[sflag:s30] =	ssyncadd.s32 $0xFFFFF000  }
0xac: {  	[spmem:s1] =	stream.indirect.scatter.add.f32 [tilespmem:s21], [sflag:$0x7], $0x20, s20, s13, $0xb8;
	[tilespmem:$0xFE00] =	vst v63  }
0xad: {  	_ =	swait.ge [sflag:s11], $0x1000  }
0xae: {  	[sflag:s11] =	ssyncset.done $0x0  }
0xaf: {  	[sflag:s11] =	ssyncadd.s32 $0xFFFFF000  }
0xb0: {  	_ =	swait.ge [sflag:s31], $0x1000  }
0xb1: {  	[sflag:s31] =	ssyncset.done $0x0  }
0xb2: {  	[sflag:s31] =	ssyncadd.s32 $0xFFFFF000  }
0xb3: {  	[spmem:s1] =	stream.indirect.scatter.add.f32 [tilespmem:s23], [sflag:$0x7], $0x20, s22, s13, $0xb8;
	[tilespmem:$0xFE00] =	vst v63  }
0xb4: {  	_ =	swait.ge [sflag:s11], $0x1000  }
0xb5: {  	[sflag:s11] =	ssyncset.done $0x0  }
0xb6: {  	[sflag:s11] =	ssyncadd.s32 $0xFFFFF000  }
0xb7: {  	_ =	swait.ge [sflag:s25], $0x1000  }
0xb8: {  	[sflag:s25] =	ssyncset.done $0x0  }
0xb9: {  	[sflag:s25] =	ssyncadd.s32 $0xFFFFF000  }
0xba: {  	[spmem:s1] =	stream.indirect.scatter.add.f32 [tilespmem:s14], [sflag:$0x7], $0x20, s0, s13, $0xb8;
	[tilespmem:$0xFE00] =	vst v63  }
0xbb: {  	_ =	swait.ge [sflag:s11], $0x1000  }
0xbc: {  	s2 =	sadd.s32 $0x1, s2;
	[sflag:s11] =	ssyncset.done $0x0  }
0xbd: {  	p0 =	sne.s32 s2, s9;
	[sflag:s11] =	ssyncadd.s32 $0xFFFFF000  }
.Ltmp1:
0xbe: {  	[bflag:$0x0] =	sbarrier.arrive $0xFFFF;
	(pc) =	sbr.rel @p0 .LBB2_1-.Ltmp1, $4  }
0xbf: {  	[hbm:s24], [sflag:s6] =	dma.local [spmem:s10], $0x9E0  }
0xc0: {  	_ =	swait.ge [sflag:s11], $0x9E0  }
0xc1: {  	[sflag:s11] =	ssyncset.done $0x0  }
0xc2: {  	[sflag:s11] =	ssyncadd.s32 $0xFFFFF620  }
0xc3: {  	_ =	sfence.sel $0x180000  }
0xc4: {  	[bflag:$0x0] =	sbarrier.arrive $0xFFFF  }
0xc5: {  	_ =	strace $0x9000004A  }
0xc6: {  	s0 =	stileid.u32;
	[bflag:$0x2] =	sbarrier.arrive $0xFFFF  }
0xc7: {  	p0 =	sne.s32 s0, $0x0;
	s0 =	rddreg [dreg:$0x3]  }
0xc8: {  	s0 =	sadd.s32 @!p0 $0x100000, s0  }
0xc9: {  	[sflag:s0] =	ssyncadd.tile.s32 @!p0 $0x1;
	_ =	shalt  }
.Lfunc_end2:
_tile_overlayer_lowered:
.L_overlay_start_2:
0xca: {  	(tag) =	ssettag $0x2  }
0xcb: {  	s0 =	rddreg [dreg:$0x0];
	s2 =	stileid.u32  }
0xcc: {  	s1 =	rddreg [dreg:$0x1];
	p0 =	sne.s32 s2, $0x0  }
0xcd: {  	s3 =	rddreg [dreg:$0x2];
	[bflag:$0x3] =	sbarrier.arrive $0xFFFF;
	s2 =	simm.s32 @!p0 $0x1C07  }
0xce: {  	[timem:s3], [sflag:s2] =	dma.local @!p0 [hbm:s0], s1  }
0xcf: {  	s0 =	simm.s32 @!p0 $0x7  }
0xd0: {  	_ =	swait.ge @!p0 [sflag:s0], s1  }
0xd1: {  	s1 =	ssub.s32 @!p0 $0x0, s1;
	[sflag:s0] =	ssyncset.done @!p0 $0x0  }
0xd2: {  	[sflag:s0] =	ssyncadd.s32 @!p0 s1  }
0xd3: {  	[bflag:$0x3] =	sbarrier.arrive $0xFFFF  }
0xd4: {  	_ =	shalt  }

// kernel: kernel.7.cloned.1.call-start
scs
__scs_entry_jumppad:
0x0: {  	(pc) =	sbr.rel $0x88, $3  }
0x1: {  	(tag) =	ssettag $0x0;
	lr =	simm.s32 $0x1  }
0x2: {  	[smem:$0x3F97] =	sst lr;
	_ =	strace $0xD0000000  }
0x3: {  	_ = 	snop  }
0x4: {  	_ = 	snop  }
0x5: {  	_ = 	snop  }
0x6: {  	_ = 	snop  }
0x7: {  	_ = 	snop  }
__scs_overlays_trampoline_lowered:
0x8: {  	[smem:$0x3FA6] =	sst s0  }
0x9: {  	[smem:$0x3FA7] =	sst s1  }
0xa: {  	[smem:$0x3FA8] =	sst s2  }
0xb: {  	[smem:$0x3FA9] =	sst s3  }
0xc: {  	[smem:$0x3FAA] =	sst s4  }
0xd: {  	[smem:$0x3FAB] =	sst s5  }
0xe: {  	[smem:$0x3FAC] =	sst s6  }
0xf: {  	[smem:$0x3FAD] =	sst s7  }
0x10: {  	[smem:$0x3FAE] =	sst s8  }
0x11: {  	[smem:$0x3FAF] =	sst s9;
	s0 =	simm.s32 @!p0 $0x0  }
0x12: {  	s1 =	sld [smem:$0x3F95];
	s0 =	simm.s32 @p0 $0x1  }
0x13: {  	[smem:$0x3FB0] =	sst s0;
	s0 =	simm.s32 @!p1 $0x0  }
0x14: {  	s2 =	sld [smem:$0x3F94];
	s0 =	simm.s32 @p1 $0x1  }
0x15: {  	[smem:$0x3FB1] =	sst s0;
	s0 =	simm.s32 @!p2 $0x0  }
0x16: {  	s3 =	sld [smem:$0x3FDB];
	s0 =	simm.s32 @p2 $0x1  }
0x17: {  	s4 =	simm.s32 $0x1BF5;
	[smem:$0x3FB3] =	sst s0  }
0x18: {  	s0 =	sld [smem:$0x3F96];
	_ =	swait.ge [sflag:s4], $0x0  }
0x19: {  	s7 =	sld [smem:$0x3F97]  }
0x1a: {  	s8 =	sadd.s32 $0xFFFFE003, lr  }
0x1b: {  	s9 =	sadd.s32 $0xFFFFFEF7, lr;
	s5 =	simm.s32 $0xFFFFFFFF;
	p2 =	slt.u32 s8, $0xFFFFF086  }
0x1c: {  	p1 =	slt.u32 s9, $0xF7A;
	s5 =	simm.s32 @!p2 $0x0  }
0x1d: {  	s5 =	simm.s32 @p1 $0x1;
	p0 =	seq.s32 s7, s2  }
0x1e: {  	s7 =	smul.u32 @!p0 $0xF7A, s2;
	p2 =	seq.s32 @!p0 s5, $0x0  }
0x1f: {  	s9 =	smul.u32 $0xF7A, s1;
	s8 =	simm.s32 @!p0 $0x1BF5;
	p2 =	por !p2, p0  }
0x20: {  	[sflag:s8] =	ssyncset.s32 @!p0 $0xFFFFF086;
	s6 =	sadd.s32 @!p0 s3, s7;
	s7 =	simm.s32 @!p0 $0x108  }
0x21: {  	s3 =	sadd.s32 s3, s9;
	s6 =	sadd.s32 @!p0 $0x88, s6;
	s7 =	simm.s32 @p2 $0x1082  }
0x22: {  	[simem:s7], [sflag:s8] =	dma.local @!p0 [hbm:s6], $0xF7A  }
0x23: {  	s9 =	sor.u32 $0xD0000000, s2;
	s6 =	simm.s32 $0x108;
	_ =	swait.ge @!p0 [sflag:s8], $0x0  }
0x24: {  	s3 =	sadd.s32 $0x88, s3;
	s6 =	simm.s32 @!p1 $0x1082;
	[sflag:s4] =	ssyncset.s32 $0xFFFFF086  }
0x25: {  	[simem:s6], [sflag:s4] =	dma.local [hbm:s3], $0xF7A  }
0x26: {  	[smem:$0x3F97] =	sst s1;
	(tag) =	ssettag s2;
	_ =	strace s9  }
0x27: {  	s1 =	sld [smem:$0x3FA7]  }
0x28: {  	s2 =	sld [smem:$0x3FA8]  }
0x29: {  	s4 =	sld [smem:$0x3FAA]  }
0x2a: {  	p0 =	seq.s32 s5, $0x0;
	s5 =	sld [smem:$0x3FAB]  }
0x2b: {  	s6 =	sld [smem:$0x3FAC]  }
0x2c: {  	s7 =	sld [smem:$0x3FAD]  }
0x2d: {  	s3 =	simm.s32 $0x108;
	s8 =	sld [smem:$0x3FAE]  }
0x2e: {  	s3 =	simm.s32 @!p0 $0x1082;
	s9 =	sld [smem:$0x3FAF]  }
0x2f: {  	lr =	sadd.s32 s0, s3;
	s0 =	sld [smem:$0x3FA6]  }
0x30: {  	s3 =	sld [smem:$0x3FA9]  }
0x31: {  	[smem:$0x3FB2] =	sst s10  }
0x32: {  	s10 =	sld [smem:$0x3FB0];
	_ =	sdelay $0x3  }
0x33: {  	p0 =	seq.s32 s10, $0x1;
	s10 =	sld [smem:$0x3FB2];
	_ =	sdelay $0x3  }
0x34: {  	[smem:$0x3FB2] =	sst s10  }
0x35: {  	s10 =	sld [smem:$0x3FB1];
	_ =	sdelay $0x3  }
0x36: {  	p1 =	seq.s32 s10, $0x1;
	s10 =	sld [smem:$0x3FB2];
	_ =	sdelay $0x3  }
0x37: {  	[smem:$0x3FB2] =	sst s10  }
0x38: {  	s10 =	sld [smem:$0x3FB3]  }
0x39: {  	_ = 	snop;
	(pc) =	sbr.ind lr, $3  }
0x3a: {  	_ = 	snop  }
0x3b: {  	_ = 	snop  }
0x3c: {  	p2 =	seq.s32 s10, $0x1;
	s10 =	sld [smem:$0x3FB2]  }
0x3d: {  	_ =	shalt  }
0x3e: {  	_ =	shalt  }
0x3f: {  	_ =	shalt  }
0x40: {  	_ =	shalt  }
0x41: {  	_ =	shalt  }
0x42: {  	_ =	shalt  }
0x43: {  	_ =	shalt  }
0x44: {  	_ =	shalt  }
0x45: {  	_ =	shalt  }
0x46: {  	_ =	shalt  }
0x47: {  	_ =	shalt  }
0x48: {  	_ =	shalt  }
0x49: {  	_ =	shalt  }
0x4a: {  	_ =	shalt  }
0x4b: {  	_ =	shalt  }
0x4c: {  	_ =	shalt  }
0x4d: {  	_ =	shalt  }
0x4e: {  	_ =	shalt  }
0x4f: {  	_ =	shalt  }
0x50: {  	_ =	shalt  }
0x51: {  	_ =	shalt  }
0x52: {  	_ =	shalt  }
0x53: {  	_ =	shalt  }
0x54: {  	_ =	shalt  }
0x55: {  	_ =	shalt  }
0x56: {  	_ =	shalt  }
0x57: {  	_ =	shalt  }
0x58: {  	_ =	shalt  }
0x59: {  	_ =	shalt  }
0x5a: {  	_ =	shalt  }
0x5b: {  	_ =	shalt  }
0x5c: {  	_ =	shalt  }
0x5d: {  	_ =	shalt  }
0x5e: {  	_ =	shalt  }
0x5f: {  	_ =	shalt  }
0x60: {  	_ =	shalt  }
0x61: {  	_ =	shalt  }
0x62: {  	_ =	shalt  }
0x63: {  	_ =	shalt  }
0x64: {  	_ =	shalt  }
0x65: {  	_ =	shalt  }
0x66: {  	_ =	shalt  }
0x67: {  	_ =	shalt  }
0x68: {  	_ =	shalt  }
0x69: {  	_ =	shalt  }
0x6a: {  	_ =	shalt  }
0x6b: {  	_ =	shalt  }
0x6c: {  	_ =	shalt  }
0x6d: {  	_ =	shalt  }
0x6e: {  	_ =	shalt  }
0x6f: {  	_ =	shalt  }
0x70: {  	_ =	shalt  }
0x71: {  	_ =	shalt  }
0x72: {  	_ =	shalt  }
0x73: {  	_ =	shalt  }
0x74: {  	_ =	shalt  }
0x75: {  	_ =	shalt  }
0x76: {  	_ =	shalt  }
0x77: {  	_ =	shalt  }
0x78: {  	_ =	shalt  }
0x79: {  	_ =	shalt  }
0x7a: {  	_ =	shalt  }
0x7b: {  	_ =	shalt  }
0x7c: {  	_ =	shalt  }
0x7d: {  	_ =	shalt  }
0x7e: {  	_ =	shalt  }
0x7f: {  	_ =	shalt  }
0x80: {  	_ =	shalt  }
0x81: {  	_ =	shalt  }
0x82: {  	_ =	shalt  }
0x83: {  	_ =	shalt  }
0x84: {  	_ =	shalt  }
0x85: {  	_ =	shalt  }
0x86: {  	_ =	shalt  }
0x87: {  	_ =	shalt  }
.Lfunc_end0:
.L_simem_size_0:
called_computation_lowered:
.L_overlay_start_0:
0x88: {  	s2 =	sld [smem:$0x3FD9]  }
0x89: {  	s3 =	sld [smem:$0x3FFE];
	_ =	sdelay $0x1  }
0x8a: {  	s1 =	srdreg.scid  }
0x8b: {  	s0 =	sand.u32 $0x1, s1  }
0x8c: {  	s17 =	sshll.u32 s0, $0xA;
	s2 =	sadd.s32 s3, s2  }
0x8d: {  	s2 =	sadd.s32 s2, s17  }
0x8e: {  	[smem:$0x3FBE] =	sst s2  }
0x8f: {  	_ = 	snop  }
0x90: {  	s2 =	sld [smem:$0x3FD0];
	(tm) =	ssettm $0x1  }
0x91: {  	s18 =	sld [smem:$0x3FFB];
	_ =	sdelay $0x3  }
0x92: {  	_ =	strace s18  }
0x93: {  	s3 =	sld [smem:$0x3FFC];
	_ =	sdelay $0x3  }
0x94: {  	_ =	strace s3  }
0x95: {  	s3 =	sld [smem:$0x3FFD];
	_ =	sdelay $0x3  }
0x96: {  	_ =	strace s3  }
0x97: {  	_ =	strace $0x8FFFFFFF  }
0x98: {  	s19 =	sld [smem:$0x3FDB];
	_ =	sdelay $0x1  }
0x99: {  	s4 =	simm.s32 $_scs_section_size  }
0x9a: {  	s5 =	simm.s32 $_size__tile_overlayer_lowered;
	s6 =	simm.s32 $_tile_overlayer_lowered  }
0x9b: {  	s22 =	simm.s32 $0x1BFF;
	s21 =	sshll.u32 s6, $0x1;
	s3 =	sadd.s32 s4, s19  }
0x9c: {  	s7 =	simm.s32 $0x0;
	s20 =	sshll.u32 s5, $0x1;
	s5 =	sadd.s32 s21, s3  }
0x9d: {  	[timem:s7], [sflag:s22] =	dma.local [hbm:s5], s20  }
0x9e: {  	_ =	swait.ge [sflag:s22], s20  }
0x9f: {  	s4 =	ssub.s32 $0x0, s20;
	[sflag:s22] =	ssyncset.done $0x0  }
0xa0: {  	[sflag:s22] =	ssyncadd.s32 s4;
	_ =	sdelay $0x1  }
0xa1: {  	s23 =	simm.s32 $0x1B8B  }
0xa2: {  	_ =	swait.ge [sflag:s23], $0x1  }
0xa3: {  	[sflag:s23] =	ssyncset.done $0x0  }
0xa4: {  	s25 =	simm.s32 $0x1B8E;
	s24 =	sld [smem:$0x3FFE];
	[sflag:s23] =	ssyncadd.s32 $0xFFFFFFFF  }
0xa5: {  	s26 =	simm.s32 $execute0_lowered;
	[smem:$0x3FD2] =	sst s25  }
0xa6: {  	s5 =	sshll.u32 s26, $0x1;
	_ =	strace $0x80000046;
	[dreg:$0x1] =	wrdreg $0xFFFFFFFF  }
0xa7: {  	s28 =	simm.s32 $_size_execute0_lowered;
	s3 =	sadd.s32 s3, s5;
	[dreg:$0x0] =	wrdreg $0x0  }
0xa8: {  	s5 =	sshll.u32 s28, $0x1;
	[dreg:$0x2] =	wrdreg s3  }
0xa9: {  	[dreg:$0x3] =	wrdreg s5  }
0xaa: {  	[dreg:$0x4] =	wrdreg $0xC0  }
0xab: {  	_ =	task [dreg:s7], $0x5FFFF  }
0xac: {  	[dreg:$0x1] =	wrdreg $0xFFFFFFFF  }
0xad: {  	[dreg:$0x0] =	wrdreg $0x60  }
0xae: {  	[dreg:$0x2] =	wrdreg s2  }
0xaf: {  	[dreg:$0x3] =	wrdreg s24  }
0xb0: {  	[dreg:$0x4] =	wrdreg $0xB7000  }
0xb1: {  	[dreg:$0x5] =	wrdreg $0x106000  }
0xb2: {  	[dreg:$0x6] =	wrdreg $0x9  }
0xb3: {  	_ =	task.clear_ibuf [dreg:s7], $0x7FFFF;
	_ =	strace $0x90000046  }
0xb4: {  	s29 =	simm.s32 $0x9;
	_ =	strace $0x80000048  }
0xb5: {  	_ =	swait.ge [sflag:s29], $0x1  }
0xb6: {  	[sflag:s29] =	ssyncadd.s32 $0xFFFFFFFF  }
0xb7: {  	_ =	strace $0x90000048  }
0xb8: {  	_ =	sfence  }
0xb9: {  	s30 =	sld [smem:$0x0];
	_ =	sdelay $0x2  }
0xba: {  	s31 =	sshll.u32 s1, $0xD;
	s1 =	sshrl.u32 s1, $0x2  }
0xbb: {  	s3 =	sand.u32 $0x4000, s31;
	s1 =	sadd.s32 s1, s30  }
0xbc: {  	s0 =	sor.u32 s3, s0;
	s1 =	sshll.u32 s1, $0x11  }
0xbd: {  	s0 =	sor.u32 s1, s0  }
0xbe: {  	s0 =	sadd.s32 $0x8F2B, s0  }
0xbf: {  	[sflag:s0] =	ssyncadd.remote.s32 $0x1  }
0xc0: {  	_ =	sfence.sel $0xFFFF  }
0xc1: {  	[dreg:$0x0] =	wrdreg $0xFFFFFFFF;
	(pc) =	sbr.abs _section_cstart, $3  }
0xc2: {  	[dreg:$0x1] =	wrdreg $0xFFFFFFFF  }
0xc3: {  	_ =	task.clear_ibuf [dreg:s7], $0x2FFFF;
	_ =	strace $0x9FFFFFFF  }
0xc4: {  	(tm) =	ssettm $0x7FFFFFFF  }
0xc5: {  	_ =	shalt  }
tec
execute0_lowered:
.L_overlay_start_1:
0x0: {  	(tag) =	ssettag $0x1  }
0x1: {  	s0 =	rddreg [dreg:$0x0]  }
0x2: {  	s2 =	rddreg [dreg:$0x1]  }
0x3: {  	s1 =	srdreg.scid;
	s3 =	rddreg [dreg:$0x2]  }
0x4: {  	s16 =	stileid.u32;
	s4 =	rddreg [dreg:$0x3]  }
0x5: {  	s18 =	simm.s32 $0x80;
	s19 =	simm.s32 $0x4F00;
	s29 =	simm.s32 $0x8F00  }
0x6: {  	s31 =	simm.s32 $0x9F00;
	s17 =	simm.s32 $0x3;
	s7 =	smul.u32 $0x4F00, s16  }
0x7: {  	s28 =	simm.s32 $0x6;
	s1 =	sand.u32 $0x1, s1;
	s9 =	smul.u32 $0x2780, s16  }
0x8: {  	s15 =	sadd.s32 $0x15A00, s2;
	s22 =	sshll.u32 s16, $0x6;
	s8 =	smul.u32 $0x9E00, s1  }
0x9: {  	s5 =	sshll.u32 s1, $0x4;
	s13 =	smul.u32 $0x4F00, s1;
	s1 =	ssub.s32 $0x2, s1  }
0xa: {  	s6 =	sor.u32 s16, s5;
	s5 =	simm.s32 $0x0;
	s10 =	sshrl.u32 s7, $0x3  }
0xb: {  	s12 =	sshrl.u32 s9, $0x3;
	s21 =	sshrl.u32 s1, $0x1;
	s7 =	sadd.s32 s7, s3  }
0xc: {  	s9 =	sadd.s32 s9, s4;
	s16 =	simm.s32 $0xAF00;
	s6 =	smul.u32 $0x4F0, s6  }
0xd: {  	[smem:$0x7FF] =	sst s5;
	s11 =	sadd.s32 s10, s2;
	s14 =	sadd.s32 s12, s2  }
0xe: {  	s20 =	sadd.s32 s8, s2;
	s1 =	ssub.s32 s1, s21;
	s8 =	sor.u32 $0x1C07, s22  }
0xf: {  	s21 =	simm.s32 $0x4;
	s22 =	simm.s32 $0x0;
	_ =	strace $0x80000047  }
0x10: {  	[dreg:$0x5] =	wrdreg s15;
	s11 =	sadd.s32 $0x1AC00, s11;
	s23 =	sadd.s32 $0x15C00, s14  }
0x11: {  	s25 =	sadd.s32 $0x24A00, s20;
	s1 =	smax.u32 s1, $0x1;
	s14 =	simm.s32 $0x7  }
0x12: {  	s15 =	sshrl.u32 s9, $0x3;
	s20 =	simm.s32 $0x5F00;
	[dreg:$0x6] =	wrdreg s11  }
0x13: {  	s9 =	simm.s32 $0x4D00;
	s6 =	sadd.s32 s6, s2;
	[dreg:$0x7] =	wrdreg s23  }
0x14: {  	s2 =	sadd.s32 s13, s2;
	[dreg:$0xa] =	wrdreg s1;
	s13 =	sshrl.u32 s7, $0x3  }
0x15: {  	s26 =	sadd.s32 s10, s25;
	s23 =	simm.s32 $0x6F00;
	s1 =	simm.s32 $0x2  }
0x16: {  	s25 =	simm.s32 $0x5;
	s7 =	simm.s32 $0x4C80;
	s10 =	simm.s32 $0x4D80  }
0x17: {  	s11 =	simm.s32 $0x4E00;
	s24 =	sadd.s32 $0xBC00, s6;
	[dreg:$0xb] =	wrdreg s26  }
0x18: {  	s6 =	sadd.s32 $0x1E00, s6;
	s2 =	sadd.s32 $0x38600, s2;
	[dreg:$0x8] =	wrdreg s24  }
0x19: {  	s26 =	simm.s32 $0x7F00;
	[dreg:$0x9] =	wrdreg s6;
	s30 =	sadd.s32 s12, s2  }
0x1a: {  	s2 =	simm.s32 $0x1;
	s12 =	simm.s32 $0x4E80;
	[dreg:$0xc] =	wrdreg s30  }
.LBB2_1:
0x1b: {  	s6 =	rddreg [dreg:$0x6]  }
0x1c: {  	[spmem:s13], [sflag:s8] =	dma.local [hbm:s6], $0x9E0  }
0x1d: {  	_ =	swait.ge [sflag:s14], $0x9E0  }
0x1e: {  	[sflag:s14] =	ssyncset.done $0x0  }
0x1f: {  	s24 =	rddreg [dreg:$0x7];
	[sflag:s14] =	ssyncadd.s32 $0xFFFFF620  }
0x20: {  	[spmem:s15], [sflag:s8] =	dma.local [hbm:s24], $0x4F0  }
0x21: {  	_ =	swait.ge [sflag:s14], $0x4F0  }
0x22: {  	[sflag:s14] =	ssyncset.done $0x0  }
0x23: {  	s24 =	rddreg [dreg:$0x5];
	[sflag:s14] =	ssyncadd.s32 $0xFFFFFB10  }
0x24: {  	[tilespmem:s16], [sflag:$0x7] =	stream.linear.gather [hbm4b:s24+s5], $0x800, $0x38;
	[tilespmem:$0x12D80] =	vst v63  }
0x25: {  	_ =	swait.ge [sflag:s14], $0x800  }
0x26: {  	[sflag:s14] =	ssyncset.done $0x0  }
0x27: {  	s24 =	rddreg [dreg:$0x8];
	[sflag:s14] =	ssyncadd.s32 $0xFFFFF800  }
0x28: {  	[tilespmem:s5], [sflag:$0x7] =	stream.linear.gather [hbm4b:s24+s5], $0x2780, $0x38;
	[tilespmem:$0x12D80] =	vst v63  }
0x29: {  	_ =	swait.ge [sflag:s14], $0x2780  }
0x2a: {  	[sflag:s14] =	ssyncset.done $0x0  }
0x2b: {  	s24 =	simm.s32 $0x2780;
	s6 =	rddreg [dreg:$0x9];
	[sflag:s14] =	ssyncadd.s32 $0xFFFFD880  }
0x2c: {  	[tilespmem:s24], [sflag:$0x7] =	stream.linear.gather [hbm4b:s6+s5], $0x2780, $0x38;
	[tilespmem:$0x12D80] =	vst v63  }
0x2d: {  	_ =	swait.ge [sflag:s14], $0x2780  }
0x2e: {  	[sflag:s14] =	ssyncset.done $0x0  }
0x2f: {  	[sflag:s14] =	ssyncadd.s32 $0xFFFFD880  }
0x30: {  	[bflag:$0x0] =	sbarrier.arrive $0xFFFF  }
0x31: {  	[tilespmem:s19], [sflag:$0x1] =	stream.indirect.gather [hbm4b:s0+s18], $0x20, s5, s18, $0xb8;
	[tilespmem:$0x12D80] =	vst v63  }
0x32: {  	_ = 	snop  }
0x33: {  	[tilespmem:s20], [sflag:$0x2] =	stream.indirect.gather [hbm4b:s0+s18], $0x20, s18, s18, $0xb8;
	[tilespmem:$0x12D80] =	vst v63  }
0x34: {  	s24 =	simm.s32 $0x100  }
0x35: {  	[tilespmem:s23], [sflag:$0x3] =	stream.indirect.gather [hbm4b:s0+s18], $0x20, s24, s18, $0xb8;
	[tilespmem:$0x12D80] =	vst v63  }
0x36: {  	s24 =	simm.s32 $0x180  }
0x37: {  	[tilespmem:s26], [sflag:$0x4] =	stream.indirect.gather [hbm4b:s0+s18], $0x20, s24, s18, $0xb8;
	[tilespmem:$0x12D80] =	vst v63  }
0x38: {  	s24 =	simm.s32 $0x200  }
0x39: {  	[tilespmem:s29], [sflag:$0x5] =	stream.indirect.gather [hbm4b:s0+s18], $0x20, s24, s18, $0xb8;
	[tilespmem:$0x12D80] =	vst v63  }
0x3a: {  	s24 =	simm.s32 $0x280  }
0x3b: {  	[tilespmem:s31], [sflag:$0x6] =	stream.indirect.gather [hbm4b:s0+s18], $0x20, s24, s18, $0xb8;
	[tilespmem:$0x12D80] =	vst v63  }
0x3c: {  	_ =	swait.ge [sflag:s2], $0x1000  }
0x3d: {  	[sflag:s2] =	ssyncset.done $0x0  }
0x3e: {  	s6 =	simm.s32 $0x2780;
	[sflag:s2] =	ssyncadd.s32 $0xFFFFF000  }
0x3f: {  	[spmem:s3] =	stream.indirect.scatter.add.f32 [tilespmem:s19], [sflag:$0x7], $0x20, s6, s18, $0xb8;
	[tilespmem:$0x12D80] =	vst v63  }
0x40: {  	_ =	swait.ge [sflag:s14], $0x1000  }
0x41: {  	[sflag:s14] =	ssyncset.done $0x0  }
0x42: {  	[sflag:s14] =	ssyncadd.s32 $0xFFFFF000  }
0x43: {  	[spmem:s4] =	stream.indirect.scatter.add.f32 [tilespmem:s16], [sflag:$0x7], $0x10, s6, s18, $0xb8;
	[tilespmem:$0x12D80] =	vst v63  }
0x44: {  	_ =	swait.ge [sflag:s14], $0x800  }
0x45: {  	[sflag:s14] =	ssyncset.done $0x0  }
0x46: {  	s6 =	simm.s32 $0x300;
	[sflag:s14] =	ssyncadd.s32 $0xFFFFF800  }
0x47: {  	[tilespmem:s19], [sflag:$0x1] =	stream.indirect.gather [hbm4b:s0+s18], $0x20, s6, s18, $0xb8;
	[tilespmem:$0x12D80] =	vst v63  }
0x48: {  	_ =	swait.ge [sflag:s1], $0x1000  }
0x49: {  	[sflag:s1] =	ssyncset.done $0x0  }
0x4a: {  	s6 =	simm.s32 $0x2800;
	[sflag:s1] =	ssyncadd.s32 $0xFFFFF000  }
0x4b: {  	[spmem:s3] =	stream.indirect.scatter.add.f32 [tilespmem:s20], [sflag:$0x7], $0x20, s6, s18, $0xb8;
	[tilespmem:$0x12D80] =	vst v63  }
0x4c: {  	_ =	swait.ge [sflag:s14], $0x1000  }
0x4d: {  	[sflag:s14] =	ssyncset.done $0x0  }
0x4e: {  	[sflag:s14] =	ssyncadd.s32 $0xFFFFF000  }
0x4f: {  	[spmem:s4] =	stream.indirect.scatter.add.f32 [tilespmem:s16], [sflag:$0x7], $0x10, s6, s18, $0xb8;
	[tilespmem:$0x12D80] =	vst v63  }
0x50: {  	_ =	swait.ge [sflag:s14], $0x800  }
0x51: {  	[sflag:s14] =	ssyncset.done $0x0  }
0x52: {  	s6 =	simm.s32 $0x380;
	[sflag:s14] =	ssyncadd.s32 $0xFFFFF800  }
0x53: {  	[tilespmem:s20], [sflag:$0x2] =	stream.indirect.gather [hbm4b:s0+s18], $0x20, s6, s18, $0xb8;
	[tilespmem:$0x12D80] =	vst v63  }
0x54: {  	_ =	swait.ge [sflag:s17], $0x1000  }
0x55: {  	[sflag:s17] =	ssyncset.done $0x0  }
0x56: {  	s6 =	simm.s32 $0x2880;
	[sflag:s17] =	ssyncadd.s32 $0xFFFFF000  }
0x57: {  	[spmem:s3] =	stream.indirect.scatter.add.f32 [tilespmem:s23], [sflag:$0x7], $0x20, s6, s18, $0xb8;
	[tilespmem:$0x12D80] =	vst v63  }
0x58: {  	_ =	swait.ge [sflag:s14], $0x1000  }
0x59: {  	[sflag:s14] =	ssyncset.done $0x0  }
0x5a: {  	[sflag:s14] =	ssyncadd.s32 $0xFFFFF000  }
0x5b: {  	[spmem:s4] =	stream.indirect.scatter.add.f32 [tilespmem:s16], [sflag:$0x7], $0x10, s6, s18, $0xb8;
	[tilespmem:$0x12D80] =	vst v63  }
0x5c: {  	_ =	swait.ge [sflag:s14], $0x800  }
0x5d: {  	[sflag:s14] =	ssyncset.done $0x0  }
0x5e: {  	s6 =	simm.s32 $0x400;
	[sflag:s14] =	ssyncadd.s32 $0xFFFFF800  }
0x5f: {  	[tilespmem:s23], [sflag:$0x3] =	stream.indirect.gather [hbm4b:s0+s18], $0x20, s6, s18, $0xb8;
	[tilespmem:$0x12D80] =	vst v63  }
0x60: {  	_ =	swait.ge [sflag:s21], $0x1000  }
0x61: {  	[sflag:s21] =	ssyncset.done $0x0  }
0x62: {  	s6 =	simm.s32 $0x2900;
	[sflag:s21] =	ssyncadd.s32 $0xFFFFF000  }
0x63: {  	[spmem:s3] =	stream.indirect.scatter.add.f32 [tilespmem:s26], [sflag:$0x7], $0x20, s6, s18, $0xb8;
	[tilespmem:$0x12D80] =	vst v63  }
0x64: {  	_ =	swait.ge [sflag:s14], $0x1000  }
0x65: {  	[sflag:s14] =	ssyncset.done $0x0  }
0x66: {  	[sflag:s14] =	ssyncadd.s32 $0xFFFFF000  }
0x67: {  	[spmem:s4] =	stream.indirect.scatter.add.f32 [tilespmem:s16], [sflag:$0x7], $0x10, s6, s18, $0xb8;
	[tilespmem:$0x12D80] =	vst v63  }
0x68: {  	_ =	swait.ge [sflag:s14], $0x800  }
0x69: {  	[sflag:s14] =	ssyncset.done $0x0  }
0x6a: {  	s6 =	simm.s32 $0x480;
	[sflag:s14] =	ssyncadd.s32 $0xFFFFF800  }
0x6b: {  	[tilespmem:s26], [sflag:$0x4] =	stream.indirect.gather [hbm4b:s0+s18], $0x20, s6, s18, $0xb8;
	[tilespmem:$0x12D80] =	vst v63  }
0x6c: {  	_ =	swait.ge [sflag:s25], $0x1000  }
0x6d: {  	[sflag:s25] =	ssyncset.done $0x0  }
0x6e: {  	s6 =	simm.s32 $0x2980;
	[sflag:s25] =	ssyncadd.s32 $0xFFFFF000  }
0x6f: {  	[spmem:s3] =	stream.indirect.scatter.add.f32 [tilespmem:s29], [sflag:$0x7], $0x20, s6, s18, $0xb8;
	[tilespmem:$0x12D80] =	vst v63  }
0x70: {  	_ =	swait.ge [sflag:s14], $0x1000  }
0x71: {  	[sflag:s14] =	ssyncset.done $0x0  }
0x72: {  	[sflag:s14] =	ssyncadd.s32 $0xFFFFF000  }
0x73: {  	[spmem:s4] =	stream.indirect.scatter.add.f32 [tilespmem:s16], [sflag:$0x7], $0x10, s6, s18, $0xb8;
	[tilespmem:$0x12D80] =	vst v63  }
0x74: {  	_ =	swait.ge [sflag:s14], $0x800  }
0x75: {  	[sflag:s14] =	ssyncset.done $0x0  }
0x76: {  	s6 =	simm.s32 $0x500;
	[sflag:s14] =	ssyncadd.s32 $0xFFFFF800  }
0x77: {  	[tilespmem:s29], [sflag:$0x5] =	stream.indirect.gather [hbm4b:s0+s18], $0x20, s6, s18, $0xb8;
	[tilespmem:$0x12D80] =	vst v63  }
0x78: {  	_ =	swait.ge [sflag:s28], $0x1000  }
0x79: {  	[sflag:s28] =	ssyncset.done $0x0  }
0x7a: {  	s6 =	simm.s32 $0x2A00;
	[sflag:s28] =	ssyncadd.s32 $0xFFFFF000  }
0x7b: {  	[spmem:s3] =	stream.indirect.scatter.add.f32 [tilespmem:s31], [sflag:$0x7], $0x20, s6, s18, $0xb8;
	[tilespmem:$0x12D80] =	vst v63  }
0x7c: {  	_ =	swait.ge [sflag:s14], $0x1000  }
0x7d: {  	[sflag:s14] =	ssyncset.done $0x0  }
0x7e: {  	[sflag:s14] =	ssyncadd.s32 $0xFFFFF000  }
0x7f: {  	[spmem:s4] =	stream.indirect.scatter.add.f32 [tilespmem:s16], [sflag:$0x7], $0x10, s6, s18, $0xb8;
	[tilespmem:$0x12D80] =	vst v63  }
0x80: {  	_ =	swait.ge [sflag:s14], $0x800  }
0x81: {  	[sflag:s14] =	ssyncset.done $0x0  }
0x82: {  	s30 =	simm.s32 $0x580;
	s24 =	simm.s32 $0xC00;
	[sflag:s14] =	ssyncadd.s32 $0xFFFFF800  }
.LBB2_2:
0x83: {  	[tilespmem:s31], [sflag:$0x6] =	stream.indirect.gather [hbm4b:s0+s18], $0x20, s30, s18, $0xb8;
	[tilespmem:$0x12D80] =	vst v63  }
0x84: {  	s30 =	smov.u32 s24  }
0x85: {  	p0 =	sne.s32 s24, $0x8400;
	s24 =	sadd.s32 $0xC00, s24;
	_ =	swait.ge [sflag:s2], $0x1000  }
0x86: {  	s30 =	sshra.s32 s30, $0x2;
	[sflag:s2] =	ssyncset.done $0x0  }
0x87: {  	s6 =	sadd.s32 $0x2780, s30;
	[sflag:s2] =	ssyncadd.s32 $0xFFFFF000  }
0x88: {  	[spmem:s3] =	stream.indirect.scatter.add.f32 [tilespmem:s19], [sflag:$0x7], $0x20, s6, s18, $0xb8;
	[tilespmem:$0x12D80] =	vst v63  }
0x89: {  	_ =	swait.ge [sflag:s14], $0x1000  }
0x8a: {  	[sflag:s14] =	ssyncset.done $0x0  }
0x8b: {  	[sflag:s14] =	ssyncadd.s32 $0xFFFFF000  }
0x8c: {  	[spmem:s4] =	stream.indirect.scatter.add.f32 [tilespmem:s16], [sflag:$0x7], $0x10, s6, s18, $0xb8;
	[tilespmem:$0x12D80] =	vst v63  }
0x8d: {  	_ =	swait.ge [sflag:s14], $0x800  }
0x8e: {  	[sflag:s14] =	ssyncset.done $0x0  }
0x8f: {  	s6 =	sadd.s32 $0x300, s30;
	[sflag:s14] =	ssyncadd.s32 $0xFFFFF800  }
0x90: {  	[tilespmem:s19], [sflag:$0x1] =	stream.indirect.gather [hbm4b:s0+s18], $0x20, s6, s18, $0xb8;
	[tilespmem:$0x12D80] =	vst v63  }
0x91: {  	_ =	swait.ge [sflag:s1], $0x1000  }
0x92: {  	[sflag:s1] =	ssyncset.done $0x0  }
0x93: {  	s6 =	sadd.s32 $0x2800, s30;
	[sflag:s1] =	ssyncadd.s32 $0xFFFFF000  }
0x94: {  	[spmem:s3] =	stream.indirect.scatter.add.f32 [tilespmem:s20], [sflag:$0x7], $0x20, s6, s18, $0xb8;
	[tilespmem:$0x12D80] =	vst v63  }
0x95: {  	_ =	swait.ge [sflag:s14], $0x1000  }
0x96: {  	[sflag:s14] =	ssyncset.done $0x0  }
0x97: {  	[sflag:s14] =	ssyncadd.s32 $0xFFFFF000  }
0x98: {  	[spmem:s4] =	stream.indirect.scatter.add.f32 [tilespmem:s16], [sflag:$0x7], $0x10, s6, s18, $0xb8;
	[tilespmem:$0x12D80] =	vst v63  }
0x99: {  	_ =	swait.ge [sflag:s14], $0x800  }
0x9a: {  	[sflag:s14] =	ssyncset.done $0x0  }
0x9b: {  	s6 =	sadd.s32 $0x380, s30;
	[sflag:s14] =	ssyncadd.s32 $0xFFFFF800  }
0x9c: {  	[tilespmem:s20], [sflag:$0x2] =	stream.indirect.gather [hbm4b:s0+s18], $0x20, s6, s18, $0xb8;
	[tilespmem:$0x12D80] =	vst v63  }
0x9d: {  	_ =	swait.ge [sflag:s17], $0x1000  }
0x9e: {  	[sflag:s17] =	ssyncset.done $0x0  }
0x9f: {  	s6 =	sadd.s32 $0x2880, s30;
	[sflag:s17] =	ssyncadd.s32 $0xFFFFF000  }
0xa0: {  	[spmem:s3] =	stream.indirect.scatter.add.f32 [tilespmem:s23], [sflag:$0x7], $0x20, s6, s18, $0xb8;
	[tilespmem:$0x12D80] =	vst v63  }
0xa1: {  	_ =	swait.ge [sflag:s14], $0x1000  }
0xa2: {  	[sflag:s14] =	ssyncset.done $0x0  }
0xa3: {  	[sflag:s14] =	ssyncadd.s32 $0xFFFFF000  }
0xa4: {  	[spmem:s4] =	stream.indirect.scatter.add.f32 [tilespmem:s16], [sflag:$0x7], $0x10, s6, s18, $0xb8;
	[tilespmem:$0x12D80] =	vst v63  }
0xa5: {  	_ =	swait.ge [sflag:s14], $0x800  }
0xa6: {  	[sflag:s14] =	ssyncset.done $0x0  }
0xa7: {  	s6 =	sadd.s32 $0x400, s30;
	[sflag:s14] =	ssyncadd.s32 $0xFFFFF800  }
0xa8: {  	[tilespmem:s23], [sflag:$0x3] =	stream.indirect.gather [hbm4b:s0+s18], $0x20, s6, s18, $0xb8;
	[tilespmem:$0x12D80] =	vst v63  }
0xa9: {  	_ =	swait.ge [sflag:s21], $0x1000  }
0xaa: {  	[sflag:s21] =	ssyncset.done $0x0  }
0xab: {  	s6 =	sadd.s32 $0x2900, s30;
	[sflag:s21] =	ssyncadd.s32 $0xFFFFF000  }
0xac: {  	[spmem:s3] =	stream.indirect.scatter.add.f32 [tilespmem:s26], [sflag:$0x7], $0x20, s6, s18, $0xb8;
	[tilespmem:$0x12D80] =	vst v63  }
0xad: {  	_ =	swait.ge [sflag:s14], $0x1000  }
0xae: {  	[sflag:s14] =	ssyncset.done $0x0  }
0xaf: {  	[sflag:s14] =	ssyncadd.s32 $0xFFFFF000  }
0xb0: {  	[spmem:s4] =	stream.indirect.scatter.add.f32 [tilespmem:s16], [sflag:$0x7], $0x10, s6, s18, $0xb8;
	[tilespmem:$0x12D80] =	vst v63  }
0xb1: {  	_ =	swait.ge [sflag:s14], $0x800  }
0xb2: {  	[sflag:s14] =	ssyncset.done $0x0  }
0xb3: {  	s6 =	sadd.s32 $0x480, s30;
	[sflag:s14] =	ssyncadd.s32 $0xFFFFF800  }
0xb4: {  	[tilespmem:s26], [sflag:$0x4] =	stream.indirect.gather [hbm4b:s0+s18], $0x20, s6, s18, $0xb8;
	[tilespmem:$0x12D80] =	vst v63  }
0xb5: {  	_ =	swait.ge [sflag:s25], $0x1000  }
0xb6: {  	[sflag:s25] =	ssyncset.done $0x0  }
0xb7: {  	s6 =	sadd.s32 $0x2980, s30;
	[sflag:s25] =	ssyncadd.s32 $0xFFFFF000  }
0xb8: {  	[spmem:s3] =	stream.indirect.scatter.add.f32 [tilespmem:s29], [sflag:$0x7], $0x20, s6, s18, $0xb8;
	[tilespmem:$0x12D80] =	vst v63  }
0xb9: {  	_ =	swait.ge [sflag:s14], $0x1000  }
0xba: {  	[sflag:s14] =	ssyncset.done $0x0  }
0xbb: {  	[sflag:s14] =	ssyncadd.s32 $0xFFFFF000  }
0xbc: {  	[spmem:s4] =	stream.indirect.scatter.add.f32 [tilespmem:s16], [sflag:$0x7], $0x10, s6, s18, $0xb8;
	[tilespmem:$0x12D80] =	vst v63  }
0xbd: {  	_ =	swait.ge [sflag:s14], $0x800  }
0xbe: {  	[sflag:s14] =	ssyncset.done $0x0  }
0xbf: {  	s6 =	sadd.s32 $0x500, s30;
	[sflag:s14] =	ssyncadd.s32 $0xFFFFF800  }
0xc0: {  	[tilespmem:s29], [sflag:$0x5] =	stream.indirect.gather [hbm4b:s0+s18], $0x20, s6, s18, $0xb8;
	[tilespmem:$0x12D80] =	vst v63  }
0xc1: {  	_ =	swait.ge [sflag:s28], $0x1000  }
0xc2: {  	[sflag:s28] =	ssyncset.done $0x0  }
0xc3: {  	s6 =	sadd.s32 $0x2A00, s30;
	[sflag:s28] =	ssyncadd.s32 $0xFFFFF000  }
0xc4: {  	[spmem:s3] =	stream.indirect.scatter.add.f32 [tilespmem:s31], [sflag:$0x7], $0x20, s6, s18, $0xb8;
	[tilespmem:$0x12D80] =	vst v63  }
0xc5: {  	_ =	swait.ge [sflag:s14], $0x1000  }
0xc6: {  	[sflag:s14] =	ssyncset.done $0x0  }
.Ltmp0:
0xc7: {  	[sflag:s14] =	ssyncadd.s32 $0xFFFFF000;
	(pc) =	sbr.rel @p0 .LBB2_2-.Ltmp0, $4  }
0xc8: {  	[spmem:s4] =	stream.indirect.scatter.add.f32 [tilespmem:s16], [sflag:$0x7], $0x10, s6, s18, $0xb8;
	[tilespmem:$0x12D80] =	vst v63  }
0xc9: {  	_ =	swait.ge [sflag:s14], $0x800  }
0xca: {  	[sflag:s14] =	ssyncset.done $0x0  }
0xcb: {  	s30 =	sadd.s32 $0x580, s30;
	[sflag:s14] =	ssyncadd.s32 $0xFFFFF800  }
0xcc: {  	[tilespmem:s31], [sflag:$0x6] =	stream.indirect.gather [hbm4b:s0+s18], $0x20, s30, s18, $0xb8;
	[tilespmem:$0x12D80] =	vst v63  }
0xcd: {  	_ =	swait.ge [sflag:s2], $0x1000  }
0xce: {  	[sflag:s2] =	ssyncset.done $0x0  }
0xcf: {  	s6 =	simm.s32 $0x4B80;
	[sflag:s2] =	ssyncadd.s32 $0xFFFFF000  }
0xd0: {  	[spmem:s3] =	stream.indirect.scatter.add.f32 [tilespmem:s19], [sflag:$0x7], $0x20, s6, s18, $0xb8;
	[tilespmem:$0x12D80] =	vst v63  }
0xd1: {  	_ =	swait.ge [sflag:s14], $0x1000  }
0xd2: {  	[sflag:s14] =	ssyncset.done $0x0  }
0xd3: {  	[sflag:s14] =	ssyncadd.s32 $0xFFFFF000  }
0xd4: {  	[spmem:s4] =	stream.indirect.scatter.add.f32 [tilespmem:s16], [sflag:$0x7], $0x10, s6, s18, $0xb8;
	[tilespmem:$0x12D80] =	vst v63  }
0xd5: {  	_ =	swait.ge [sflag:s14], $0x800  }
0xd6: {  	[sflag:s14] =	ssyncset.done $0x0  }
0xd7: {  	s30 =	simm.s32 $0x2700;
	[sflag:s14] =	ssyncadd.s32 $0xFFFFF800  }
0xd8: {  	[tilespmem:s19], [sflag:$0x1] =	stream.indirect.gather [hbm4b:s0+s18], $0x20, s30, s18, $0xb8;
	[tilespmem:$0x12D80] =	vst v63  }
0xd9: {  	_ =	swait.ge [sflag:s1], $0x1000  }
0xda: {  	[sflag:s1] =	ssyncset.done $0x0  }
0xdb: {  	s24 =	simm.s32 $0x4C00;
	[sflag:s1] =	ssyncadd.s32 $0xFFFFF000  }
0xdc: {  	[spmem:s3] =	stream.indirect.scatter.add.f32 [tilespmem:s20], [sflag:$0x7], $0x20, s24, s18, $0xb8;
	[tilespmem:$0x12D80] =	vst v63  }
0xdd: {  	_ =	swait.ge [sflag:s14], $0x1000  }
0xde: {  	[sflag:s14] =	ssyncset.done $0x0  }
0xdf: {  	[sflag:s14] =	ssyncadd.s32 $0xFFFFF000  }
0xe0: {  	[spmem:s4] =	stream.indirect.scatter.add.f32 [tilespmem:s16], [sflag:$0x7], $0x10, s24, s18, $0xb8;
	[tilespmem:$0x12D80] =	vst v63  }
0xe1: {  	_ =	swait.ge [sflag:s14], $0x800  }
0xe2: {  	[sflag:s14] =	ssyncset.done $0x0  }
0xe3: {  	[sflag:s14] =	ssyncadd.s32 $0xFFFFF800  }
0xe4: {  	_ =	swait.ge [sflag:s17], $0x1000  }
0xe5: {  	[sflag:s17] =	ssyncset.done $0x0  }
0xe6: {  	[sflag:s17] =	ssyncadd.s32 $0xFFFFF000  }
0xe7: {  	[spmem:s3] =	stream.indirect.scatter.add.f32 [tilespmem:s23], [sflag:$0x7], $0x20, s7, s18, $0xb8;
	[tilespmem:$0x12D80] =	vst v63  }
0xe8: {  	_ =	swait.ge [sflag:s14], $0x1000  }
0xe9: {  	[sflag:s14] =	ssyncset.done $0x0  }
0xea: {  	[sflag:s14] =	ssyncadd.s32 $0xFFFFF000  }
0xeb: {  	[spmem:s4] =	stream.indirect.scatter.add.f32 [tilespmem:s16], [sflag:$0x7], $0x10, s7, s18, $0xb8;
	[tilespmem:$0x12D80] =	vst v63  }
0xec: {  	_ =	swait.ge [sflag:s14], $0x800  }
0xed: {  	[sflag:s14] =	ssyncset.done $0x0  }
0xee: {  	[sflag:s14] =	ssyncadd.s32 $0xFFFFF800  }
0xef: {  	_ =	swait.ge [sflag:s21], $0x1000  }
0xf0: {  	[sflag:s21] =	ssyncset.done $0x0  }
0xf1: {  	[sflag:s21] =	ssyncadd.s32 $0xFFFFF000  }
0xf2: {  	[spmem:s3] =	stream.indirect.scatter.add.f32 [tilespmem:s26], [sflag:$0x7], $0x20, s9, s18, $0xb8;
	[tilespmem:$0x12D80] =	vst v63  }
0xf3: {  	_ =	swait.ge [sflag:s14], $0x1000  }
0xf4: {  	[sflag:s14] =	ssyncset.done $0x0  }
0xf5: {  	[sflag:s14] =	ssyncadd.s32 $0xFFFFF000  }
0xf6: {  	[spmem:s4] =	stream.indirect.scatter.add.f32 [tilespmem:s16], [sflag:$0x7], $0x10, s9, s18, $0xb8;
	[tilespmem:$0x12D80] =	vst v63  }
0xf7: {  	_ =	swait.ge [sflag:s14], $0x800  }
0xf8: {  	[sflag:s14] =	ssyncset.done $0x0  }
0xf9: {  	[sflag:s14] =	ssyncadd.s32 $0xFFFFF800  }
0xfa: {  	_ =	swait.ge [sflag:s25], $0x1000  }
0xfb: {  	[sflag:s25] =	ssyncset.done $0x0  }
0xfc: {  	[sflag:s25] =	ssyncadd.s32 $0xFFFFF000  }
0xfd: {  	[spmem:s3] =	stream.indirect.scatter.add.f32 [tilespmem:s29], [sflag:$0x7], $0x20, s10, s18, $0xb8;
	[tilespmem:$0x12D80] =	vst v63  }
0xfe: {  	_ =	swait.ge [sflag:s14], $0x1000  }
0xff: {  	[sflag:s14] =	ssyncset.done $0x0  }
0x100: {  	[sflag:s14] =	ssyncadd.s32 $0xFFFFF000  }
0x101: {  	[spmem:s4] =	stream.indirect.scatter.add.f32 [tilespmem:s16], [sflag:$0x7], $0x10, s10, s18, $0xb8;
	[tilespmem:$0x12D80] =	vst v63  }
0x102: {  	_ =	swait.ge [sflag:s14], $0x800  }
0x103: {  	[sflag:s14] =	ssyncset.done $0x0  }
0x104: {  	[sflag:s14] =	ssyncadd.s32 $0xFFFFF800  }
0x105: {  	_ =	swait.ge [sflag:s28], $0x1000  }
0x106: {  	[sflag:s28] =	ssyncset.done $0x0  }
0x107: {  	[sflag:s28] =	ssyncadd.s32 $0xFFFFF000  }
0x108: {  	[spmem:s3] =	stream.indirect.scatter.add.f32 [tilespmem:s31], [sflag:$0x7], $0x20, s11, s18, $0xb8;
	[tilespmem:$0x12D80] =	vst v63  }
0x109: {  	_ =	swait.ge [sflag:s14], $0x1000  }
0x10a: {  	[sflag:s14] =	ssyncset.done $0x0  }
0x10b: {  	[sflag:s14] =	ssyncadd.s32 $0xFFFFF000  }
0x10c: {  	[spmem:s4] =	stream.indirect.scatter.add.f32 [tilespmem:s16], [sflag:$0x7], $0x10, s11, s18, $0xb8;
	[tilespmem:$0x12D80] =	vst v63  }
0x10d: {  	_ =	swait.ge [sflag:s14], $0x800  }
0x10e: {  	[sflag:s14] =	ssyncset.done $0x0  }
0x10f: {  	[sflag:s14] =	ssyncadd.s32 $0xFFFFF800  }
0x110: {  	_ =	swait.ge [sflag:s2], $0x1000  }
0x111: {  	[sflag:s2] =	ssyncset.done $0x0  }
0x112: {  	[sflag:s2] =	ssyncadd.s32 $0xFFFFF000  }
0x113: {  	[spmem:s3] =	stream.indirect.scatter.add.f32 [tilespmem:s19], [sflag:$0x7], $0x20, s12, s18, $0xb8;
	[tilespmem:$0x12D80] =	vst v63  }
0x114: {  	_ =	swait.ge [sflag:s14], $0x1000  }
0x115: {  	[sflag:s14] =	ssyncset.done $0x0  }
0x116: {  	[sflag:s14] =	ssyncadd.s32 $0xFFFFF000  }
0x117: {  	[spmem:s4] =	stream.indirect.scatter.add.f32 [tilespmem:s16], [sflag:$0x7], $0x10, s12, s18, $0xb8;
	[tilespmem:$0x12D80] =	vst v63  }
0x118: {  	_ =	swait.ge [sflag:s14], $0x800  }
0x119: {  	[sflag:s14] =	ssyncset.done $0x0  }
0x11a: {  	[sflag:s14] =	ssyncadd.s32 $0xFFFFF800  }
0x11b: {  	[bflag:$0x0] =	sbarrier.arrive $0xFFFF  }
0x11c: {  	s30 =	rddreg [dreg:$0xb]  }
0x11d: {  	[hbm:s30], [sflag:s8] =	dma.local [spmem:s13], $0x9E0  }
0x11e: {  	_ =	swait.ge [sflag:s14], $0x9E0  }
0x11f: {  	[sflag:s14] =	ssyncset.done $0x0  }
0x120: {  	s24 =	rddreg [dreg:$0xc];
	[sflag:s14] =	ssyncadd.s32 $0xFFFFF620  }
0x121: {  	[hbm:s24], [sflag:s8] =	dma.local [spmem:s15], $0x4F0  }
0x122: {  	_ =	swait.ge [sflag:s14], $0x4F0  }
0x123: {  	s22 =	sadd.s32 $0x1, s22;
	s30 =	rddreg [dreg:$0xa]  }
0x124: {  	p0 =	sne.s32 s22, s30  }
.Ltmp1:
0x125: {  	_ = 	snop;
	(pc) =	sbr.rel @p0 .LBB2_1-.Ltmp1, $3  }
0x126: {  	_ =	sdelay $0x1  }
0x127: {  	[sflag:s14] =	ssyncset.done $0x0  }
0x128: {  	[sflag:s14] =	ssyncadd.s32 $0xFFFFFB10  }
0x129: {  	_ =	sfence.sel $0x180000  }
0x12a: {  	[bflag:$0x0] =	sbarrier.arrive $0xFFFF  }
0x12b: {  	_ =	strace $0x90000047  }
0x12c: {  	s0 =	stileid.u32;
	[bflag:$0x2] =	sbarrier.arrive $0xFFFF  }
0x12d: {  	p0 =	sne.s32 s0, $0x0;
	s0 =	rddreg [dreg:$0x4]  }
0x12e: {  	s0 =	sadd.s32 @!p0 $0x100000, s0  }
0x12f: {  	[sflag:s0] =	ssyncadd.tile.s32 @!p0 $0x1;
	_ =	shalt  }
.Lfunc_end2:
_tile_overlayer_lowered:
.L_overlay_start_2:
0x130: {  	(tag) =	ssettag $0x2  }
0x131: {  	s0 =	rddreg [dreg:$0x0];
	s2 =	stileid.u32  }
0x132: {  	s1 =	rddreg [dreg:$0x1];
	p0 =	sne.s32 s2, $0x0  }
0x133: {  	s3 =	rddreg [dreg:$0x2];
	[bflag:$0x3] =	sbarrier.arrive $0xFFFF;
	s2 =	simm.s32 @!p0 $0x1C07  }
0x134: {  	[timem:s3], [sflag:s2] =	dma.local @!p0 [hbm:s0], s1  }
0x135: {  	s0 =	simm.s32 @!p0 $0x7  }
0x136: {  	_ =	swait.ge @!p0 [sflag:s0], s1  }
0x137: {  	s1 =	ssub.s32 @!p0 $0x0, s1;
	[sflag:s0] =	ssyncset.done @!p0 $0x0  }
0x138: {  	[sflag:s0] =	ssyncadd.s32 @!p0 s1  }
0x139: {  	[bflag:$0x3] =	sbarrier.arrive $0xFFFF  }
0x13a: {  	_ =	shalt  }

</sc_bundles>
